<compile_context>
chip_gen: v7x
topology: tpu7x:2x2x1
jax: 0.10.2.dev20260603
libtpu: 0.0.44.dev20260713+nightly
codegen_flags: <defaults>
</compile_context>

<pallas_src>
import functools

import jax
import jax.numpy as jnp
from jax import lax
from jax.experimental import pallas as pl
from jax.experimental.pallas import tpu as pltpu
from jax.experimental.pallas import tpu_sc as plsc

HIDDEN = 768
INTER = 1024
NUM_EXPERTS = 64
TOPK = 2
S = 2048
SLOTS = S * TOPK
BT = 64
NT = NUM_EXPERTS + SLOTS // BT
NPAD = NT * BT
NW = 32
TPW = S // NW


def _sigmoid(x):
    return 1.0 / (1.0 + jnp.exp(-x))


def _router_body(hs_ref, rw_ref, srep_ref, pos_ref, meta_ref):
    x = hs_ref[...]
    w = rw_ref[...]
    logits = lax.dot_general(x, w, (((1,), (1,)), ((), ())),
                             preferred_element_type=jnp.float32)
    iota_e = lax.broadcasted_iota(jnp.int32, (S, NUM_EXPERTS), 1)
    big = jnp.int32(2**30)
    m0 = jnp.max(logits, axis=1)
    a0 = jnp.min(jnp.where(logits == m0[:, None], iota_e, big), axis=1)
    masked = jnp.where(iota_e == a0[:, None], -jnp.inf, logits)
    m1 = jnp.max(masked, axis=1)
    a1 = jnp.min(jnp.where(masked == m1[:, None], iota_e, big), axis=1)
    e1 = jnp.exp(m1 - m0)
    s0 = 1.0 / (1.0 + e1)
    s1 = e1 / (1.0 + e1)
    srep_ref[0, :, :] = jnp.broadcast_to(s0[:, None], (S, 128))
    srep_ref[1, :, :] = jnp.broadcast_to(s1[:, None], (S, 128))

    oh0 = (a0[:, None] == iota_e).astype(jnp.float32)
    oh1 = (a1[:, None] == iota_e).astype(jnp.float32)

    CB = 256
    r_i = lax.broadcasted_iota(jnp.int32, (CB, CB), 0)
    c_i = lax.broadcasted_iota(jnp.int32, (CB, CB), 1)
    l_incl = (r_i >= c_i).astype(jnp.float32)
    carry = jnp.zeros((1, NUM_EXPERTS), jnp.float32)
    ranks = []
    for half in (oh0, oh1):
        for k in range(S // CB):
            blk = half[k * CB:(k + 1) * CB, :]
            cum_in = lax.dot_general(l_incl, blk, (((1,), (0,)), ((), ())),
                                     preferred_element_type=jnp.float32) + carry
            rank_rows = cum_in - blk
            ranks.append(jnp.sum(rank_rows * blk, axis=1))
            carry = carry + jnp.sum(blk, axis=0, keepdims=True)
    counts = carry
    nchunk = S // CB

    n_e = jnp.floor((counts + (BT - 1)) * (1.0 / BT))
    iu_r = lax.broadcasted_iota(jnp.int32, (NUM_EXPERTS, NUM_EXPERTS), 0)
    iu_c = lax.broadcasted_iota(jnp.int32, (NUM_EXPERTS, NUM_EXPERTS), 1)
    u_incl = (iu_r <= iu_c).astype(jnp.float32)
    cumn_incl = lax.dot_general(n_e, u_incl, (((1,), (0,)), ((), ())),
                                preferred_element_type=jnp.float32)
    cumn_excl = cumn_incl - n_e
    base_e = cumn_excl * float(BT)

    base0 = jnp.sum(oh0 * base_e, axis=1)
    base1 = jnp.sum(oh1 * base_e, axis=1)
    for k in range(nchunk):
        sl = slice(k * CB, (k + 1) * CB)
        pos_ref[0, sl] = (base0[sl] + ranks[k]).astype(jnp.int32)
        pos_ref[1, sl] = (base1[sl] + ranks[nchunk + k]).astype(jnp.int32)

    jt = lax.broadcasted_iota(jnp.int32, (NT, NUM_EXPERTS), 0).astype(jnp.float32)
    owner = jnp.sum((jnp.broadcast_to(cumn_incl, (NT, NUM_EXPERTS)) <= jt)
                    .astype(jnp.int32), axis=1)
    valid = (owner < NUM_EXPERTS).astype(jnp.int32)
    iota_e1 = lax.broadcasted_iota(jnp.int32, (1, NUM_EXPERTS), 1)
    last_e = jnp.max(jnp.where(counts > 0.0, iota_e1, 0))
    meta_ref[0, :] = jnp.where(valid == 1, owner, last_e)
    meta_ref[1, :] = valid


def _router(hs2, router_w):
    return pl.pallas_call(
        _router_body,
        out_shape=(
            jax.ShapeDtypeStruct((2, S, 128), jnp.float32),
            jax.ShapeDtypeStruct((2, S), jnp.int32),
            jax.ShapeDtypeStruct((2, NT), jnp.int32),
        ),
    )(hs2, router_w)


def _sc_dispatch(hs2, pos0, pos1, srep):
    mesh = plsc.VectorSubcoreMesh(core_axis_name="c", subcore_axis_name="s")

    @functools.partial(
        pl.kernel, mesh=mesh,
        out_type=(
            jax.ShapeDtypeStruct((NPAD, HIDDEN), jnp.float32),
            jax.ShapeDtypeStruct((NPAD, 128), jnp.float32),
        ),
        scratch_types=[
            pltpu.VMEM((TPW,), jnp.int32),
            pltpu.VMEM((TPW, HIDDEN), jnp.float32),
            pltpu.VMEM((TPW, 128), jnp.float32),
            pltpu.SemaphoreType.DMA,
        ],
    )
    def k(hs_hbm, p0_hbm, p1_hbm, sr_hbm, xpad_hbm, spad_hbm,
          idx_v, rows_v, rep_v, sem):
        wid = lax.axis_index("s") * 2 + lax.axis_index("c")
        base = wid * TPW
        pltpu.sync_copy(hs_hbm.at[pl.ds(base, TPW)], rows_v)
        pltpu.sync_copy(p0_hbm.at[pl.ds(base, TPW)], idx_v)
        pltpu.async_copy(rows_v, xpad_hbm.at[idx_v], sem).wait()
        pltpu.sync_copy(sr_hbm.at[0, pl.ds(base, TPW)], rep_v)
        pltpu.async_copy(rep_v, spad_hbm.at[idx_v], sem).wait()
        pltpu.sync_copy(p1_hbm.at[pl.ds(base, TPW)], idx_v)
        pltpu.async_copy(rows_v, xpad_hbm.at[idx_v], sem).wait()
        pltpu.sync_copy(sr_hbm.at[1, pl.ds(base, TPW)], rep_v)
        pltpu.async_copy(rep_v, spad_hbm.at[idx_v], sem).wait()

    return k(hs2, pos0, pos1, srep)


BH = 256


def _grouped_body(meta_ref, x_ref, sc_ref, w1_ref, w2_ref, y_ref):
    j = pl.program_id(0)

    @pl.when(meta_ref[1, j] == 1)
    def _():
        x = x_ref[...]
        h = lax.dot_general(x, w1_ref[0], (((1,), (0,)), ((), ())),
                            preferred_element_type=jnp.float32)
        proj = h[:, :INTER]
        gate = h[:, INTER:]
        act = proj * _sigmoid(proj) * gate
        y = lax.dot_general(act, w2_ref[0], (((1,), (0,)), ((), ())),
                            preferred_element_type=jnp.float32)
        y_ref[...] = y * sc_ref[...][:, 0:1]


def _grouped(xpad, spad, fc1_w, fc2_w, meta):
    grid_spec = pltpu.PrefetchScalarGridSpec(
        num_scalar_prefetch=1,
        grid=(NT,),
        in_specs=[
            pl.BlockSpec((BT, HIDDEN), lambda j, m: (m[1, j] * j, 0)),
            pl.BlockSpec((BT, 128), lambda j, m: (m[1, j] * j, 0)),
            pl.BlockSpec((1, HIDDEN, 2 * INTER), lambda j, m: (m[0, j], 0, 0)),
            pl.BlockSpec((1, INTER, HIDDEN), lambda j, m: (m[0, j], 0, 0)),
        ],
        out_specs=pl.BlockSpec((BT, HIDDEN), lambda j, m: (j, 0)),
    )
    return pl.pallas_call(
        _grouped_body,
        grid_spec=grid_spec,
        out_shape=jax.ShapeDtypeStruct((NPAD, HIDDEN), jnp.float32),
    )(meta, xpad, spad, fc1_w, fc2_w)


def _shared_body(hs_ref, gw_ref, uw_ref, dw_ref, sh_ref):
    xs = hs_ref[...]
    g = lax.dot_general(xs, gw_ref[...], (((1,), (1,)), ((), ())),
                        preferred_element_type=jnp.float32)
    u = lax.dot_general(xs, uw_ref[...], (((1,), (1,)), ((), ())),
                        preferred_element_type=jnp.float32)
    act_s = g * _sigmoid(g) * u
    sh_ref[...] = lax.dot_general(act_s, dw_ref[...], (((1,), (1,)), ((), ())),
                                  preferred_element_type=jnp.float32)


def _shared(hs2, gate_w, up_w, down_w):
    nb = S // BH
    return pl.pallas_call(
        _shared_body,
        grid=(nb,),
        in_specs=[
            pl.BlockSpec((BH, HIDDEN), lambda j: (j, 0)),
            pl.BlockSpec((2 * INTER, HIDDEN), lambda j: (0, 0)),
            pl.BlockSpec((2 * INTER, HIDDEN), lambda j: (0, 0)),
            pl.BlockSpec((HIDDEN, 2 * INTER), lambda j: (0, 0)),
        ],
        out_specs=pl.BlockSpec((BH, HIDDEN), lambda j: (j, 0)),
        out_shape=jax.ShapeDtypeStruct((S, HIDDEN), jnp.float32),
    )(hs2, gate_w, up_w, down_w)


def _sc_tail(ypad, pos0, pos1, sh):
    mesh = plsc.VectorSubcoreMesh(core_axis_name="c", subcore_axis_name="s")

    @functools.partial(
        pl.kernel, mesh=mesh,
        out_type=jax.ShapeDtypeStruct((S, HIDDEN), jnp.float32),
        scratch_types=[
            pltpu.VMEM((TPW,), jnp.int32),
            pltpu.VMEM((TPW, HIDDEN), jnp.float32),
            pltpu.VMEM((TPW, HIDDEN), jnp.float32),
            pltpu.SemaphoreType.DMA,
        ],
    )
    def k(ypad_hbm, p0_hbm, p1_hbm, sh_hbm, out_hbm,
          idx_v, rows_v, acc, sem):
        c = lax.axis_index("c")
        sid = lax.axis_index("s")
        base = c * (S // 2) + sid * TPW

        def _acc_rows(t, _):
            for h in range(HIDDEN // 16):
                sl = pl.ds(h * 16, 16)
                acc[t, sl] = acc[t, sl] + rows_v[t, sl]
            return 0

        pltpu.sync_copy(sh_hbm.at[pl.ds(base, TPW)], acc)
        pltpu.sync_copy(p0_hbm.at[pl.ds(base, TPW)], idx_v)
        pltpu.async_copy(ypad_hbm.at[idx_v], rows_v, sem).wait()
        lax.fori_loop(0, TPW, _acc_rows, 0)
        pltpu.sync_copy(p1_hbm.at[pl.ds(base, TPW)], idx_v)
        pltpu.async_copy(ypad_hbm.at[idx_v], rows_v, sem).wait()
        lax.fori_loop(0, TPW, _acc_rows, 0)
        pltpu.sync_copy(acc, out_hbm.at[pl.ds(base, TPW)])

    return k(ypad, pos0, pos1, sh)


def kernel(hidden_states, router_w, fc1_w, fc2_w, gate_w, up_w, down_w):
    orig_shape = hidden_states.shape
    hs2 = hidden_states.reshape(S, HIDDEN)
    srep, pos, meta = _router(hs2, router_w)
    pos0 = pos[0]
    pos1 = pos[1]
    xpad, spad = _sc_dispatch(hs2, pos0, pos1, srep)
    sh = _shared(hs2, gate_w, up_w, down_w)
    ypad = _grouped(xpad, spad, fc1_w, fc2_w, meta)
    out = _sc_tail(ypad, pos0, pos1, sh)
    return out.reshape(orig_shape)

# --- scband reference (transcript-rebuilt; emitter-appended) ---
"""Pipeline reference for scband-aria-text-mo-elayer-64544768524491 (READ-ONLY COPY).

The authoritative reference and input builder live on the scoring server;
editing this copy changes nothing except your own understanding.
"""

import jax, jax.numpy as jnp
import numpy as np

HIDDEN = 768
INTER = 1024
NUM_EXPERTS = 64
TOPK = 2
NUM_SHARED = 2
B = 1
S = 2048


def setup_inputs(seed: int = 0) -> dict:
    key = jax.random.key(seed)
    ks = jax.random.split(key, 7)
    hidden_states = jax.random.normal(ks[0], (B, S, HIDDEN), dtype=jnp.float32)
    router_w = jax.random.normal(ks[1], (NUM_EXPERTS, HIDDEN), dtype=jnp.float32) * 0.02
    fc1_w = jax.random.normal(ks[2], (NUM_EXPERTS, HIDDEN, 2 * INTER), dtype=jnp.float32) * 0.02
    fc2_w = jax.random.normal(ks[3], (NUM_EXPERTS, INTER, HIDDEN), dtype=jnp.float32) * 0.02
    gate_w = jax.random.normal(ks[4], (NUM_SHARED * INTER, HIDDEN), dtype=jnp.float32) * 0.02
    up_w = jax.random.normal(ks[5], (NUM_SHARED * INTER, HIDDEN), dtype=jnp.float32) * 0.02
    down_w = jax.random.normal(ks[6], (HIDDEN, NUM_SHARED * INTER), dtype=jnp.float32) * 0.02
    return {"hidden_states": hidden_states, "router_w": router_w, "fc1_w": fc1_w, "fc2_w": fc2_w, "gate_w": gate_w, "up_w": up_w, "down_w": down_w}


def _grouped_gemm(tokens, weights, expert_ids):
    # sequential_experts_gemm: per-token expert-selected matmul over sorted tokens
    out = jnp.zeros((tokens.shape[0], weights.shape[2]), dtype=tokens.dtype)
    for e in range(weights.shape[0]):
        out = jnp.where((expert_ids == e)[:, None], tokens @ weights[e], out)
    return out


def reference(hidden_states, router_w, fc1_w, fc2_w, gate_w, up_w, down_w):
    orig_shape = hidden_states.shape
    hs = hidden_states.reshape(-1, orig_shape[-1])
    # router
    logits = hs @ router_w.T
    top_logits, top_indices = jax.lax.top_k(logits, TOPK)
    scores = jax.nn.softmax(top_logits, axis=-1)
    flat = top_indices.reshape(-1)
    sorted_indices = jnp.argsort(flat)
    permuted = hs[sorted_indices // TOPK]
    expert_ids = flat[sorted_indices]
    # grouped experts MLP (gated silu)
    fc1_out = _grouped_gemm(permuted, fc1_w, expert_ids)
    proj, gate = jnp.split(fc1_out, 2, axis=-1)
    act = jax.nn.silu(proj) * gate
    expert_out = _grouped_gemm(act, fc2_w, expert_ids)
    # unpermute (scatter-overwrite, indices are a permutation)
    unperm = jnp.zeros((hs.shape[0] * TOPK, expert_out.shape[1]), dtype=expert_out.dtype).at[sorted_indices].set(expert_out)
    unperm = unperm.reshape(-1, TOPK, expert_out.shape[1])
    moe_out = (unperm * scores[:, :, None]).sum(axis=1).reshape(orig_shape)
    # shared experts (LlamaMLP with widened intermediate)
    shared = (jax.nn.silu(hs @ gate_w.T) * (hs @ up_w.T)) @ down_w.T
    return moe_out + shared.reshape(orig_shape)

if __name__ == "__main__":
    import jax
    _d = setup_inputs()
    print(jax.jit(kernel)(*tuple(_d.values())))

</pallas_src>

<mosaic_0001>
#map = affine_map<(d0, d1) -> (0, 0)>
#map1 = affine_map<(d0, d1) -> (0)>
#map2 = affine_map<(d0, d1) -> (0, 0, 0)>
module attributes {stable_mosaic.version = 14 : i64} {
  func.func @k(%arg0: i32, %arg1: i32, %arg2: memref<2048x768xf32, #tpu.memory_space<hbm>>, %arg3: memref<2048xi32, #tpu.memory_space<hbm>>, %arg4: memref<2048xi32, #tpu.memory_space<hbm>>, %arg5: memref<2x2048x128xf32, #tpu.memory_space<hbm>>, %arg6: memref<8192x768xf32, #tpu.memory_space<hbm>>, %arg7: memref<8192x128xf32, #tpu.memory_space<hbm>>, %arg8: memref<64xi32, #tpu.memory_space<vmem>>, %arg9: memref<64x768xf32, #tpu.memory_space<vmem>>, %arg10: memref<64x128xf32, #tpu.memory_space<vmem>>, %arg11: memref<!tpu.dma_semaphore, #tpu.memory_space<semaphore_mem>>) attributes {dimension_semantics = [#tpu.dimension_semantics<core_parallel>, #tpu.dimension_semantics<subcore_parallel>], iteration_bounds = array<i64: 2, 16>, scalar_prefetch = 0 : i64, scratch_operands = 4 : i64, tpu.core_type = #tpu.core_type<sc_vector_subcore>, window_params = [{transform_indices = #map}, {transform_indices = #map1}, {transform_indices = #map1}, {transform_indices = #map2}, {transform_indices = #map}, {transform_indices = #map}]} {
    %mul3A = arith.constant 2 : i32
    %mul3A_0 = arith.muli %arg1, %mul3A : i32
    %add3A = arith.addi %mul3A_0, %arg0 : i32
    %mul3A_1 = arith.constant 64 : i32
    %mul3A_2 = arith.muli %add3A, %mul3A_1 : i32
    "tpu.region"() ({
      %run_scoped3A_26 = tpu.sem_alloc : memref<!tpu.dma_semaphore, #tpu.memory_space<semaphore_mem>>
      %dma_start3A_27 = arith.constant 0 : i32
      %dma_start3A_28 = tpu.memref_slice %arg2[%mul3A_2, %dma_start3A_27] : memref<2048x768xf32, #tpu.memory_space<hbm>> -> memref<64x768xf32, #tpu.memory_space<hbm>>
      %dma_start3A_29 = arith.constant 0 : i32
      %dma_start3A_30 = tpu.memref_slice %arg2[%mul3A_2, %dma_start3A_29] : memref<2048x768xf32, #tpu.memory_space<hbm>> -> memref<64x768xf32, #tpu.memory_space<hbm>>
      tpu.enqueue_dma source(%dma_start3A_30 : memref<64x768xf32, #tpu.memory_space<hbm>>) target(%arg9 : memref<64x768xf32, #tpu.memory_space<vmem>>) target_semaphore(%run_scoped3A_26 : memref<!tpu.dma_semaphore, #tpu.memory_space<semaphore_mem>>)
      %dma_wait3A_31 = arith.constant 0 : i32
      %dma_wait3A_32 = tpu.memref_slice %arg2[%mul3A_2, %dma_wait3A_31] : memref<2048x768xf32, #tpu.memory_space<hbm>> -> memref<64x768xf32, #tpu.memory_space<hbm>>
      %dma_wait3A_33 = arith.constant 0 : i32
      %dma_wait3A_34 = tpu.memref_slice %arg2[%mul3A_2, %dma_wait3A_33] : memref<2048x768xf32, #tpu.memory_space<hbm>> -> memref<64x768xf32, #tpu.memory_space<hbm>>
      tpu.wait_dma2 semaphore(%run_scoped3A_26 : memref<!tpu.dma_semaphore, #tpu.memory_space<semaphore_mem>>) src(%dma_wait3A_34 : memref<64x768xf32, #tpu.memory_space<hbm>>) dst(%arg9 : memref<64x768xf32, #tpu.memory_space<vmem>>)
      tpu.yield
    }) : () -> ()
    "tpu.region"() ({
      %run_scoped3A_26 = tpu.sem_alloc : memref<!tpu.dma_semaphore, #tpu.memory_space<semaphore_mem>>
      %dma_start3A_27 = tpu.memref_slice %arg3[%mul3A_2] : memref<2048xi32, #tpu.memory_space<hbm>> -> memref<64xi32, #tpu.memory_space<hbm>>
      %dma_start3A_28 = tpu.memref_slice %arg3[%mul3A_2] : memref<2048xi32, #tpu.memory_space<hbm>> -> memref<64xi32, #tpu.memory_space<hbm>>
      tpu.enqueue_dma source(%dma_start3A_28 : memref<64xi32, #tpu.memory_space<hbm>>) target(%arg8 : memref<64xi32, #tpu.memory_space<vmem>>) target_semaphore(%run_scoped3A_26 : memref<!tpu.dma_semaphore, #tpu.memory_space<semaphore_mem>>)
      %dma_wait3A_29 = tpu.memref_slice %arg3[%mul3A_2] : memref<2048xi32, #tpu.memory_space<hbm>> -> memref<64xi32, #tpu.memory_space<hbm>>
      %dma_wait3A_30 = tpu.memref_slice %arg3[%mul3A_2] : memref<2048xi32, #tpu.memory_space<hbm>> -> memref<64xi32, #tpu.memory_space<hbm>>
      tpu.wait_dma2 semaphore(%run_scoped3A_26 : memref<!tpu.dma_semaphore, #tpu.memory_space<semaphore_mem>>) src(%dma_wait3A_30 : memref<64xi32, #tpu.memory_space<hbm>>) dst(%arg8 : memref<64xi32, #tpu.memory_space<vmem>>)
      tpu.yield
    }) : () -> ()
    %dma_start3A = arith.constant 0 : i32
    %dma_start3A_3 = arith.constant 0 : i32
    %dma_start3A_4 = tpu.memref_slice %arg6[%dma_start3A, %dma_start3A_3] : memref<8192x768xf32, #tpu.memory_space<hbm>> -> memref<8192x768xf32, #tpu.memory_space<hbm>>
    tpu.enqueue_indirect_dma source(%arg9 : memref<64x768xf32, #tpu.memory_space<vmem>>) target(%dma_start3A_4 : memref<8192x768xf32, #tpu.memory_space<hbm>>) offsets(%arg8 : memref<64xi32, #tpu.memory_space<vmem>>) semaphore(%arg11 : memref<!tpu.dma_semaphore, #tpu.memory_space<semaphore_mem>>)
    %dma_wait3A = arith.constant 0 : i32
    %dma_wait3A_5 = arith.constant 0 : i32
    %dma_wait3A_6 = tpu.memref_slice %arg6[%dma_wait3A, %dma_wait3A_5] : memref<8192x768xf32, #tpu.memory_space<hbm>> -> memref<8192x768xf32, #tpu.memory_space<hbm>>
    tpu.wait_indirect_dma semaphore(%arg11 : memref<!tpu.dma_semaphore, #tpu.memory_space<semaphore_mem>>) src(%arg9 : memref<64x768xf32, #tpu.memory_space<vmem>>) dst(%dma_wait3A_6 : memref<8192x768xf32, #tpu.memory_space<hbm>>)
    %run_scoped3A = arith.constant 0 : i32
    "tpu.region"() ({
      %run_scoped3A_26 = tpu.sem_alloc : memref<!tpu.dma_semaphore, #tpu.memory_space<semaphore_mem>>
      %dma_start3A_27 = arith.constant 0 : i32
      %dma_start3A_28 = tpu.memref_slice %arg5[%run_scoped3A, %mul3A_2, %dma_start3A_27] : memref<2x2048x128xf32, #tpu.memory_space<hbm>> -> memref<1x64x128xf32, #tpu.memory_space<hbm>>
      %dma_start3A_29 = tpu.memref_squeeze %dma_start3A_28 : memref<1x64x128xf32, #tpu.memory_space<hbm>> -> memref<64x128xf32, #tpu.memory_space<hbm>>
      %dma_start3A_30 = arith.constant 0 : i32
      %dma_start3A_31 = tpu.memref_slice %arg5[%run_scoped3A, %mul3A_2, %dma_start3A_30] : memref<2x2048x128xf32, #tpu.memory_space<hbm>> -> memref<1x64x128xf32, #tpu.memory_space<hbm>>
      %dma_start3A_32 = tpu.memref_squeeze %dma_start3A_31 : memref<1x64x128xf32, #tpu.memory_space<hbm>> -> memref<64x128xf32, #tpu.memory_space<hbm>>
      tpu.enqueue_dma source(%dma_start3A_32 : memref<64x128xf32, #tpu.memory_space<hbm>>) target(%arg10 : memref<64x128xf32, #tpu.memory_space<vmem>>) target_semaphore(%run_scoped3A_26 : memref<!tpu.dma_semaphore, #tpu.memory_space<semaphore_mem>>)
      %dma_wait3A_33 = arith.constant 0 : i32
      %dma_wait3A_34 = tpu.memref_slice %arg5[%run_scoped3A, %mul3A_2, %dma_wait3A_33] : memref<2x2048x128xf32, #tpu.memory_space<hbm>> -> memref<1x64x128xf32, #tpu.memory_space<hbm>>
      %dma_wait3A_35 = tpu.memref_squeeze %dma_wait3A_34 : memref<1x64x128xf32, #tpu.memory_space<hbm>> -> memref<64x128xf32, #tpu.memory_space<hbm>>
      %dma_wait3A_36 = arith.constant 0 : i32
      %dma_wait3A_37 = tpu.memref_slice %arg5[%run_scoped3A, %mul3A_2, %dma_wait3A_36] : memref<2x2048x128xf32, #tpu.memory_space<hbm>> -> memref<1x64x128xf32, #tpu.memory_space<hbm>>
      %dma_wait3A_38 = tpu.memref_squeeze %dma_wait3A_37 : memref<1x64x128xf32, #tpu.memory_space<hbm>> -> memref<64x128xf32, #tpu.memory_space<hbm>>
      tpu.wait_dma2 semaphore(%run_scoped3A_26 : memref<!tpu.dma_semaphore, #tpu.memory_space<semaphore_mem>>) src(%dma_wait3A_38 : memref<64x128xf32, #tpu.memory_space<hbm>>) dst(%arg10 : memref<64x128xf32, #tpu.memory_space<vmem>>)
      tpu.yield
    }) : () -> ()
    %dma_start3A_7 = arith.constant 0 : i32
    %dma_start3A_8 = arith.constant 0 : i32
    %dma_start3A_9 = tpu.memref_slice %arg7[%dma_start3A_7, %dma_start3A_8] : memref<8192x128xf32, #tpu.memory_space<hbm>> -> memref<8192x128xf32, #tpu.memory_space<hbm>>
    tpu.enqueue_indirect_dma source(%arg10 : memref<64x128xf32, #tpu.memory_space<vmem>>) target(%dma_start3A_9 : memref<8192x128xf32, #tpu.memory_space<hbm>>) offsets(%arg8 : memref<64xi32, #tpu.memory_space<vmem>>) semaphore(%arg11 : memref<!tpu.dma_semaphore, #tpu.memory_space<semaphore_mem>>)
    %dma_wait3A_10 = arith.constant 0 : i32
    %dma_wait3A_11 = arith.constant 0 : i32
    %dma_wait3A_12 = tpu.memref_slice %arg7[%dma_wait3A_10, %dma_wait3A_11] : memref<8192x128xf32, #tpu.memory_space<hbm>> -> memref<8192x128xf32, #tpu.memory_space<hbm>>
    tpu.wait_indirect_dma semaphore(%arg11 : memref<!tpu.dma_semaphore, #tpu.memory_space<semaphore_mem>>) src(%arg10 : memref<64x128xf32, #tpu.memory_space<vmem>>) dst(%dma_wait3A_12 : memref<8192x128xf32, #tpu.memory_space<hbm>>)
    "tpu.region"() ({
      %run_scoped3A_26 = tpu.sem_alloc : memref<!tpu.dma_semaphore, #tpu.memory_space<semaphore_mem>>
      %dma_start3A_27 = tpu.memref_slice %arg4[%mul3A_2] : memref<2048xi32, #tpu.memory_space<hbm>> -> memref<64xi32, #tpu.memory_space<hbm>>
      %dma_start3A_28 = tpu.memref_slice %arg4[%mul3A_2] : memref<2048xi32, #tpu.memory_space<hbm>> -> memref<64xi32, #tpu.memory_space<hbm>>
      tpu.enqueue_dma source(%dma_start3A_28 : memref<64xi32, #tpu.memory_space<hbm>>) target(%arg8 : memref<64xi32, #tpu.memory_space<vmem>>) target_semaphore(%run_scoped3A_26 : memref<!tpu.dma_semaphore, #tpu.memory_space<semaphore_mem>>)
      %dma_wait3A_29 = tpu.memref_slice %arg4[%mul3A_2] : memref<2048xi32, #tpu.memory_space<hbm>> -> memref<64xi32, #tpu.memory_space<hbm>>
      %dma_wait3A_30 = tpu.memref_slice %arg4[%mul3A_2] : memref<2048xi32, #tpu.memory_space<hbm>> -> memref<64xi32, #tpu.memory_space<hbm>>
      tpu.wait_dma2 semaphore(%run_scoped3A_26 : memref<!tpu.dma_semaphore, #tpu.memory_space<semaphore_mem>>) src(%dma_wait3A_30 : memref<64xi32, #tpu.memory_space<hbm>>) dst(%arg8 : memref<64xi32, #tpu.memory_space<vmem>>)
      tpu.yield
    }) : () -> ()
    %dma_start3A_13 = arith.constant 0 : i32
    %dma_start3A_14 = arith.constant 0 : i32
    %dma_start3A_15 = tpu.memref_slice %arg6[%dma_start3A_13, %dma_start3A_14] : memref<8192x768xf32, #tpu.memory_space<hbm>> -> memref<8192x768xf32, #tpu.memory_space<hbm>>
    tpu.enqueue_indirect_dma source(%arg9 : memref<64x768xf32, #tpu.memory_space<vmem>>) target(%dma_start3A_15 : memref<8192x768xf32, #tpu.memory_space<hbm>>) offsets(%arg8 : memref<64xi32, #tpu.memory_space<vmem>>) semaphore(%arg11 : memref<!tpu.dma_semaphore, #tpu.memory_space<semaphore_mem>>)
    %dma_wait3A_16 = arith.constant 0 : i32
    %dma_wait3A_17 = arith.constant 0 : i32
    %dma_wait3A_18 = tpu.memref_slice %arg6[%dma_wait3A_16, %dma_wait3A_17] : memref<8192x768xf32, #tpu.memory_space<hbm>> -> memref<8192x768xf32, #tpu.memory_space<hbm>>
    tpu.wait_indirect_dma semaphore(%arg11 : memref<!tpu.dma_semaphore, #tpu.memory_space<semaphore_mem>>) src(%arg9 : memref<64x768xf32, #tpu.memory_space<vmem>>) dst(%dma_wait3A_18 : memref<8192x768xf32, #tpu.memory_space<hbm>>)
    %run_scoped3A_19 = arith.constant 1 : i32
    "tpu.region"() ({
      %run_scoped3A_26 = tpu.sem_alloc : memref<!tpu.dma_semaphore, #tpu.memory_space<semaphore_mem>>
      %dma_start3A_27 = arith.constant 0 : i32
      %dma_start3A_28 = tpu.memref_slice %arg5[%run_scoped3A_19, %mul3A_2, %dma_start3A_27] : memref<2x2048x128xf32, #tpu.memory_space<hbm>> -> memref<1x64x128xf32, #tpu.memory_space<hbm>>
      %dma_start3A_29 = tpu.memref_squeeze %dma_start3A_28 : memref<1x64x128xf32, #tpu.memory_space<hbm>> -> memref<64x128xf32, #tpu.memory_space<hbm>>
      %dma_start3A_30 = arith.constant 0 : i32
      %dma_start3A_31 = tpu.memref_slice %arg5[%run_scoped3A_19, %mul3A_2, %dma_start3A_30] : memref<2x2048x128xf32, #tpu.memory_space<hbm>> -> memref<1x64x128xf32, #tpu.memory_space<hbm>>
      %dma_start3A_32 = tpu.memref_squeeze %dma_start3A_31 : memref<1x64x128xf32, #tpu.memory_space<hbm>> -> memref<64x128xf32, #tpu.memory_space<hbm>>
      tpu.enqueue_dma source(%dma_start3A_32 : memref<64x128xf32, #tpu.memory_space<hbm>>) target(%arg10 : memref<64x128xf32, #tpu.memory_space<vmem>>) target_semaphore(%run_scoped3A_26 : memref<!tpu.dma_semaphore, #tpu.memory_space<semaphore_mem>>)
      %dma_wait3A_33 = arith.constant 0 : i32
      %dma_wait3A_34 = tpu.memref_slice %arg5[%run_scoped3A_19, %mul3A_2, %dma_wait3A_33] : memref<2x2048x128xf32, #tpu.memory_space<hbm>> -> memref<1x64x128xf32, #tpu.memory_space<hbm>>
      %dma_wait3A_35 = tpu.memref_squeeze %dma_wait3A_34 : memref<1x64x128xf32, #tpu.memory_space<hbm>> -> memref<64x128xf32, #tpu.memory_space<hbm>>
      %dma_wait3A_36 = arith.constant 0 : i32
      %dma_wait3A_37 = tpu.memref_slice %arg5[%run_scoped3A_19, %mul3A_2, %dma_wait3A_36] : memref<2x2048x128xf32, #tpu.memory_space<hbm>> -> memref<1x64x128xf32, #tpu.memory_space<hbm>>
      %dma_wait3A_38 = tpu.memref_squeeze %dma_wait3A_37 : memref<1x64x128xf32, #tpu.memory_space<hbm>> -> memref<64x128xf32, #tpu.memory_space<hbm>>
      tpu.wait_dma2 semaphore(%run_scoped3A_26 : memref<!tpu.dma_semaphore, #tpu.memory_space<semaphore_mem>>) src(%dma_wait3A_38 : memref<64x128xf32, #tpu.memory_space<hbm>>) dst(%arg10 : memref<64x128xf32, #tpu.memory_space<vmem>>)
      tpu.yield
    }) : () -> ()
    %dma_start3A_20 = arith.constant 0 : i32
    %dma_start3A_21 = arith.constant 0 : i32
    %dma_start3A_22 = tpu.memref_slice %arg7[%dma_start3A_20, %dma_start3A_21] : memref<8192x128xf32, #tpu.memory_space<hbm>> -> memref<8192x128xf32, #tpu.memory_space<hbm>>
    tpu.enqueue_indirect_dma source(%arg10 : memref<64x128xf32, #tpu.memory_space<vmem>>) target(%dma_start3A_22 : memref<8192x128xf32, #tpu.memory_space<hbm>>) offsets(%arg8 : memref<64xi32, #tpu.memory_space<vmem>>) semaphore(%arg11 : memref<!tpu.dma_semaphore, #tpu.memory_space<semaphore_mem>>)
    %dma_wait3A_23 = arith.constant 0 : i32
    %dma_wait3A_24 = arith.constant 0 : i32
    %dma_wait3A_25 = tpu.memref_slice %arg7[%dma_wait3A_23, %dma_wait3A_24] : memref<8192x128xf32, #tpu.memory_space<hbm>> -> memref<8192x128xf32, #tpu.memory_space<hbm>>
    tpu.wait_indirect_dma semaphore(%arg11 : memref<!tpu.dma_semaphore, #tpu.memory_space<semaphore_mem>>) src(%arg10 : memref<64x128xf32, #tpu.memory_space<vmem>>) dst(%dma_wait3A_25 : memref<8192x128xf32, #tpu.memory_space<hbm>>)
    return
  }
}

#map = affine_map<(d0, d1) -> (0, 0)>
#map1 = affine_map<(d0, d1) -> (0)>
module attributes {stable_mosaic.version = 14 : i64} {
  func.func @k(%arg0: i32, %arg1: i32, %arg2: memref<8192x768xf32, #tpu.memory_space<hbm>>, %arg3: memref<2048xi32, #tpu.memory_space<hbm>>, %arg4: memref<2048xi32, #tpu.memory_space<hbm>>, %arg5: memref<2048x768xf32, #tpu.memory_space<hbm>>, %arg6: memref<2048x768xf32, #tpu.memory_space<hbm>>, %arg7: memref<64xi32, #tpu.memory_space<vmem>>, %arg8: memref<64x768xf32, #tpu.memory_space<vmem>>, %arg9: memref<64x768xf32, #tpu.memory_space<vmem>>, %arg10: memref<!tpu.dma_semaphore, #tpu.memory_space<semaphore_mem>>) attributes {dimension_semantics = [#tpu.dimension_semantics<core_parallel>, #tpu.dimension_semantics<subcore_parallel>], iteration_bounds = array<i64: 2, 16>, scalar_prefetch = 0 : i64, scratch_operands = 4 : i64, tpu.core_type = #tpu.core_type<sc_vector_subcore>, window_params = [{transform_indices = #map}, {transform_indices = #map1}, {transform_indices = #map1}, {transform_indices = #map}, {transform_indices = #map}]} {
    %mul3A = arith.constant 1024 : i32
    %mul3A_0 = arith.muli %arg0, %mul3A : i32
    %mul3A_1 = arith.constant 64 : i32
    %mul3A_2 = arith.muli %arg1, %mul3A_1 : i32
    %add3A = arith.addi %mul3A_0, %mul3A_2 : i32
    "tpu.region"() ({
      %run_scoped3A = tpu.sem_alloc : memref<!tpu.dma_semaphore, #tpu.memory_space<semaphore_mem>>
      %dma_start3A_26 = arith.constant 0 : i32
      %dma_start3A_27 = tpu.memref_slice %arg5[%add3A, %dma_start3A_26] : memref<2048x768xf32, #tpu.memory_space<hbm>> -> memref<64x768xf32, #tpu.memory_space<hbm>>
      %dma_start3A_28 = arith.constant 0 : i32
      %dma_start3A_29 = tpu.memref_slice %arg5[%add3A, %dma_start3A_28] : memref<2048x768xf32, #tpu.memory_space<hbm>> -> memref<64x768xf32, #tpu.memory_space<hbm>>
      tpu.enqueue_dma source(%dma_start3A_29 : memref<64x768xf32, #tpu.memory_space<hbm>>) target(%arg9 : memref<64x768xf32, #tpu.memory_space<vmem>>) target_semaphore(%run_scoped3A : memref<!tpu.dma_semaphore, #tpu.memory_space<semaphore_mem>>)
      %dma_wait3A_30 = arith.constant 0 : i32
      %dma_wait3A_31 = tpu.memref_slice %arg5[%add3A, %dma_wait3A_30] : memref<2048x768xf32, #tpu.memory_space<hbm>> -> memref<64x768xf32, #tpu.memory_space<hbm>>
      %dma_wait3A_32 = arith.constant 0 : i32
      %dma_wait3A_33 = tpu.memref_slice %arg5[%add3A, %dma_wait3A_32] : memref<2048x768xf32, #tpu.memory_space<hbm>> -> memref<64x768xf32, #tpu.memory_space<hbm>>
      tpu.wait_dma2 semaphore(%run_scoped3A : memref<!tpu.dma_semaphore, #tpu.memory_space<semaphore_mem>>) src(%dma_wait3A_33 : memref<64x768xf32, #tpu.memory_space<hbm>>) dst(%arg9 : memref<64x768xf32, #tpu.memory_space<vmem>>)
      tpu.yield
    }) : () -> ()
    "tpu.region"() ({
      %run_scoped3A = tpu.sem_alloc : memref<!tpu.dma_semaphore, #tpu.memory_space<semaphore_mem>>
      %dma_start3A_26 = tpu.memref_slice %arg3[%add3A] : memref<2048xi32, #tpu.memory_space<hbm>> -> memref<64xi32, #tpu.memory_space<hbm>>
      %dma_start3A_27 = tpu.memref_slice %arg3[%add3A] : memref<2048xi32, #tpu.memory_space<hbm>> -> memref<64xi32, #tpu.memory_space<hbm>>
      tpu.enqueue_dma source(%dma_start3A_27 : memref<64xi32, #tpu.memory_space<hbm>>) target(%arg7 : memref<64xi32, #tpu.memory_space<vmem>>) target_semaphore(%run_scoped3A : memref<!tpu.dma_semaphore, #tpu.memory_space<semaphore_mem>>)
      %dma_wait3A_28 = tpu.memref_slice %arg3[%add3A] : memref<2048xi32, #tpu.memory_space<hbm>> -> memref<64xi32, #tpu.memory_space<hbm>>
      %dma_wait3A_29 = tpu.memref_slice %arg3[%add3A] : memref<2048xi32, #tpu.memory_space<hbm>> -> memref<64xi32, #tpu.memory_space<hbm>>
      tpu.wait_dma2 semaphore(%run_scoped3A : memref<!tpu.dma_semaphore, #tpu.memory_space<semaphore_mem>>) src(%dma_wait3A_29 : memref<64xi32, #tpu.memory_space<hbm>>) dst(%arg7 : memref<64xi32, #tpu.memory_space<vmem>>)
      tpu.yield
    }) : () -> ()
    %dma_start3A = arith.constant 0 : i32
    %dma_start3A_3 = arith.constant 0 : i32
    %dma_start3A_4 = tpu.memref_slice %arg2[%dma_start3A, %dma_start3A_3] : memref<8192x768xf32, #tpu.memory_space<hbm>> -> memref<8192x768xf32, #tpu.memory_space<hbm>>
    tpu.enqueue_indirect_dma source(%dma_start3A_4 : memref<8192x768xf32, #tpu.memory_space<hbm>>) target(%arg8 : memref<64x768xf32, #tpu.memory_space<vmem>>) offsets(%arg7 : memref<64xi32, #tpu.memory_space<vmem>>) semaphore(%arg10 : memref<!tpu.dma_semaphore, #tpu.memory_space<semaphore_mem>>)
    %dma_wait3A = arith.constant 0 : i32
    %dma_wait3A_5 = arith.constant 0 : i32
    %dma_wait3A_6 = tpu.memref_slice %arg2[%dma_wait3A, %dma_wait3A_5] : memref<8192x768xf32, #tpu.memory_space<hbm>> -> memref<8192x768xf32, #tpu.memory_space<hbm>>
    tpu.wait_indirect_dma semaphore(%arg10 : memref<!tpu.dma_semaphore, #tpu.memory_space<semaphore_mem>>) src(%dma_wait3A_6 : memref<8192x768xf32, #tpu.memory_space<hbm>>) dst(%arg8 : memref<64x768xf32, #tpu.memory_space<vmem>>)
    %scan3A = arith.constant 0 : i32
    %scan3A_7 = arith.constant 0 : i32
    %scan3A_8 = arith.constant 64 : i32
    %scan3A_9 = arith.addi %scan3A_7, %scan3A_8 : i32
    %scan3A_10 = arith.constant 1 : i32
    %scan3A_11 = scf.for %scan3A_26 = %scan3A_7 to %scan3A_9 step %scan3A_10 iter_args(%scan3A_27 = %scan3A) -> (i32)  : i32 {
      %get3A = arith.index_cast %scan3A_26 : i32 to index
      %get3A_28 = arith.constant 0 : index
      %get3A_29 = tpu.vector_load %arg9[%get3A, %get3A_28] {strides = array<i32>} : memref<64x768xf32, #tpu.memory_space<vmem>>, vector<1x16xf32>,
      %get3A_30 = vector.shape_cast %get3A_29 : vector<1x16xf32> to vector<16xf32>
      %get3A_31 = arith.index_cast %scan3A_26 : i32 to index
      %get3A_32 = arith.constant 0 : index
      %get3A_33 = tpu.vector_load %arg8[%get3A_31, %get3A_32] {strides = array<i32>} : memref<64x768xf32, #tpu.memory_space<vmem>>, vector<1x16xf32>,
      %get3A_34 = vector.shape_cast %get3A_33 : vector<1x16xf32> to vector<16xf32>
      %add3A_35 = arith.addf %get3A_30, %get3A_34 : vector<16xf32>
      %swap3A = arith.index_cast %scan3A_26 : i32 to index
      %swap3A_36 = arith.constant 0 : index
      %swap3A_37 = tpu.vector_load %arg9[%swap3A, %swap3A_36] {strides = array<i32>} : memref<64x768xf32, #tpu.memory_space<vmem>>, vector<1x16xf32>,
      %swap3A_38 = vector.shape_cast %swap3A_37 : vector<1x16xf32> to vector<16xf32>
      %swap3A_39 = vector.shape_cast %add3A_35 : vector<16xf32> to vector<1x16xf32>
      tpu.vector_store %arg9[%swap3A, %swap3A_36], %swap3A_39 {strides = array<i32>} : memref<64x768xf32, #tpu.memory_space<vmem>>, vector<1x16xf32>,
      %get3A_40 = arith.index_cast %scan3A_26 : i32 to index
      %get3A_41 = arith.constant 16 : index
      %get3A_42 = tpu.vector_load %arg9[%get3A_40, %get3A_41] {strides = array<i32>} : memref<64x768xf32, #tpu.memory_space<vmem>>, vector<1x16xf32>,
      %get3A_43 = vector.shape_cast %get3A_42 : vector<1x16xf32> to vector<16xf32>
      %get3A_44 = arith.index_cast %scan3A_26 : i32 to index
      %get3A_45 = arith.constant 16 : index
      %get3A_46 = tpu.vector_load %arg8[%get3A_44, %get3A_45] {strides = array<i32>} : memref<64x768xf32, #tpu.memory_space<vmem>>, vector<1x16xf32>,
      %get3A_47 = vector.shape_cast %get3A_46 : vector<1x16xf32> to vector<16xf32>
      %add3A_48 = arith.addf %get3A_43, %get3A_47 : vector<16xf32>
      %swap3A_49 = arith.index_cast %scan3A_26 : i32 to index
      %swap3A_50 = arith.constant 16 : index
      %swap3A_51 = tpu.vector_load %arg9[%swap3A_49, %swap3A_50] {strides = array<i32>} : memref<64x768xf32, #tpu.memory_space<vmem>>, vector<1x16xf32>,
      %swap3A_52 = vector.shape_cast %swap3A_51 : vector<1x16xf32> to vector<16xf32>
      %swap3A_53 = vector.shape_cast %add3A_48 : vector<16xf32> to vector<1x16xf32>
      tpu.vector_store %arg9[%swap3A_49, %swap3A_50], %swap3A_53 {strides = array<i32>} : memref<64x768xf32, #tpu.memory_space<vmem>>, vector<1x16xf32>,
      %get3A_54 = arith.index_cast %scan3A_26 : i32 to index
      %get3A_55 = arith.constant 32 : index
      %get3A_56 = tpu.vector_load %arg9[%get3A_54, %get3A_55] {strides = array<i32>} : memref<64x768xf32, #tpu.memory_space<vmem>>, vector<1x16xf32>,
      %get3A_57 = vector.shape_cast %get3A_56 : vector<1x16xf32> to vector<16xf32>
      %get3A_58 = arith.index_cast %scan3A_26 : i32 to index
      %get3A_59 = arith.constant 32 : index
      %get3A_60 = tpu.vector_load %arg8[%get3A_58, %get3A_59] {strides = array<i32>} : memref<64x768xf32, #tpu.memory_space<vmem>>, vector<1x16xf32>,
      %get3A_61 = vector.shape_cast %get3A_60 : vector<1x16xf32> to vector<16xf32>
      %add3A_62 = arith.addf %get3A_57, %get3A_61 : vector<16xf32>
      %swap3A_63 = arith.index_cast %scan3A_26 : i32 to index
      %swap3A_64 = arith.constant 32 : index
      %swap3A_65 = tpu.vector_load %arg9[%swap3A_63, %swap3A_64] {strides = array<i32>} : memref<64x768xf32, #tpu.memory_space<vmem>>, vector<1x16xf32>,
      %swap3A_66 = vector.shape_cast %swap3A_65 : vector<1x16xf32> to vector<16xf32>
      %swap3A_67 = vector.shape_cast %add3A_62 : vector<16xf32> to vector<1x16xf32>
      tpu.vector_store %arg9[%swap3A_63, %swap3A_64], %swap3A_67 {strides = array<i32>} : memref<64x768xf32, #tpu.memory_space<vmem>>, vector<1x16xf32>,
      %get3A_68 = arith.index_cast %scan3A_26 : i32 to index
      %get3A_69 = arith.constant 48 : index
      %get3A_70 = tpu.vector_load %arg9[%get3A_68, %get3A_69] {strides = array<i32>} : memref<64x768xf32, #tpu.memory_space<vmem>>, vector<1x16xf32>,
      %get3A_71 = vector.shape_cast %get3A_70 : vector<1x16xf32> to vector<16xf32>
      %get3A_72 = arith.index_cast %scan3A_26 : i32 to index
      %get3A_73 = arith.constant 48 : index
      %get3A_74 = tpu.vector_load %arg8[%get3A_72, %get3A_73] {strides = array<i32>} : memref<64x768xf32, #tpu.memory_space<vmem>>, vector<1x16xf32>,
      %get3A_75 = vector.shape_cast %get3A_74 : vector<1x16xf32> to vector<16xf32>
      %add3A_76 = arith.addf %get3A_71, %get3A_75 : vector<16xf32>
      %swap3A_77 = arith.index_cast %scan3A_26 : i32 to index
      %swap3A_78 = arith.constant 48 : index
      %swap3A_79 = tpu.vector_load %arg9[%swap3A_77, %swap3A_78] {strides = array<i32>} : memref<64x768xf32, #tpu.memory_space<vmem>>, vector<1x16xf32>,
      %swap3A_80 = vector.shape_cast %swap3A_79 : vector<1x16xf32> to vector<16xf32>
      %swap3A_81 = vector.shape_cast %add3A_76 : vector<16xf32> to vector<1x16xf32>
      tpu.vector_store %arg9[%swap3A_77, %swap3A_78], %swap3A_81 {strides = array<i32>} : memref<64x768xf32, #tpu.memory_space<vmem>>, vector<1x16xf32>,
      %get3A_82 = arith.index_cast %scan3A_26 : i32 to index
      %get3A_83 = arith.constant 64 : index
      %get3A_84 = tpu.vector_load %arg9[%get3A_82, %get3A_83] {strides = array<i32>} : memref<64x768xf32, #tpu.memory_space<vmem>>, vector<1x16xf32>,
      %get3A_85 = vector.shape_cast %get3A_84 : vector<1x16xf32> to vector<16xf32>
      %get3A_86 = arith.index_cast %scan3A_26 : i32 to index
      %get3A_87 = arith.constant 64 : index
      %get3A_88 = tpu.vector_load %arg8[%get3A_86, %get3A_87] {strides = array<i32>} : memref<64x768xf32, #tpu.memory_space<vmem>>, vector<1x16xf32>,
      %get3A_89 = vector.shape_cast %get3A_88 : vector<1x16xf32> to vector<16xf32>
      %add3A_90 = arith.addf %get3A_85, %get3A_89 : vector<16xf32>
      %swap3A_91 = arith.index_cast %scan3A_26 : i32 to index
      %swap3A_92 = arith.constant 64 : index
      %swap3A_93 = tpu.vector_load %arg9[%swap3A_91, %swap3A_92] {strides = array<i32>} : memref<64x768xf32, #tpu.memory_space<vmem>>, vector<1x16xf32>,
      %swap3A_94 = vector.shape_cast %swap3A_93 : vector<1x16xf32> to vector<16xf32>
      %swap3A_95 = vector.shape_cast %add3A_90 : vector<16xf32> to vector<1x16xf32>
      tpu.vector_store %arg9[%swap3A_91, %swap3A_92], %swap3A_95 {strides = array<i32>} : memref<64x768xf32, #tpu.memory_space<vmem>>, vector<1x16xf32>,
      %get3A_96 = arith.index_cast %scan3A_26 : i32 to index
      %get3A_97 = arith.constant 80 : index
      %get3A_98 = tpu.vector_load %arg9[%get3A_96, %get3A_97] {strides = array<i32>} : memref<64x768xf32, #tpu.memory_space<vmem>>, vector<1x16xf32>,
      %get3A_99 = vector.shape_cast %get3A_98 : vector<1x16xf32> to vector<16xf32>
      %get3A_100 = arith.index_cast %scan3A_26 : i32 to index
      %get3A_101 = arith.constant 80 : index
      %get3A_102 = tpu.vector_load %arg8[%get3A_100, %get3A_101] {strides = array<i32>} : memref<64x768xf32, #tpu.memory_space<vmem>>, vector<1x16xf32>,
      %get3A_103 = vector.shape_cast %get3A_102 : vector<1x16xf32> to vector<16xf32>
      %add3A_104 = arith.addf %get3A_99, %get3A_103 : vector<16xf32>
      %swap3A_105 = arith.index_cast %scan3A_26 : i32 to index
      %swap3A_106 = arith.constant 80 : index
      %swap3A_107 = tpu.vector_load %arg9[%swap3A_105, %swap3A_106] {strides = array<i32>} : memref<64x768xf32, #tpu.memory_space<vmem>>, vector<1x16xf32>,
      %swap3A_108 = vector.shape_cast %swap3A_107 : vector<1x16xf32> to vector<16xf32>
      %swap3A_109 = vector.shape_cast %add3A_104 : vector<16xf32> to vector<1x16xf32>
      tpu.vector_store %arg9[%swap3A_105, %swap3A_106], %swap3A_109 {strides = array<i32>} : memref<64x768xf32, #tpu.memory_space<vmem>>, vector<1x16xf32>,
      %get3A_110 = arith.index_cast %scan3A_26 : i32 to index
      %get3A_111 = arith.constant 96 : index
      %get3A_112 = tpu.vector_load %arg9[%get3A_110, %get3A_111] {strides = array<i32>} : memref<64x768xf32, #tpu.memory_space<vmem>>, vector<1x16xf32>,
      %get3A_113 = vector.shape_cast %get3A_112 : vector<1x16xf32> to vector<16xf32>
      %get3A_114 = arith.index_cast %scan3A_26 : i32 to index
      %get3A_115 = arith.constant 96 : index
      %get3A_116 = tpu.vector_load %arg8[%get3A_114, %get3A_115] {strides = array<i32>} : memref<64x768xf32, #tpu.memory_space<vmem>>, vector<1x16xf32>,
      %get3A_117 = vector.shape_cast %get3A_116 : vector<1x16xf32> to vector<16xf32>
      %add3A_118 = arith.addf %get3A_113, %get3A_117 : vector<16xf32>
      %swap3A_119 = arith.index_cast %scan3A_26 : i32 to index
      %swap3A_120 = arith.constant 96 : index
      %swap3A_121 = tpu.vector_load %arg9[%swap3A_119, %swap3A_120] {strides = array<i32>} : memref<64x768xf32, #tpu.memory_space<vmem>>, vector<1x16xf32>,
      %swap3A_122 = vector.shape_cast %swap3A_121 : vector<1x16xf32> to vector<16xf32>
      %swap3A_123 = vector.shape_cast %add3A_118 : vector<16xf32> to vector<1x16xf32>
      tpu.vector_store %arg9[%swap3A_119, %swap3A_120], %swap3A_123 {strides = array<i32>} : memref<64x768xf32, #tpu.memory_space<vmem>>, vector<1x16xf32>,
      %get3A_124 = arith.index_cast %scan3A_26 : i32 to index
      %get3A_125 = arith.constant 112 : index
      %get3A_126 = tpu.vector_load %arg9[%get3A_124, %get3A_125] {strides = array<i32>} : memref<64x768xf32, #tpu.memory_space<vmem>>, vector<1x16xf32>,
      %get3A_127 = vector.shape_cast %get3A_126 : vector<1x16xf32> to vector<16xf32>
      %get3A_128 = arith.index_cast %scan3A_26 : i32 to index
      %get3A_129 = arith.constant 112 : index
      %get3A_130 = tpu.vector_load %arg8[%get3A_128, %get3A_129] {strides = array<i32>} : memref<64x768xf32, #tpu.memory_space<vmem>>, vector<1x16xf32>,
      %get3A_131 = vector.shape_cast %get3A_130 : vector<1x16xf32> to vector<16xf32>
      %add3A_132 = arith.addf %get3A_127, %get3A_131 : vector<16xf32>
      %swap3A_133 = arith.index_cast %scan3A_26 : i32 to index
      %swap3A_134 = arith.constant 112 : index
      %swap3A_135 = tpu.vector_load %arg9[%swap3A_133, %swap3A_134] {strides = array<i32>} : memref<64x768xf32, #tpu.memory_space<vmem>>, vector<1x16xf32>,
      %swap3A_136 = vector.shape_cast %swap3A_135 : vector<1x16xf32> to vector<16xf32>
      %swap3A_137 = vector.shape_cast %add3A_132 : vector<16xf32> to vector<1x16xf32>
      tpu.vector_store %arg9[%swap3A_133, %swap3A_134], %swap3A_137 {strides = array<i32>} : memref<64x768xf32, #tpu.memory_space<vmem>>, vector<1x16xf32>,
      %get3A_138 = arith.index_cast %scan3A_26 : i32 to index
      %get3A_139 = arith.constant 128 : index
      %get3A_140 = tpu.vector_load %arg9[%get3A_138, %get3A_139] {strides = array<i32>} : memref<64x768xf32, #tpu.memory_space<vmem>>, vector<1x16xf32>,
      %get3A_141 = vector.shape_cast %get3A_140 : vector<1x16xf32> to vector<16xf32>
      %get3A_142 = arith.index_cast %scan3A_26 : i32 to index
      %get3A_143 = arith.constant 128 : index
      %get3A_144 = tpu.vector_load %arg8[%get3A_142, %get3A_143] {strides = array<i32>} : memref<64x768xf32, #tpu.memory_space<vmem>>, vector<1x16xf32>,
      %get3A_145 = vector.shape_cast %get3A_144 : vector<1x16xf32> to vector<16xf32>
      %add3A_146 = arith.addf %get3A_141, %get3A_145 : vector<16xf32>
      %swap3A_147 = arith.index_cast %scan3A_26 : i32 to index
      %swap3A_148 = arith.constant 128 : index
      %swap3A_149 = tpu.vector_load %arg9[%swap3A_147, %swap3A_148] {strides = array<i32>} : memref<64x768xf32, #tpu.memory_space<vmem>>, vector<1x16xf32>,
      %swap3A_150 = vector.shape_cast %swap3A_149 : vector<1x16xf32> to vector<16xf32>
      %swap3A_151 = vector.shape_cast %add3A_146 : vector<16xf32> to vector<1x16xf32>
      tpu.vector_store %arg9[%swap3A_147, %swap3A_148], %swap3A_151 {strides = array<i32>} : memref<64x768xf32, #tpu.memory_space<vmem>>, vector<1x16xf32>,
      %get3A_152 = arith.index_cast %scan3A_26 : i32 to index
      %get3A_153 = arith.constant 144 : index
      %get3A_154 = tpu.vector_load %arg9[%get3A_152, %get3A_153] {strides = array<i32>} : memref<64x768xf32, #tpu.memory_space<vmem>>, vector<1x16xf32>,
      %get3A_155 = vector.shape_cast %get3A_154 : vector<1x16xf32> to vector<16xf32>
      %get3A_156 = arith.index_cast %scan3A_26 : i32 to index
      %get3A_157 = arith.constant 144 : index
      %get3A_158 = tpu.vector_load %arg8[%get3A_156, %get3A_157] {strides = array<i32>} : memref<64x768xf32, #tpu.memory_space<vmem>>, vector<1x16xf32>,
      %get3A_159 = vector.shape_cast %get3A_158 : vector<1x16xf32> to vector<16xf32>
      %add3A_160 = arith.addf %get3A_155, %get3A_159 : vector<16xf32>
      %swap3A_161 = arith.index_cast %scan3A_26 : i32 to index
      %swap3A_162 = arith.constant 144 : index
      %swap3A_163 = tpu.vector_load %arg9[%swap3A_161, %swap3A_162] {strides = array<i32>} : memref<64x768xf32, #tpu.memory_space<vmem>>, vector<1x16xf32>,
      %swap3A_164 = vector.shape_cast %swap3A_163 : vector<1x16xf32> to vector<16xf32>
      %swap3A_165 = vector.shape_cast %add3A_160 : vector<16xf32> to vector<1x16xf32>
      tpu.vector_store %arg9[%swap3A_161, %swap3A_162], %swap3A_165 {strides = array<i32>} : memref<64x768xf32, #tpu.memory_space<vmem>>, vector<1x16xf32>,
      %get3A_166 = arith.index_cast %scan3A_26 : i32 to index
      %get3A_167 = arith.constant 160 : index
      %get3A_168 = tpu.vector_load %arg9[%get3A_166, %get3A_167] {strides = array<i32>} : memref<64x768xf32, #tpu.memory_space<vmem>>, vector<1x16xf32>,
      %get3A_169 = vector.shape_cast %get3A_168 : vector<1x16xf32> to vector<16xf32>
      %get3A_170 = arith.index_cast %scan3A_26 : i32 to index
      %get3A_171 = arith.constant 160 : index
      %get3A_172 = tpu.vector_load %arg8[%get3A_170, %get3A_171] {strides = array<i32>} : memref<64x768xf32, #tpu.memory_space<vmem>>, vector<1x16xf32>,
      %get3A_173 = vector.shape_cast %get3A_172 : vector<1x16xf32> to vector<16xf32>
      %add3A_174 = arith.addf %get3A_169, %get3A_173 : vector<16xf32>
      %swap3A_175 = arith.index_cast %scan3A_26 : i32 to index
      %swap3A_176 = arith.constant 160 : index
      %swap3A_177 = tpu.vector_load %arg9[%swap3A_175, %swap3A_176] {strides = array<i32>} : memref<64x768xf32, #tpu.memory_space<vmem>>, vector<1x16xf32>,
      %swap3A_178 = vector.shape_cast %swap3A_177 : vector<1x16xf32> to vector<16xf32>
      %swap3A_179 = vector.shape_cast %add3A_174 : vector<16xf32> to vector<1x16xf32>
      tpu.vector_store %arg9[%swap3A_175, %swap3A_176], %swap3A_179 {strides = array<i32>} : memref<64x768xf32, #tpu.memory_space<vmem>>, vector<1x16xf32>,
      %get3A_180 = arith.index_cast %scan3A_26 : i32 to index
      %get3A_181 = arith.constant 176 : index
      %get3A_182 = tpu.vector_load %arg9[%get3A_180, %get3A_181] {strides = array<i32>} : memref<64x768xf32, #tpu.memory_space<vmem>>, vector<1x16xf32>,
      %get3A_183 = vector.shape_cast %get3A_182 : vector<1x16xf32> to vector<16xf32>
      %get3A_184 = arith.index_cast %scan3A_26 : i32 to index
      %get3A_185 = arith.constant 176 : index
      %get3A_186 = tpu.vector_load %arg8[%get3A_184, %get3A_185] {strides = array<i32>} : memref<64x768xf32, #tpu.memory_space<vmem>>, vector<1x16xf32>,
      %get3A_187 = vector.shape_cast %get3A_186 : vector<1x16xf32> to vector<16xf32>
      %add3A_188 = arith.addf %get3A_183, %get3A_187 : vector<16xf32>
      %swap3A_189 = arith.index_cast %scan3A_26 : i32 to index
      %swap3A_190 = arith.constant 176 : index
      %swap3A_191 = tpu.vector_load %arg9[%swap3A_189, %swap3A_190] {strides = array<i32>} : memref<64x768xf32, #tpu.memory_space<vmem>>, vector<1x16xf32>,
      %swap3A_192 = vector.shape_cast %swap3A_191 : vector<1x16xf32> to vector<16xf32>
      %swap3A_193 = vector.shape_cast %add3A_188 : vector<16xf32> to vector<1x16xf32>
      tpu.vector_store %arg9[%swap3A_189, %swap3A_190], %swap3A_193 {strides = array<i32>} : memref<64x768xf32, #tpu.memory_space<vmem>>, vector<1x16xf32>,
      %get3A_194 = arith.index_cast %scan3A_26 : i32 to index
      %get3A_195 = arith.constant 192 : index
      %get3A_196 = tpu.vector_load %arg9[%get3A_194, %get3A_195] {strides = array<i32>} : memref<64x768xf32, #tpu.memory_space<vmem>>, vector<1x16xf32>,
      %get3A_197 = vector.shape_cast %get3A_196 : vector<1x16xf32> to vector<16xf32>
      %get3A_198 = arith.index_cast %scan3A_26 : i32 to index
      %get3A_199 = arith.constant 192 : index
      %get3A_200 = tpu.vector_load %arg8[%get3A_198, %get3A_199] {strides = array<i32>} : memref<64x768xf32, #tpu.memory_space<vmem>>, vector<1x16xf32>,
      %get3A_201 = vector.shape_cast %get3A_200 : vector<1x16xf32> to vector<16xf32>
      %add3A_202 = arith.addf %get3A_197, %get3A_201 : vector<16xf32>
      %swap3A_203 = arith.index_cast %scan3A_26 : i32 to index
      %swap3A_204 = arith.constant 192 : index
      %swap3A_205 = tpu.vector_load %arg9[%swap3A_203, %swap3A_204] {strides = array<i32>} : memref<64x768xf32, #tpu.memory_space<vmem>>, vector<1x16xf32>,
      %swap3A_206 = vector.shape_cast %swap3A_205 : vector<1x16xf32> to vector<16xf32>
      %swap3A_207 = vector.shape_cast %add3A_202 : vector<16xf32> to vector<1x16xf32>
      tpu.vector_store %arg9[%swap3A_203, %swap3A_204], %swap3A_207 {strides = array<i32>} : memref<64x768xf32, #tpu.memory_space<vmem>>, vector<1x16xf32>,
      %get3A_208 = arith.index_cast %scan3A_26 : i32 to index
      %get3A_209 = arith.constant 208 : index
      %get3A_210 = tpu.vector_load %arg9[%get3A_208, %get3A_209] {strides = array<i32>} : memref<64x768xf32, #tpu.memory_space<vmem>>, vector<1x16xf32>,
      %get3A_211 = vector.shape_cast %get3A_210 : vector<1x16xf32> to vector<16xf32>
      %get3A_212 = arith.index_cast %scan3A_26 : i32 to index
      %get3A_213 = arith.constant 208 : index
      %get3A_214 = tpu.vector_load %arg8[%get3A_212, %get3A_213] {strides = array<i32>} : memref<64x768xf32, #tpu.memory_space<vmem>>, vector<1x16xf32>,
      %get3A_215 = vector.shape_cast %get3A_214 : vector<1x16xf32> to vector<16xf32>
      %add3A_216 = arith.addf %get3A_211, %get3A_215 : vector<16xf32>
      %swap3A_217 = arith.index_cast %scan3A_26 : i32 to index
      %swap3A_218 = arith.constant 208 : index
      %swap3A_219 = tpu.vector_load %arg9[%swap3A_217, %swap3A_218] {strides = array<i32>} : memref<64x768xf32, #tpu.memory_space<vmem>>, vector<1x16xf32>,
      %swap3A_220 = vector.shape_cast %swap3A_219 : vector<1x16xf32> to vector<16xf32>
      %swap3A_221 = vector.shape_cast %add3A_216 : vector<16xf32> to vector<1x16xf32>
      tpu.vector_store %arg9[%swap3A_217, %swap3A_218], %swap3A_221 {strides = array<i32>} : memref<64x768xf32, #tpu.memory_space<vmem>>, vector<1x16xf32>,
      %get3A_222 = arith.index_cast %scan3A_26 : i32 to index
      %get3A_223 = arith.constant 224 : index
      %get3A_224 = tpu.vector_load %arg9[%get3A_222, %get3A_223] {strides = array<i32>} : memref<64x768xf32, #tpu.memory_space<vmem>>, vector<1x16xf32>,
      %get3A_225 = vector.shape_cast %get3A_224 : vector<1x16xf32> to vector<16xf32>
      %get3A_226 = arith.index_cast %scan3A_26 : i32 to index
      %get3A_227 = arith.constant 224 : index
      %get3A_228 = tpu.vector_load %arg8[%get3A_226, %get3A_227] {strides = array<i32>} : memref<64x768xf32, #tpu.memory_space<vmem>>, vector<1x16xf32>,
      %get3A_229 = vector.shape_cast %get3A_228 : vector<1x16xf32> to vector<16xf32>
      %add3A_230 = arith.addf %get3A_225, %get3A_229 : vector<16xf32>
      %swap3A_231 = arith.index_cast %scan3A_26 : i32 to index
      %swap3A_232 = arith.constant 224 : index
      %swap3A_233 = tpu.vector_load %arg9[%swap3A_231, %swap3A_232] {strides = array<i32>} : memref<64x768xf32, #tpu.memory_space<vmem>>, vector<1x16xf32>,
      %swap3A_234 = vector.shape_cast %swap3A_233 : vector<1x16xf32> to vector<16xf32>
      %swap3A_235 = vector.shape_cast %add3A_230 : vector<16xf32> to vector<1x16xf32>
      tpu.vector_store %arg9[%swap3A_231, %swap3A_232], %swap3A_235 {strides = array<i32>} : memref<64x768xf32, #tpu.memory_space<vmem>>, vector<1x16xf32>,
      %get3A_236 = arith.index_cast %scan3A_26 : i32 to index
      %get3A_237 = arith.constant 240 : index
      %get3A_238 = tpu.vector_load %arg9[%get3A_236, %get3A_237] {strides = array<i32>} : memref<64x768xf32, #tpu.memory_space<vmem>>, vector<1x16xf32>,
      %get3A_239 = vector.shape_cast %get3A_238 : vector<1x16xf32> to vector<16xf32>
      %get3A_240 = arith.index_cast %scan3A_26 : i32 to index
      %get3A_241 = arith.constant 240 : index
      %get3A_242 = tpu.vector_load %arg8[%get3A_240, %get3A_241] {strides = array<i32>} : memref<64x768xf32, #tpu.memory_space<vmem>>, vector<1x16xf32>,
      %get3A_243 = vector.shape_cast %get3A_242 : vector<1x16xf32> to vector<16xf32>
      %add3A_244 = arith.addf %get3A_239, %get3A_243 : vector<16xf32>
      %swap3A_245 = arith.index_cast %scan3A_26 : i32 to index
      %swap3A_246 = arith.constant 240 : index
      %swap3A_247 = tpu.vector_load %arg9[%swap3A_245, %swap3A_246] {strides = array<i32>} : memref<64x768xf32, #tpu.memory_space<vmem>>, vector<1x16xf32>,
      %swap3A_248 = vector.shape_cast %swap3A_247 : vector<1x16xf32> to vector<16xf32>
      %swap3A_249 = vector.shape_cast %add3A_244 : vector<16xf32> to vector<1x16xf32>
      tpu.vector_store %arg9[%swap3A_245, %swap3A_246], %swap3A_249 {strides = array<i32>} : memref<64x768xf32, #tpu.memory_space<vmem>>, vector<1x16xf32>,
      %get3A_250 = arith.index_cast %scan3A_26 : i32 to index
      %get3A_251 = arith.constant 256 : index
      %get3A_252 = tpu.vector_load %arg9[%get3A_250, %get3A_251] {strides = array<i32>} : memref<64x768xf32, #tpu.memory_space<vmem>>, vector<1x16xf32>,
      %get3A_253 = vector.shape_cast %get3A_252 : vector<1x16xf32> to vector<16xf32>
      %get3A_254 = arith.index_cast %scan3A_26 : i32 to index
      %get3A_255 = arith.constant 256 : index
      %get3A_256 = tpu.vector_load %arg8[%get3A_254, %get3A_255] {strides = array<i32>} : memref<64x768xf32, #tpu.memory_space<vmem>>, vector<1x16xf32>,
      %get3A_257 = vector.shape_cast %get3A_256 : vector<1x16xf32> to vector<16xf32>
      %add3A_258 = arith.addf %get3A_253, %get3A_257 : vector<16xf32>
      %swap3A_259 = arith.index_cast %scan3A_26 : i32 to index
      %swap3A_260 = arith.constant 256 : index
      %swap3A_261 = tpu.vector_load %arg9[%swap3A_259, %swap3A_260] {strides = array<i32>} : memref<64x768xf32, #tpu.memory_space<vmem>>, vector<1x16xf32>,
      %swap3A_262 = vector.shape_cast %swap3A_261 : vector<1x16xf32> to vector<16xf32>
      %swap3A_263 = vector.shape_cast %add3A_258 : vector<16xf32> to vector<1x16xf32>
      tpu.vector_store %arg9[%swap3A_259, %swap3A_260], %swap3A_263 {strides = array<i32>} : memref<64x768xf32, #tpu.memory_space<vmem>>, vector<1x16xf32>,
      %get3A_264 = arith.index_cast %scan3A_26 : i32 to index
      %get3A_265 = arith.constant 272 : index
      %get3A_266 = tpu.vector_load %arg9[%get3A_264, %get3A_265] {strides = array<i32>} : memref<64x768xf32, #tpu.memory_space<vmem>>, vector<1x16xf32>,
      %get3A_267 = vector.shape_cast %get3A_266 : vector<1x16xf32> to vector<16xf32>
      %get3A_268 = arith.index_cast %scan3A_26 : i32 to index
      %get3A_269 = arith.constant 272 : index
      %get3A_270 = tpu.vector_load %arg8[%get3A_268, %get3A_269] {strides = array<i32>} : memref<64x768xf32, #tpu.memory_space<vmem>>, vector<1x16xf32>,
      %get3A_271 = vector.shape_cast %get3A_270 : vector<1x16xf32> to vector<16xf32>
      %add3A_272 = arith.addf %get3A_267, %get3A_271 : vector<16xf32>
      %swap3A_273 = arith.index_cast %scan3A_26 : i32 to index
      %swap3A_274 = arith.constant 272 : index
      %swap3A_275 = tpu.vector_load %arg9[%swap3A_273, %swap3A_274] {strides = array<i32>} : memref<64x768xf32, #tpu.memory_space<vmem>>, vector<1x16xf32>,
      %swap3A_276 = vector.shape_cast %swap3A_275 : vector<1x16xf32> to vector<16xf32>
      %swap3A_277 = vector.shape_cast %add3A_272 : vector<16xf32> to vector<1x16xf32>
      tpu.vector_store %arg9[%swap3A_273, %swap3A_274], %swap3A_277 {strides = array<i32>} : memref<64x768xf32, #tpu.memory_space<vmem>>, vector<1x16xf32>,
      %get3A_278 = arith.index_cast %scan3A_26 : i32 to index
      %get3A_279 = arith.constant 288 : index
      %get3A_280 = tpu.vector_load %arg9[%get3A_278, %get3A_279] {strides = array<i32>} : memref<64x768xf32, #tpu.memory_space<vmem>>, vector<1x16xf32>,
      %get3A_281 = vector.shape_cast %get3A_280 : vector<1x16xf32> to vector<16xf32>
      %get3A_282 = arith.index_cast %scan3A_26 : i32 to index
      %get3A_283 = arith.constant 288 : index
      %get3A_284 = tpu.vector_load %arg8[%get3A_282, %get3A_283] {strides = array<i32>} : memref<64x768xf32, #tpu.memory_space<vmem>>, vector<1x16xf32>,
      %get3A_285 = vector.shape_cast %get3A_284 : vector<1x16xf32> to vector<16xf32>
      %add3A_286 = arith.addf %get3A_281, %get3A_285 : vector<16xf32>
      %swap3A_287 = arith.index_cast %scan3A_26 : i32 to index
      %swap3A_288 = arith.constant 288 : index
      %swap3A_289 = tpu.vector_load %arg9[%swap3A_287, %swap3A_288] {strides = array<i32>} : memref<64x768xf32, #tpu.memory_space<vmem>>, vector<1x16xf32>,
      %swap3A_290 = vector.shape_cast %swap3A_289 : vector<1x16xf32> to vector<16xf32>
      %swap3A_291 = vector.shape_cast %add3A_286 : vector<16xf32> to vector<1x16xf32>
      tpu.vector_store %arg9[%swap3A_287, %swap3A_288], %swap3A_291 {strides = array<i32>} : memref<64x768xf32, #tpu.memory_space<vmem>>, vector<1x16xf32>,
      %get3A_292 = arith.index_cast %scan3A_26 : i32 to index
      %get3A_293 = arith.constant 304 : index
      %get3A_294 = tpu.vector_load %arg9[%get3A_292, %get3A_293] {strides = array<i32>} : memref<64x768xf32, #tpu.memory_space<vmem>>, vector<1x16xf32>,
      %get3A_295 = vector.shape_cast %get3A_294 : vector<1x16xf32> to vector<16xf32>
      %get3A_296 = arith.index_cast %scan3A_26 : i32 to index
      %get3A_297 = arith.constant 304 : index
      %get3A_298 = tpu.vector_load %arg8[%get3A_296, %get3A_297] {strides = array<i32>} : memref<64x768xf32, #tpu.memory_space<vmem>>, vector<1x16xf32>,
      %get3A_299 = vector.shape_cast %get3A_298 : vector<1x16xf32> to vector<16xf32>
      %add3A_300 = arith.addf %get3A_295, %get3A_299 : vector<16xf32>
      %swap3A_301 = arith.index_cast %scan3A_26 : i32 to index
      %swap3A_302 = arith.constant 304 : index
      %swap3A_303 = tpu.vector_load %arg9[%swap3A_301, %swap3A_302] {strides = array<i32>} : memref<64x768xf32, #tpu.memory_space<vmem>>, vector<1x16xf32>,
      %swap3A_304 = vector.shape_cast %swap3A_303 : vector<1x16xf32> to vector<16xf32>
      %swap3A_305 = vector.shape_cast %add3A_300 : vector<16xf32> to vector<1x16xf32>
      tpu.vector_store %arg9[%swap3A_301, %swap3A_302], %swap3A_305 {strides = array<i32>} : memref<64x768xf32, #tpu.memory_space<vmem>>, vector<1x16xf32>,
      %get3A_306 = arith.index_cast %scan3A_26 : i32 to index
      %get3A_307 = arith.constant 320 : index
      %get3A_308 = tpu.vector_load %arg9[%get3A_306, %get3A_307] {strides = array<i32>} : memref<64x768xf32, #tpu.memory_space<vmem>>, vector<1x16xf32>,
      %get3A_309 = vector.shape_cast %get3A_308 : vector<1x16xf32> to vector<16xf32>
      %get3A_310 = arith.index_cast %scan3A_26 : i32 to index
      %get3A_311 = arith.constant 320 : index
      %get3A_312 = tpu.vector_load %arg8[%get3A_310, %get3A_311] {strides = array<i32>} : memref<64x768xf32, #tpu.memory_space<vmem>>, vector<1x16xf32>,
      %get3A_313 = vector.shape_cast %get3A_312 : vector<1x16xf32> to vector<16xf32>
      %add3A_314 = arith.addf %get3A_309, %get3A_313 : vector<16xf32>
      %swap3A_315 = arith.index_cast %scan3A_26 : i32 to index
      %swap3A_316 = arith.constant 320 : index
      %swap3A_317 = tpu.vector_load %arg9[%swap3A_315, %swap3A_316] {strides = array<i32>} : memref<64x768xf32, #tpu.memory_space<vmem>>, vector<1x16xf32>,
      %swap3A_318 = vector.shape_cast %swap3A_317 : vector<1x16xf32> to vector<16xf32>
      %swap3A_319 = vector.shape_cast %add3A_314 : vector<16xf32> to vector<1x16xf32>
      tpu.vector_store %arg9[%swap3A_315, %swap3A_316], %swap3A_319 {strides = array<i32>} : memref<64x768xf32, #tpu.memory_space<vmem>>, vector<1x16xf32>,
      %get3A_320 = arith.index_cast %scan3A_26 : i32 to index
      %get3A_321 = arith.constant 336 : index
      %get3A_322 = tpu.vector_load %arg9[%get3A_320, %get3A_321] {strides = array<i32>} : memref<64x768xf32, #tpu.memory_space<vmem>>, vector<1x16xf32>,
      %get3A_323 = vector.shape_cast %get3A_322 : vector<1x16xf32> to vector<16xf32>
      %get3A_324 = arith.index_cast %scan3A_26 : i32 to index
      %get3A_325 = arith.constant 336 : index
      %get3A_326 = tpu.vector_load %arg8[%get3A_324, %get3A_325] {strides = array<i32>} : memref<64x768xf32, #tpu.memory_space<vmem>>, vector<1x16xf32>,
      %get3A_327 = vector.shape_cast %get3A_326 : vector<1x16xf32> to vector<16xf32>
      %add3A_328 = arith.addf %get3A_323, %get3A_327 : vector<16xf32>
      %swap3A_329 = arith.index_cast %scan3A_26 : i32 to index
      %swap3A_330 = arith.constant 336 : index
      %swap3A_331 = tpu.vector_load %arg9[%swap3A_329, %swap3A_330] {strides = array<i32>} : memref<64x768xf32, #tpu.memory_space<vmem>>, vector<1x16xf32>,
      %swap3A_332 = vector.shape_cast %swap3A_331 : vector<1x16xf32> to vector<16xf32>
      %swap3A_333 = vector.shape_cast %add3A_328 : vector<16xf32> to vector<1x16xf32>
      tpu.vector_store %arg9[%swap3A_329, %swap3A_330], %swap3A_333 {strides = array<i32>} : memref<64x768xf32, #tpu.memory_space<vmem>>, vector<1x16xf32>,
      %get3A_334 = arith.index_cast %scan3A_26 : i32 to index
      %get3A_335 = arith.constant 352 : index
      %get3A_336 = tpu.vector_load %arg9[%get3A_334, %get3A_335] {strides = array<i32>} : memref<64x768xf32, #tpu.memory_space<vmem>>, vector<1x16xf32>,
      %get3A_337 = vector.shape_cast %get3A_336 : vector<1x16xf32> to vector<16xf32>
      %get3A_338 = arith.index_cast %scan3A_26 : i32 to index
      %get3A_339 = arith.constant 352 : index
      %get3A_340 = tpu.vector_load %arg8[%get3A_338, %get3A_339] {strides = array<i32>} : memref<64x768xf32, #tpu.memory_space<vmem>>, vector<1x16xf32>,
      %get3A_341 = vector.shape_cast %get3A_340 : vector<1x16xf32> to vector<16xf32>
      %add3A_342 = arith.addf %get3A_337, %get3A_341 : vector<16xf32>
      %swap3A_343 = arith.index_cast %scan3A_26 : i32 to index
      %swap3A_344 = arith.constant 352 : index
      %swap3A_345 = tpu.vector_load %arg9[%swap3A_343, %swap3A_344] {strides = array<i32>} : memref<64x768xf32, #tpu.memory_space<vmem>>, vector<1x16xf32>,
      %swap3A_346 = vector.shape_cast %swap3A_345 : vector<1x16xf32> to vector<16xf32>
      %swap3A_347 = vector.shape_cast %add3A_342 : vector<16xf32> to vector<1x16xf32>
      tpu.vector_store %arg9[%swap3A_343, %swap3A_344], %swap3A_347 {strides = array<i32>} : memref<64x768xf32, #tpu.memory_space<vmem>>, vector<1x16xf32>,
      %get3A_348 = arith.index_cast %scan3A_26 : i32 to index
      %get3A_349 = arith.constant 368 : index
      %get3A_350 = tpu.vector_load %arg9[%get3A_348, %get3A_349] {strides = array<i32>} : memref<64x768xf32, #tpu.memory_space<vmem>>, vector<1x16xf32>,
      %get3A_351 = vector.shape_cast %get3A_350 : vector<1x16xf32> to vector<16xf32>
      %get3A_352 = arith.index_cast %scan3A_26 : i32 to index
      %get3A_353 = arith.constant 368 : index
      %get3A_354 = tpu.vector_load %arg8[%get3A_352, %get3A_353] {strides = array<i32>} : memref<64x768xf32, #tpu.memory_space<vmem>>, vector<1x16xf32>,
      %get3A_355 = vector.shape_cast %get3A_354 : vector<1x16xf32> to vector<16xf32>
      %add3A_356 = arith.addf %get3A_351, %get3A_355 : vector<16xf32>
      %swap3A_357 = arith.index_cast %scan3A_26 : i32 to index
      %swap3A_358 = arith.constant 368 : index
      %swap3A_359 = tpu.vector_load %arg9[%swap3A_357, %swap3A_358] {strides = array<i32>} : memref<64x768xf32, #tpu.memory_space<vmem>>, vector<1x16xf32>,
      %swap3A_360 = vector.shape_cast %swap3A_359 : vector<1x16xf32> to vector<16xf32>
      %swap3A_361 = vector.shape_cast %add3A_356 : vector<16xf32> to vector<1x16xf32>
      tpu.vector_store %arg9[%swap3A_357, %swap3A_358], %swap3A_361 {strides = array<i32>} : memref<64x768xf32, #tpu.memory_space<vmem>>, vector<1x16xf32>,
      %get3A_362 = arith.index_cast %scan3A_26 : i32 to index
      %get3A_363 = arith.constant 384 : index
      %get3A_364 = tpu.vector_load %arg9[%get3A_362, %get3A_363] {strides = array<i32>} : memref<64x768xf32, #tpu.memory_space<vmem>>, vector<1x16xf32>,
      %get3A_365 = vector.shape_cast %get3A_364 : vector<1x16xf32> to vector<16xf32>
      %get3A_366 = arith.index_cast %scan3A_26 : i32 to index
      %get3A_367 = arith.constant 384 : index
      %get3A_368 = tpu.vector_load %arg8[%get3A_366, %get3A_367] {strides = array<i32>} : memref<64x768xf32, #tpu.memory_space<vmem>>, vector<1x16xf32>,
      %get3A_369 = vector.shape_cast %get3A_368 : vector<1x16xf32> to vector<16xf32>
      %add3A_370 = arith.addf %get3A_365, %get3A_369 : vector<16xf32>
      %swap3A_371 = arith.index_cast %scan3A_26 : i32 to index
      %swap3A_372 = arith.constant 384 : index
      %swap3A_373 = tpu.vector_load %arg9[%swap3A_371, %swap3A_372] {strides = array<i32>} : memref<64x768xf32, #tpu.memory_space<vmem>>, vector<1x16xf32>,
      %swap3A_374 = vector.shape_cast %swap3A_373 : vector<1x16xf32> to vector<16xf32>
      %swap3A_375 = vector.shape_cast %add3A_370 : vector<16xf32> to vector<1x16xf32>
      tpu.vector_store %arg9[%swap3A_371, %swap3A_372], %swap3A_375 {strides = array<i32>} : memref<64x768xf32, #tpu.memory_space<vmem>>, vector<1x16xf32>,
      %get3A_376 = arith.index_cast %scan3A_26 : i32 to index
      %get3A_377 = arith.constant 400 : index
      %get3A_378 = tpu.vector_load %arg9[%get3A_376, %get3A_377] {strides = array<i32>} : memref<64x768xf32, #tpu.memory_space<vmem>>, vector<1x16xf32>,
      %get3A_379 = vector.shape_cast %get3A_378 : vector<1x16xf32> to vector<16xf32>
      %get3A_380 = arith.index_cast %scan3A_26 : i32 to index
      %get3A_381 = arith.constant 400 : index
      %get3A_382 = tpu.vector_load %arg8[%get3A_380, %get3A_381] {strides = array<i32>} : memref<64x768xf32, #tpu.memory_space<vmem>>, vector<1x16xf32>,
      %get3A_383 = vector.shape_cast %get3A_382 : vector<1x16xf32> to vector<16xf32>
      %add3A_384 = arith.addf %get3A_379, %get3A_383 : vector<16xf32>
      %swap3A_385 = arith.index_cast %scan3A_26 : i32 to index
      %swap3A_386 = arith.constant 400 : index
      %swap3A_387 = tpu.vector_load %arg9[%swap3A_385, %swap3A_386] {strides = array<i32>} : memref<64x768xf32, #tpu.memory_space<vmem>>, vector<1x16xf32>,
      %swap3A_388 = vector.shape_cast %swap3A_387 : vector<1x16xf32> to vector<16xf32>
      %swap3A_389 = vector.shape_cast %add3A_384 : vector<16xf32> to vector<1x16xf32>
      tpu.vector_store %arg9[%swap3A_385, %swap3A_386], %swap3A_389 {strides = array<i32>} : memref<64x768xf32, #tpu.memory_space<vmem>>, vector<1x16xf32>,
      %get3A_390 = arith.index_cast %scan3A_26 : i32 to index
      %get3A_391 = arith.constant 416 : index
      %get3A_392 = tpu.vector_load %arg9[%get3A_390, %get3A_391] {strides = array<i32>} : memref<64x768xf32, #tpu.memory_space<vmem>>, vector<1x16xf32>,
      %get3A_393 = vector.shape_cast %get3A_392 : vector<1x16xf32> to vector<16xf32>
      %get3A_394 = arith.index_cast %scan3A_26 : i32 to index
      %get3A_395 = arith.constant 416 : index
      %get3A_396 = tpu.vector_load %arg8[%get3A_394, %get3A_395] {strides = array<i32>} : memref<64x768xf32, #tpu.memory_space<vmem>>, vector<1x16xf32>,
      %get3A_397 = vector.shape_cast %get3A_396 : vector<1x16xf32> to vector<16xf32>
      %add3A_398 = arith.addf %get3A_393, %get3A_397 : vector<16xf32>
      %swap3A_399 = arith.index_cast %scan3A_26 : i32 to index
      %swap3A_400 = arith.constant 416 : index
      %swap3A_401 = tpu.vector_load %arg9[%swap3A_399, %swap3A_400] {strides = array<i32>} : memref<64x768xf32, #tpu.memory_space<vmem>>, vector<1x16xf32>,
      %swap3A_402 = vector.shape_cast %swap3A_401 : vector<1x16xf32> to vector<16xf32>
      %swap3A_403 = vector.shape_cast %add3A_398 : vector<16xf32> to vector<1x16xf32>
      tpu.vector_store %arg9[%swap3A_399, %swap3A_400], %swap3A_403 {strides = array<i32>} : memref<64x768xf32, #tpu.memory_space<vmem>>, vector<1x16xf32>,
      %get3A_404 = arith.index_cast %scan3A_26 : i32 to index
      %get3A_405 = arith.constant 432 : index
      %get3A_406 = tpu.vector_load %arg9[%get3A_404, %get3A_405] {strides = array<i32>} : memref<64x768xf32, #tpu.memory_space<vmem>>, vector<1x16xf32>,
      %get3A_407 = vector.shape_cast %get3A_406 : vector<1x16xf32> to vector<16xf32>
      %get3A_408 = arith.index_cast %scan3A_26 : i32 to index
      %get3A_409 = arith.constant 432 : index
      %get3A_410 = tpu.vector_load %arg8[%get3A_408, %get3A_409] {strides = array<i32>} : memref<64x768xf32, #tpu.memory_space<vmem>>, vector<1x16xf32>,
      %get3A_411 = vector.shape_cast %get3A_410 : vector<1x16xf32> to vector<16xf32>
      %add3A_412 = arith.addf %get3A_407, %get3A_411 : vector<16xf32>
      %swap3A_413 = arith.index_cast %scan3A_26 : i32 to index
      %swap3A_414 = arith.constant 432 : index
      %swap3A_415 = tpu.vector_load %arg9[%swap3A_413, %swap3A_414] {strides = array<i32>} : memref<64x768xf32, #tpu.memory_space<vmem>>, vector<1x16xf32>,
      %swap3A_416 = vector.shape_cast %swap3A_415 : vector<1x16xf32> to vector<16xf32>
      %swap3A_417 = vector.shape_cast %add3A_412 : vector<16xf32> to vector<1x16xf32>
      tpu.vector_store %arg9[%swap3A_413, %swap3A_414], %swap3A_417 {strides = array<i32>} : memref<64x768xf32, #tpu.memory_space<vmem>>, vector<1x16xf32>,
      %get3A_418 = arith.index_cast %scan3A_26 : i32 to index
      %get3A_419 = arith.constant 448 : index
      %get3A_420 = tpu.vector_load %arg9[%get3A_418, %get3A_419] {strides = array<i32>} : memref<64x768xf32, #tpu.memory_space<vmem>>, vector<1x16xf32>,
      %get3A_421 = vector.shape_cast %get3A_420 : vector<1x16xf32> to vector<16xf32>
      %get3A_422 = arith.index_cast %scan3A_26 : i32 to index
      %get3A_423 = arith.constant 448 : index
      %get3A_424 = tpu.vector_load %arg8[%get3A_422, %get3A_423] {strides = array<i32>} : memref<64x768xf32, #tpu.memory_space<vmem>>, vector<1x16xf32>,
      %get3A_425 = vector.shape_cast %get3A_424 : vector<1x16xf32> to vector<16xf32>
      %add3A_426 = arith.addf %get3A_421, %get3A_425 : vector<16xf32>
      %swap3A_427 = arith.index_cast %scan3A_26 : i32 to index
      %swap3A_428 = arith.constant 448 : index
      %swap3A_429 = tpu.vector_load %arg9[%swap3A_427, %swap3A_428] {strides = array<i32>} : memref<64x768xf32, #tpu.memory_space<vmem>>, vector<1x16xf32>,
      %swap3A_430 = vector.shape_cast %swap3A_429 : vector<1x16xf32> to vector<16xf32>
      %swap3A_431 = vector.shape_cast %add3A_426 : vector<16xf32> to vector<1x16xf32>
      tpu.vector_store %arg9[%swap3A_427, %swap3A_428], %swap3A_431 {strides = array<i32>} : memref<64x768xf32, #tpu.memory_space<vmem>>, vector<1x16xf32>,
      %get3A_432 = arith.index_cast %scan3A_26 : i32 to index
      %get3A_433 = arith.constant 464 : index
      %get3A_434 = tpu.vector_load %arg9[%get3A_432, %get3A_433] {strides = array<i32>} : memref<64x768xf32, #tpu.memory_space<vmem>>, vector<1x16xf32>,
      %get3A_435 = vector.shape_cast %get3A_434 : vector<1x16xf32> to vector<16xf32>
      %get3A_436 = arith.index_cast %scan3A_26 : i32 to index
      %get3A_437 = arith.constant 464 : index
      %get3A_438 = tpu.vector_load %arg8[%get3A_436, %get3A_437] {strides = array<i32>} : memref<64x768xf32, #tpu.memory_space<vmem>>, vector<1x16xf32>,
      %get3A_439 = vector.shape_cast %get3A_438 : vector<1x16xf32> to vector<16xf32>
      %add3A_440 = arith.addf %get3A_435, %get3A_439 : vector<16xf32>
      %swap3A_441 = arith.index_cast %scan3A_26 : i32 to index
      %swap3A_442 = arith.constant 464 : index
      %swap3A_443 = tpu.vector_load %arg9[%swap3A_441, %swap3A_442] {strides = array<i32>} : memref<64x768xf32, #tpu.memory_space<vmem>>, vector<1x16xf32>,
      %swap3A_444 = vector.shape_cast %swap3A_443 : vector<1x16xf32> to vector<16xf32>
      %swap3A_445 = vector.shape_cast %add3A_440 : vector<16xf32> to vector<1x16xf32>
      tpu.vector_store %arg9[%swap3A_441, %swap3A_442], %swap3A_445 {strides = array<i32>} : memref<64x768xf32, #tpu.memory_space<vmem>>, vector<1x16xf32>,
      %get3A_446 = arith.index_cast %scan3A_26 : i32 to index
      %get3A_447 = arith.constant 480 : index
      %get3A_448 = tpu.vector_load %arg9[%get3A_446, %get3A_447] {strides = array<i32>} : memref<64x768xf32, #tpu.memory_space<vmem>>, vector<1x16xf32>,
      %get3A_449 = vector.shape_cast %get3A_448 : vector<1x16xf32> to vector<16xf32>
      %get3A_450 = arith.index_cast %scan3A_26 : i32 to index
      %get3A_451 = arith.constant 480 : index
      %get3A_452 = tpu.vector_load %arg8[%get3A_450, %get3A_451] {strides = array<i32>} : memref<64x768xf32, #tpu.memory_space<vmem>>, vector<1x16xf32>,
      %get3A_453 = vector.shape_cast %get3A_452 : vector<1x16xf32> to vector<16xf32>
      %add3A_454 = arith.addf %get3A_449, %get3A_453 : vector<16xf32>
      %swap3A_455 = arith.index_cast %scan3A_26 : i32 to index
      %swap3A_456 = arith.constant 480 : index
      %swap3A_457 = tpu.vector_load %arg9[%swap3A_455, %swap3A_456] {strides = array<i32>} : memref<64x768xf32, #tpu.memory_space<vmem>>, vector<1x16xf32>,
      %swap3A_458 = vector.shape_cast %swap3A_457 : vector<1x16xf32> to vector<16xf32>
      %swap3A_459 = vector.shape_cast %add3A_454 : vector<16xf32> to vector<1x16xf32>
      tpu.vector_store %arg9[%swap3A_455, %swap3A_456], %swap3A_459 {strides = array<i32>} : memref<64x768xf32, #tpu.memory_space<vmem>>, vector<1x16xf32>,
      %get3A_460 = arith.index_cast %scan3A_26 : i32 to index
      %get3A_461 = arith.constant 496 : index
      %get3A_462 = tpu.vector_load %arg9[%get3A_460, %get3A_461] {strides = array<i32>} : memref<64x768xf32, #tpu.memory_space<vmem>>, vector<1x16xf32>,
      %get3A_463 = vector.shape_cast %get3A_462 : vector<1x16xf32> to vector<16xf32>
      %get3A_464 = arith.index_cast %scan3A_26 : i32 to index
      %get3A_465 = arith.constant 496 : index
      %get3A_466 = tpu.vector_load %arg8[%get3A_464, %get3A_465] {strides = array<i32>} : memref<64x768xf32, #tpu.memory_space<vmem>>, vector<1x16xf32>,
      %get3A_467 = vector.shape_cast %get3A_466 : vector<1x16xf32> to vector<16xf32>
      %add3A_468 = arith.addf %get3A_463, %get3A_467 : vector<16xf32>
      %swap3A_469 = arith.index_cast %scan3A_26 : i32 to index
      %swap3A_470 = arith.constant 496 : index
      %swap3A_471 = tpu.vector_load %arg9[%swap3A_469, %swap3A_470] {strides = array<i32>} : memref<64x768xf32, #tpu.memory_space<vmem>>, vector<1x16xf32>,
      %swap3A_472 = vector.shape_cast %swap3A_471 : vector<1x16xf32> to vector<16xf32>
      %swap3A_473 = vector.shape_cast %add3A_468 : vector<16xf32> to vector<1x16xf32>
      tpu.vector_store %arg9[%swap3A_469, %swap3A_470], %swap3A_473 {strides = array<i32>} : memref<64x768xf32, #tpu.memory_space<vmem>>, vector<1x16xf32>,
      %get3A_474 = arith.index_cast %scan3A_26 : i32 to index
      %get3A_475 = arith.constant 512 : index
      %get3A_476 = tpu.vector_load %arg9[%get3A_474, %get3A_475] {strides = array<i32>} : memref<64x768xf32, #tpu.memory_space<vmem>>, vector<1x16xf32>,
      %get3A_477 = vector.shape_cast %get3A_476 : vector<1x16xf32> to vector<16xf32>
      %get3A_478 = arith.index_cast %scan3A_26 : i32 to index
      %get3A_479 = arith.constant 512 : index
      %get3A_480 = tpu.vector_load %arg8[%get3A_478, %get3A_479] {strides = array<i32>} : memref<64x768xf32, #tpu.memory_space<vmem>>, vector<1x16xf32>,
      %get3A_481 = vector.shape_cast %get3A_480 : vector<1x16xf32> to vector<16xf32>
      %add3A_482 = arith.addf %get3A_477, %get3A_481 : vector<16xf32>
      %swap3A_483 = arith.index_cast %scan3A_26 : i32 to index
      %swap3A_484 = arith.constant 512 : index
      %swap3A_485 = tpu.vector_load %arg9[%swap3A_483, %swap3A_484] {strides = array<i32>} : memref<64x768xf32, #tpu.memory_space<vmem>>, vector<1x16xf32>,
      %swap3A_486 = vector.shape_cast %swap3A_485 : vector<1x16xf32> to vector<16xf32>
      %swap3A_487 = vector.shape_cast %add3A_482 : vector<16xf32> to vector<1x16xf32>
      tpu.vector_store %arg9[%swap3A_483, %swap3A_484], %swap3A_487 {strides = array<i32>} : memref<64x768xf32, #tpu.memory_space<vmem>>, vector<1x16xf32>,
      %get3A_488 = arith.index_cast %scan3A_26 : i32 to index
      %get3A_489 = arith.constant 528 : index
      %get3A_490 = tpu.vector_load %arg9[%get3A_488, %get3A_489] {strides = array<i32>} : memref<64x768xf32, #tpu.memory_space<vmem>>, vector<1x16xf32>,
      %get3A_491 = vector.shape_cast %get3A_490 : vector<1x16xf32> to vector<16xf32>
      %get3A_492 = arith.index_cast %scan3A_26 : i32 to index
      %get3A_493 = arith.constant 528 : index
      %get3A_494 = tpu.vector_load %arg8[%get3A_492, %get3A_493] {strides = array<i32>} : memref<64x768xf32, #tpu.memory_space<vmem>>, vector<1x16xf32>,
      %get3A_495 = vector.shape_cast %get3A_494 : vector<1x16xf32> to vector<16xf32>
      %add3A_496 = arith.addf %get3A_491, %get3A_495 : vector<16xf32>
      %swap3A_497 = arith.index_cast %scan3A_26 : i32 to index
      %swap3A_498 = arith.constant 528 : index
      %swap3A_499 = tpu.vector_load %arg9[%swap3A_497, %swap3A_498] {strides = array<i32>} : memref<64x768xf32, #tpu.memory_space<vmem>>, vector<1x16xf32>,
      %swap3A_500 = vector.shape_cast %swap3A_499 : vector<1x16xf32> to vector<16xf32>
      %swap3A_501 = vector.shape_cast %add3A_496 : vector<16xf32> to vector<1x16xf32>
      tpu.vector_store %arg9[%swap3A_497, %swap3A_498], %swap3A_501 {strides = array<i32>} : memref<64x768xf32, #tpu.memory_space<vmem>>, vector<1x16xf32>,
      %get3A_502 = arith.index_cast %scan3A_26 : i32 to index
      %get3A_503 = arith.constant 544 : index
      %get3A_504 = tpu.vector_load %arg9[%get3A_502, %get3A_503] {strides = array<i32>} : memref<64x768xf32, #tpu.memory_space<vmem>>, vector<1x16xf32>,
      %get3A_505 = vector.shape_cast %get3A_504 : vector<1x16xf32> to vector<16xf32>
      %get3A_506 = arith.index_cast %scan3A_26 : i32 to index
      %get3A_507 = arith.constant 544 : index
      %get3A_508 = tpu.vector_load %arg8[%get3A_506, %get3A_507] {strides = array<i32>} : memref<64x768xf32, #tpu.memory_space<vmem>>, vector<1x16xf32>,
      %get3A_509 = vector.shape_cast %get3A_508 : vector<1x16xf32> to vector<16xf32>
      %add3A_510 = arith.addf %get3A_505, %get3A_509 : vector<16xf32>
      %swap3A_511 = arith.index_cast %scan3A_26 : i32 to index
      %swap3A_512 = arith.constant 544 : index
      %swap3A_513 = tpu.vector_load %arg9[%swap3A_511, %swap3A_512] {strides = array<i32>} : memref<64x768xf32, #tpu.memory_space<vmem>>, vector<1x16xf32>,
      %swap3A_514 = vector.shape_cast %swap3A_513 : vector<1x16xf32> to vector<16xf32>
      %swap3A_515 = vector.shape_cast %add3A_510 : vector<16xf32> to vector<1x16xf32>
      tpu.vector_store %arg9[%swap3A_511, %swap3A_512], %swap3A_515 {strides = array<i32>} : memref<64x768xf32, #tpu.memory_space<vmem>>, vector<1x16xf32>,
      %get3A_516 = arith.index_cast %scan3A_26 : i32 to index
      %get3A_517 = arith.constant 560 : index
      %get3A_518 = tpu.vector_load %arg9[%get3A_516, %get3A_517] {strides = array<i32>} : memref<64x768xf32, #tpu.memory_space<vmem>>, vector<1x16xf32>,
      %get3A_519 = vector.shape_cast %get3A_518 : vector<1x16xf32> to vector<16xf32>
      %get3A_520 = arith.index_cast %scan3A_26 : i32 to index
      %get3A_521 = arith.constant 560 : index
      %get3A_522 = tpu.vector_load %arg8[%get3A_520, %get3A_521] {strides = array<i32>} : memref<64x768xf32, #tpu.memory_space<vmem>>, vector<1x16xf32>,
      %get3A_523 = vector.shape_cast %get3A_522 : vector<1x16xf32> to vector<16xf32>
      %add3A_524 = arith.addf %get3A_519, %get3A_523 : vector<16xf32>
      %swap3A_525 = arith.index_cast %scan3A_26 : i32 to index
      %swap3A_526 = arith.constant 560 : index
      %swap3A_527 = tpu.vector_load %arg9[%swap3A_525, %swap3A_526] {strides = array<i32>} : memref<64x768xf32, #tpu.memory_space<vmem>>, vector<1x16xf32>,
      %swap3A_528 = vector.shape_cast %swap3A_527 : vector<1x16xf32> to vector<16xf32>
      %swap3A_529 = vector.shape_cast %add3A_524 : vector<16xf32> to vector<1x16xf32>
      tpu.vector_store %arg9[%swap3A_525, %swap3A_526], %swap3A_529 {strides = array<i32>} : memref<64x768xf32, #tpu.memory_space<vmem>>, vector<1x16xf32>,
      %get3A_530 = arith.index_cast %scan3A_26 : i32 to index
      %get3A_531 = arith.constant 576 : index
      %get3A_532 = tpu.vector_load %arg9[%get3A_530, %get3A_531] {strides = array<i32>} : memref<64x768xf32, #tpu.memory_space<vmem>>, vector<1x16xf32>,
      %get3A_533 = vector.shape_cast %get3A_532 : vector<1x16xf32> to vector<16xf32>
      %get3A_534 = arith.index_cast %scan3A_26 : i32 to index
      %get3A_535 = arith.constant 576 : index
      %get3A_536 = tpu.vector_load %arg8[%get3A_534, %get3A_535] {strides = array<i32>} : memref<64x768xf32, #tpu.memory_space<vmem>>, vector<1x16xf32>,
      %get3A_537 = vector.shape_cast %get3A_536 : vector<1x16xf32> to vector<16xf32>
      %add3A_538 = arith.addf %get3A_533, %get3A_537 : vector<16xf32>
      %swap3A_539 = arith.index_cast %scan3A_26 : i32 to index
      %swap3A_540 = arith.constant 576 : index
      %swap3A_541 = tpu.vector_load %arg9[%swap3A_539, %swap3A_540] {strides = array<i32>} : memref<64x768xf32, #tpu.memory_space<vmem>>, vector<1x16xf32>,
      %swap3A_542 = vector.shape_cast %swap3A_541 : vector<1x16xf32> to vector<16xf32>
      %swap3A_543 = vector.shape_cast %add3A_538 : vector<16xf32> to vector<1x16xf32>
      tpu.vector_store %arg9[%swap3A_539, %swap3A_540], %swap3A_543 {strides = array<i32>} : memref<64x768xf32, #tpu.memory_space<vmem>>, vector<1x16xf32>,
      %get3A_544 = arith.index_cast %scan3A_26 : i32 to index
      %get3A_545 = arith.constant 592 : index
      %get3A_546 = tpu.vector_load %arg9[%get3A_544, %get3A_545] {strides = array<i32>} : memref<64x768xf32, #tpu.memory_space<vmem>>, vector<1x16xf32>,
      %get3A_547 = vector.shape_cast %get3A_546 : vector<1x16xf32> to vector<16xf32>
      %get3A_548 = arith.index_cast %scan3A_26 : i32 to index
      %get3A_549 = arith.constant 592 : index
      %get3A_550 = tpu.vector_load %arg8[%get3A_548, %get3A_549] {strides = array<i32>} : memref<64x768xf32, #tpu.memory_space<vmem>>, vector<1x16xf32>,
      %get3A_551 = vector.shape_cast %get3A_550 : vector<1x16xf32> to vector<16xf32>
      %add3A_552 = arith.addf %get3A_547, %get3A_551 : vector<16xf32>
      %swap3A_553 = arith.index_cast %scan3A_26 : i32 to index
      %swap3A_554 = arith.constant 592 : index
      %swap3A_555 = tpu.vector_load %arg9[%swap3A_553, %swap3A_554] {strides = array<i32>} : memref<64x768xf32, #tpu.memory_space<vmem>>, vector<1x16xf32>,
      %swap3A_556 = vector.shape_cast %swap3A_555 : vector<1x16xf32> to vector<16xf32>
      %swap3A_557 = vector.shape_cast %add3A_552 : vector<16xf32> to vector<1x16xf32>
      tpu.vector_store %arg9[%swap3A_553, %swap3A_554], %swap3A_557 {strides = array<i32>} : memref<64x768xf32, #tpu.memory_space<vmem>>, vector<1x16xf32>,
      %get3A_558 = arith.index_cast %scan3A_26 : i32 to index
      %get3A_559 = arith.constant 608 : index
      %get3A_560 = tpu.vector_load %arg9[%get3A_558, %get3A_559] {strides = array<i32>} : memref<64x768xf32, #tpu.memory_space<vmem>>, vector<1x16xf32>,
      %get3A_561 = vector.shape_cast %get3A_560 : vector<1x16xf32> to vector<16xf32>
      %get3A_562 = arith.index_cast %scan3A_26 : i32 to index
      %get3A_563 = arith.constant 608 : index
      %get3A_564 = tpu.vector_load %arg8[%get3A_562, %get3A_563] {strides = array<i32>} : memref<64x768xf32, #tpu.memory_space<vmem>>, vector<1x16xf32>,
      %get3A_565 = vector.shape_cast %get3A_564 : vector<1x16xf32> to vector<16xf32>
      %add3A_566 = arith.addf %get3A_561, %get3A_565 : vector<16xf32>
      %swap3A_567 = arith.index_cast %scan3A_26 : i32 to index
      %swap3A_568 = arith.constant 608 : index
      %swap3A_569 = tpu.vector_load %arg9[%swap3A_567, %swap3A_568] {strides = array<i32>} : memref<64x768xf32, #tpu.memory_space<vmem>>, vector<1x16xf32>,
      %swap3A_570 = vector.shape_cast %swap3A_569 : vector<1x16xf32> to vector<16xf32>
      %swap3A_571 = vector.shape_cast %add3A_566 : vector<16xf32> to vector<1x16xf32>
      tpu.vector_store %arg9[%swap3A_567, %swap3A_568], %swap3A_571 {strides = array<i32>} : memref<64x768xf32, #tpu.memory_space<vmem>>, vector<1x16xf32>,
      %get3A_572 = arith.index_cast %scan3A_26 : i32 to index
      %get3A_573 = arith.constant 624 : index
      %get3A_574 = tpu.vector_load %arg9[%get3A_572, %get3A_573] {strides = array<i32>} : memref<64x768xf32, #tpu.memory_space<vmem>>, vector<1x16xf32>,
      %get3A_575 = vector.shape_cast %get3A_574 : vector<1x16xf32> to vector<16xf32>
      %get3A_576 = arith.index_cast %scan3A_26 : i32 to index
      %get3A_577 = arith.constant 624 : index
      %get3A_578 = tpu.vector_load %arg8[%get3A_576, %get3A_577] {strides = array<i32>} : memref<64x768xf32, #tpu.memory_space<vmem>>, vector<1x16xf32>,
      %get3A_579 = vector.shape_cast %get3A_578 : vector<1x16xf32> to vector<16xf32>
      %add3A_580 = arith.addf %get3A_575, %get3A_579 : vector<16xf32>
      %swap3A_581 = arith.index_cast %scan3A_26 : i32 to index
      %swap3A_582 = arith.constant 624 : index
      %swap3A_583 = tpu.vector_load %arg9[%swap3A_581, %swap3A_582] {strides = array<i32>} : memref<64x768xf32, #tpu.memory_space<vmem>>, vector<1x16xf32>,
      %swap3A_584 = vector.shape_cast %swap3A_583 : vector<1x16xf32> to vector<16xf32>
      %swap3A_585 = vector.shape_cast %add3A_580 : vector<16xf32> to vector<1x16xf32>
      tpu.vector_store %arg9[%swap3A_581, %swap3A_582], %swap3A_585 {strides = array<i32>} : memref<64x768xf32, #tpu.memory_space<vmem>>, vector<1x16xf32>,
      %get3A_586 = arith.index_cast %scan3A_26 : i32 to index
      %get3A_587 = arith.constant 640 : index
      %get3A_588 = tpu.vector_load %arg9[%get3A_586, %get3A_587] {strides = array<i32>} : memref<64x768xf32, #tpu.memory_space<vmem>>, vector<1x16xf32>,
      %get3A_589 = vector.shape_cast %get3A_588 : vector<1x16xf32> to vector<16xf32>
      %get3A_590 = arith.index_cast %scan3A_26 : i32 to index
      %get3A_591 = arith.constant 640 : index
      %get3A_592 = tpu.vector_load %arg8[%get3A_590, %get3A_591] {strides = array<i32>} : memref<64x768xf32, #tpu.memory_space<vmem>>, vector<1x16xf32>,
      %get3A_593 = vector.shape_cast %get3A_592 : vector<1x16xf32> to vector<16xf32>
      %add3A_594 = arith.addf %get3A_589, %get3A_593 : vector<16xf32>
      %swap3A_595 = arith.index_cast %scan3A_26 : i32 to index
      %swap3A_596 = arith.constant 640 : index
      %swap3A_597 = tpu.vector_load %arg9[%swap3A_595, %swap3A_596] {strides = array<i32>} : memref<64x768xf32, #tpu.memory_space<vmem>>, vector<1x16xf32>,
      %swap3A_598 = vector.shape_cast %swap3A_597 : vector<1x16xf32> to vector<16xf32>
      %swap3A_599 = vector.shape_cast %add3A_594 : vector<16xf32> to vector<1x16xf32>
      tpu.vector_store %arg9[%swap3A_595, %swap3A_596], %swap3A_599 {strides = array<i32>} : memref<64x768xf32, #tpu.memory_space<vmem>>, vector<1x16xf32>,
      %get3A_600 = arith.index_cast %scan3A_26 : i32 to index
      %get3A_601 = arith.constant 656 : index
      %get3A_602 = tpu.vector_load %arg9[%get3A_600, %get3A_601] {strides = array<i32>} : memref<64x768xf32, #tpu.memory_space<vmem>>, vector<1x16xf32>,
      %get3A_603 = vector.shape_cast %get3A_602 : vector<1x16xf32> to vector<16xf32>
      %get3A_604 = arith.index_cast %scan3A_26 : i32 to index
      %get3A_605 = arith.constant 656 : index
      %get3A_606 = tpu.vector_load %arg8[%get3A_604, %get3A_605] {strides = array<i32>} : memref<64x768xf32, #tpu.memory_space<vmem>>, vector<1x16xf32>,
      %get3A_607 = vector.shape_cast %get3A_606 : vector<1x16xf32> to vector<16xf32>
      %add3A_608 = arith.addf %get3A_603, %get3A_607 : vector<16xf32>
      %swap3A_609 = arith.index_cast %scan3A_26 : i32 to index
      %swap3A_610 = arith.constant 656 : index
      %swap3A_611 = tpu.vector_load %arg9[%swap3A_609, %swap3A_610] {strides = array<i32>} : memref<64x768xf32, #tpu.memory_space<vmem>>, vector<1x16xf32>,
      %swap3A_612 = vector.shape_cast %swap3A_611 : vector<1x16xf32> to vector<16xf32>
      %swap3A_613 = vector.shape_cast %add3A_608 : vector<16xf32> to vector<1x16xf32>
      tpu.vector_store %arg9[%swap3A_609, %swap3A_610], %swap3A_613 {strides = array<i32>} : memref<64x768xf32, #tpu.memory_space<vmem>>, vector<1x16xf32>,
      %get3A_614 = arith.index_cast %scan3A_26 : i32 to index
      %get3A_615 = arith.constant 672 : index
      %get3A_616 = tpu.vector_load %arg9[%get3A_614, %get3A_615] {strides = array<i32>} : memref<64x768xf32, #tpu.memory_space<vmem>>, vector<1x16xf32>,
      %get3A_617 = vector.shape_cast %get3A_616 : vector<1x16xf32> to vector<16xf32>
      %get3A_618 = arith.index_cast %scan3A_26 : i32 to index
      %get3A_619 = arith.constant 672 : index
      %get3A_620 = tpu.vector_load %arg8[%get3A_618, %get3A_619] {strides = array<i32>} : memref<64x768xf32, #tpu.memory_space<vmem>>, vector<1x16xf32>,
      %get3A_621 = vector.shape_cast %get3A_620 : vector<1x16xf32> to vector<16xf32>
      %add3A_622 = arith.addf %get3A_617, %get3A_621 : vector<16xf32>
      %swap3A_623 = arith.index_cast %scan3A_26 : i32 to index
      %swap3A_624 = arith.constant 672 : index
      %swap3A_625 = tpu.vector_load %arg9[%swap3A_623, %swap3A_624] {strides = array<i32>} : memref<64x768xf32, #tpu.memory_space<vmem>>, vector<1x16xf32>,
      %swap3A_626 = vector.shape_cast %swap3A_625 : vector<1x16xf32> to vector<16xf32>
      %swap3A_627 = vector.shape_cast %add3A_622 : vector<16xf32> to vector<1x16xf32>
      tpu.vector_store %arg9[%swap3A_623, %swap3A_624], %swap3A_627 {strides = array<i32>} : memref<64x768xf32, #tpu.memory_space<vmem>>, vector<1x16xf32>,
      %get3A_628 = arith.index_cast %scan3A_26 : i32 to index
      %get3A_629 = arith.constant 688 : index
      %get3A_630 = tpu.vector_load %arg9[%get3A_628, %get3A_629] {strides = array<i32>} : memref<64x768xf32, #tpu.memory_space<vmem>>, vector<1x16xf32>,
      %get3A_631 = vector.shape_cast %get3A_630 : vector<1x16xf32> to vector<16xf32>
      %get3A_632 = arith.index_cast %scan3A_26 : i32 to index
      %get3A_633 = arith.constant 688 : index
      %get3A_634 = tpu.vector_load %arg8[%get3A_632, %get3A_633] {strides = array<i32>} : memref<64x768xf32, #tpu.memory_space<vmem>>, vector<1x16xf32>,
      %get3A_635 = vector.shape_cast %get3A_634 : vector<1x16xf32> to vector<16xf32>
      %add3A_636 = arith.addf %get3A_631, %get3A_635 : vector<16xf32>
      %swap3A_637 = arith.index_cast %scan3A_26 : i32 to index
      %swap3A_638 = arith.constant 688 : index
      %swap3A_639 = tpu.vector_load %arg9[%swap3A_637, %swap3A_638] {strides = array<i32>} : memref<64x768xf32, #tpu.memory_space<vmem>>, vector<1x16xf32>,
      %swap3A_640 = vector.shape_cast %swap3A_639 : vector<1x16xf32> to vector<16xf32>
      %swap3A_641 = vector.shape_cast %add3A_636 : vector<16xf32> to vector<1x16xf32>
      tpu.vector_store %arg9[%swap3A_637, %swap3A_638], %swap3A_641 {strides = array<i32>} : memref<64x768xf32, #tpu.memory_space<vmem>>, vector<1x16xf32>,
      %get3A_642 = arith.index_cast %scan3A_26 : i32 to index
      %get3A_643 = arith.constant 704 : index
      %get3A_644 = tpu.vector_load %arg9[%get3A_642, %get3A_643] {strides = array<i32>} : memref<64x768xf32, #tpu.memory_space<vmem>>, vector<1x16xf32>,
      %get3A_645 = vector.shape_cast %get3A_644 : vector<1x16xf32> to vector<16xf32>
      %get3A_646 = arith.index_cast %scan3A_26 : i32 to index
      %get3A_647 = arith.constant 704 : index
      %get3A_648 = tpu.vector_load %arg8[%get3A_646, %get3A_647] {strides = array<i32>} : memref<64x768xf32, #tpu.memory_space<vmem>>, vector<1x16xf32>,
      %get3A_649 = vector.shape_cast %get3A_648 : vector<1x16xf32> to vector<16xf32>
      %add3A_650 = arith.addf %get3A_645, %get3A_649 : vector<16xf32>
      %swap3A_651 = arith.index_cast %scan3A_26 : i32 to index
      %swap3A_652 = arith.constant 704 : index
      %swap3A_653 = tpu.vector_load %arg9[%swap3A_651, %swap3A_652] {strides = array<i32>} : memref<64x768xf32, #tpu.memory_space<vmem>>, vector<1x16xf32>,
      %swap3A_654 = vector.shape_cast %swap3A_653 : vector<1x16xf32> to vector<16xf32>
      %swap3A_655 = vector.shape_cast %add3A_650 : vector<16xf32> to vector<1x16xf32>
      tpu.vector_store %arg9[%swap3A_651, %swap3A_652], %swap3A_655 {strides = array<i32>} : memref<64x768xf32, #tpu.memory_space<vmem>>, vector<1x16xf32>,
      %get3A_656 = arith.index_cast %scan3A_26 : i32 to index
      %get3A_657 = arith.constant 720 : index
      %get3A_658 = tpu.vector_load %arg9[%get3A_656, %get3A_657] {strides = array<i32>} : memref<64x768xf32, #tpu.memory_space<vmem>>, vector<1x16xf32>,
      %get3A_659 = vector.shape_cast %get3A_658 : vector<1x16xf32> to vector<16xf32>
      %get3A_660 = arith.index_cast %scan3A_26 : i32 to index
      %get3A_661 = arith.constant 720 : index
      %get3A_662 = tpu.vector_load %arg8[%get3A_660, %get3A_661] {strides = array<i32>} : memref<64x768xf32, #tpu.memory_space<vmem>>, vector<1x16xf32>,
      %get3A_663 = vector.shape_cast %get3A_662 : vector<1x16xf32> to vector<16xf32>
      %add3A_664 = arith.addf %get3A_659, %get3A_663 : vector<16xf32>
      %swap3A_665 = arith.index_cast %scan3A_26 : i32 to index
      %swap3A_666 = arith.constant 720 : index
      %swap3A_667 = tpu.vector_load %arg9[%swap3A_665, %swap3A_666] {strides = array<i32>} : memref<64x768xf32, #tpu.memory_space<vmem>>, vector<1x16xf32>,
      %swap3A_668 = vector.shape_cast %swap3A_667 : vector<1x16xf32> to vector<16xf32>
      %swap3A_669 = vector.shape_cast %add3A_664 : vector<16xf32> to vector<1x16xf32>
      tpu.vector_store %arg9[%swap3A_665, %swap3A_666], %swap3A_669 {strides = array<i32>} : memref<64x768xf32, #tpu.memory_space<vmem>>, vector<1x16xf32>,
      %get3A_670 = arith.index_cast %scan3A_26 : i32 to index
      %get3A_671 = arith.constant 736 : index
      %get3A_672 = tpu.vector_load %arg9[%get3A_670, %get3A_671] {strides = array<i32>} : memref<64x768xf32, #tpu.memory_space<vmem>>, vector<1x16xf32>,
      %get3A_673 = vector.shape_cast %get3A_672 : vector<1x16xf32> to vector<16xf32>
      %get3A_674 = arith.index_cast %scan3A_26 : i32 to index
      %get3A_675 = arith.constant 736 : index
      %get3A_676 = tpu.vector_load %arg8[%get3A_674, %get3A_675] {strides = array<i32>} : memref<64x768xf32, #tpu.memory_space<vmem>>, vector<1x16xf32>,
      %get3A_677 = vector.shape_cast %get3A_676 : vector<1x16xf32> to vector<16xf32>
      %add3A_678 = arith.addf %get3A_673, %get3A_677 : vector<16xf32>
      %swap3A_679 = arith.index_cast %scan3A_26 : i32 to index
      %swap3A_680 = arith.constant 736 : index
      %swap3A_681 = tpu.vector_load %arg9[%swap3A_679, %swap3A_680] {strides = array<i32>} : memref<64x768xf32, #tpu.memory_space<vmem>>, vector<1x16xf32>,
      %swap3A_682 = vector.shape_cast %swap3A_681 : vector<1x16xf32> to vector<16xf32>
      %swap3A_683 = vector.shape_cast %add3A_678 : vector<16xf32> to vector<1x16xf32>
      tpu.vector_store %arg9[%swap3A_679, %swap3A_680], %swap3A_683 {strides = array<i32>} : memref<64x768xf32, #tpu.memory_space<vmem>>, vector<1x16xf32>,
      %get3A_684 = arith.index_cast %scan3A_26 : i32 to index
      %get3A_685 = arith.constant 752 : index
      %get3A_686 = tpu.vector_load %arg9[%get3A_684, %get3A_685] {strides = array<i32>} : memref<64x768xf32, #tpu.memory_space<vmem>>, vector<1x16xf32>,
      %get3A_687 = vector.shape_cast %get3A_686 : vector<1x16xf32> to vector<16xf32>
      %get3A_688 = arith.index_cast %scan3A_26 : i32 to index
      %get3A_689 = arith.constant 752 : index
      %get3A_690 = tpu.vector_load %arg8[%get3A_688, %get3A_689] {strides = array<i32>} : memref<64x768xf32, #tpu.memory_space<vmem>>, vector<1x16xf32>,
      %get3A_691 = vector.shape_cast %get3A_690 : vector<1x16xf32> to vector<16xf32>
      %add3A_692 = arith.addf %get3A_687, %get3A_691 : vector<16xf32>
      %swap3A_693 = arith.index_cast %scan3A_26 : i32 to index
      %swap3A_694 = arith.constant 752 : index
      %swap3A_695 = tpu.vector_load %arg9[%swap3A_693, %swap3A_694] {strides = array<i32>} : memref<64x768xf32, #tpu.memory_space<vmem>>, vector<1x16xf32>,
      %swap3A_696 = vector.shape_cast %swap3A_695 : vector<1x16xf32> to vector<16xf32>
      %swap3A_697 = vector.shape_cast %add3A_692 : vector<16xf32> to vector<1x16xf32>
      tpu.vector_store %arg9[%swap3A_693, %swap3A_694], %swap3A_697 {strides = array<i32>} : memref<64x768xf32, #tpu.memory_space<vmem>>, vector<1x16xf32>,
      %scan3A_698 = arith.constant 0 : i32
      scf.yield %scan3A_698 : i32
    }
    %scan3A_12 = arith.constant 64 : i32
    "tpu.region"() ({
      %run_scoped3A = tpu.sem_alloc : memref<!tpu.dma_semaphore, #tpu.memory_space<semaphore_mem>>
      %dma_start3A_26 = tpu.memref_slice %arg4[%add3A] : memref<2048xi32, #tpu.memory_space<hbm>> -> memref<64xi32, #tpu.memory_space<hbm>>
      %dma_start3A_27 = tpu.memref_slice %arg4[%add3A] : memref<2048xi32, #tpu.memory_space<hbm>> -> memref<64xi32, #tpu.memory_space<hbm>>
      tpu.enqueue_dma source(%dma_start3A_27 : memref<64xi32, #tpu.memory_space<hbm>>) target(%arg7 : memref<64xi32, #tpu.memory_space<vmem>>) target_semaphore(%run_scoped3A : memref<!tpu.dma_semaphore, #tpu.memory_space<semaphore_mem>>)
      %dma_wait3A_28 = tpu.memref_slice %arg4[%add3A] : memref<2048xi32, #tpu.memory_space<hbm>> -> memref<64xi32, #tpu.memory_space<hbm>>
      %dma_wait3A_29 = tpu.memref_slice %arg4[%add3A] : memref<2048xi32, #tpu.memory_space<hbm>> -> memref<64xi32, #tpu.memory_space<hbm>>
      tpu.wait_dma2 semaphore(%run_scoped3A : memref<!tpu.dma_semaphore, #tpu.memory_space<semaphore_mem>>) src(%dma_wait3A_29 : memref<64xi32, #tpu.memory_space<hbm>>) dst(%arg7 : memref<64xi32, #tpu.memory_space<vmem>>)
      tpu.yield
    }) : () -> ()
    %dma_start3A_13 = arith.constant 0 : i32
    %dma_start3A_14 = arith.constant 0 : i32
    %dma_start3A_15 = tpu.memref_slice %arg2[%dma_start3A_13, %dma_start3A_14] : memref<8192x768xf32, #tpu.memory_space<hbm>> -> memref<8192x768xf32, #tpu.memory_space<hbm>>
    tpu.enqueue_indirect_dma source(%dma_start3A_15 : memref<8192x768xf32, #tpu.memory_space<hbm>>) target(%arg8 : memref<64x768xf32, #tpu.memory_space<vmem>>) offsets(%arg7 : memref<64xi32, #tpu.memory_space<vmem>>) semaphore(%arg10 : memref<!tpu.dma_semaphore, #tpu.memory_space<semaphore_mem>>)
    %dma_wait3A_16 = arith.constant 0 : i32
    %dma_wait3A_17 = arith.constant 0 : i32
    %dma_wait3A_18 = tpu.memref_slice %arg2[%dma_wait3A_16, %dma_wait3A_17] : memref<8192x768xf32, #tpu.memory_space<hbm>> -> memref<8192x768xf32, #tpu.memory_space<hbm>>
    tpu.wait_indirect_dma semaphore(%arg10 : memref<!tpu.dma_semaphore, #tpu.memory_space<semaphore_mem>>) src(%dma_wait3A_18 : memref<8192x768xf32, #tpu.memory_space<hbm>>) dst(%arg8 : memref<64x768xf32, #tpu.memory_space<vmem>>)
    %scan3A_19 = arith.constant 0 : i32
    %scan3A_20 = arith.constant 0 : i32
    %scan3A_21 = arith.constant 64 : i32
    %scan3A_22 = arith.addi %scan3A_20, %scan3A_21 : i32
    %scan3A_23 = arith.constant 1 : i32
    %scan3A_24 = scf.for %scan3A_26 = %scan3A_20 to %scan3A_22 step %scan3A_23 iter_args(%scan3A_27 = %scan3A_19) -> (i32)  : i32 {
      %get3A = arith.index_cast %scan3A_26 : i32 to index
      %get3A_28 = arith.constant 0 : index
      %get3A_29 = tpu.vector_load %arg9[%get3A, %get3A_28] {strides = array<i32>} : memref<64x768xf32, #tpu.memory_space<vmem>>, vector<1x16xf32>,
      %get3A_30 = vector.shape_cast %get3A_29 : vector<1x16xf32> to vector<16xf32>
      %get3A_31 = arith.index_cast %scan3A_26 : i32 to index
      %get3A_32 = arith.constant 0 : index
      %get3A_33 = tpu.vector_load %arg8[%get3A_31, %get3A_32] {strides = array<i32>} : memref<64x768xf32, #tpu.memory_space<vmem>>, vector<1x16xf32>,
      %get3A_34 = vector.shape_cast %get3A_33 : vector<1x16xf32> to vector<16xf32>
      %add3A_35 = arith.addf %get3A_30, %get3A_34 : vector<16xf32>
      %swap3A = arith.index_cast %scan3A_26 : i32 to index
      %swap3A_36 = arith.constant 0 : index
      %swap3A_37 = tpu.vector_load %arg9[%swap3A, %swap3A_36] {strides = array<i32>} : memref<64x768xf32, #tpu.memory_space<vmem>>, vector<1x16xf32>,
      %swap3A_38 = vector.shape_cast %swap3A_37 : vector<1x16xf32> to vector<16xf32>
      %swap3A_39 = vector.shape_cast %add3A_35 : vector<16xf32> to vector<1x16xf32>
      tpu.vector_store %arg9[%swap3A, %swap3A_36], %swap3A_39 {strides = array<i32>} : memref<64x768xf32, #tpu.memory_space<vmem>>, vector<1x16xf32>,
      %get3A_40 = arith.index_cast %scan3A_26 : i32 to index
      %get3A_41 = arith.constant 16 : index
      %get3A_42 = tpu.vector_load %arg9[%get3A_40, %get3A_41] {strides = array<i32>} : memref<64x768xf32, #tpu.memory_space<vmem>>, vector<1x16xf32>,
      %get3A_43 = vector.shape_cast %get3A_42 : vector<1x16xf32> to vector<16xf32>
      %get3A_44 = arith.index_cast %scan3A_26 : i32 to index
      %get3A_45 = arith.constant 16 : index
      %get3A_46 = tpu.vector_load %arg8[%get3A_44, %get3A_45] {strides = array<i32>} : memref<64x768xf32, #tpu.memory_space<vmem>>, vector<1x16xf32>,
      %get3A_47 = vector.shape_cast %get3A_46 : vector<1x16xf32> to vector<16xf32>
      %add3A_48 = arith.addf %get3A_43, %get3A_47 : vector<16xf32>
      %swap3A_49 = arith.index_cast %scan3A_26 : i32 to index
      %swap3A_50 = arith.constant 16 : index
      %swap3A_51 = tpu.vector_load %arg9[%swap3A_49, %swap3A_50] {strides = array<i32>} : memref<64x768xf32, #tpu.memory_space<vmem>>, vector<1x16xf32>,
      %swap3A_52 = vector.shape_cast %swap3A_51 : vector<1x16xf32> to vector<16xf32>
      %swap3A_53 = vector.shape_cast %add3A_48 : vector<16xf32> to vector<1x16xf32>
      tpu.vector_store %arg9[%swap3A_49, %swap3A_50], %swap3A_53 {strides = array<i32>} : memref<64x768xf32, #tpu.memory_space<vmem>>, vector<1x16xf32>,
      %get3A_54 = arith.index_cast %scan3A_26 : i32 to index
      %get3A_55 = arith.constant 32 : index
      %get3A_56 = tpu.vector_load %arg9[%get3A_54, %get3A_55] {strides = array<i32>} : memref<64x768xf32, #tpu.memory_space<vmem>>, vector<1x16xf32>,
      %get3A_57 = vector.shape_cast %get3A_56 : vector<1x16xf32> to vector<16xf32>
      %get3A_58 = arith.index_cast %scan3A_26 : i32 to index
      %get3A_59 = arith.constant 32 : index
      %get3A_60 = tpu.vector_load %arg8[%get3A_58, %get3A_59] {strides = array<i32>} : memref<64x768xf32, #tpu.memory_space<vmem>>, vector<1x16xf32>,
      %get3A_61 = vector.shape_cast %get3A_60 : vector<1x16xf32> to vector<16xf32>
      %add3A_62 = arith.addf %get3A_57, %get3A_61 : vector<16xf32>
      %swap3A_63 = arith.index_cast %scan3A_26 : i32 to index
      %swap3A_64 = arith.constant 32 : index
      %swap3A_65 = tpu.vector_load %arg9[%swap3A_63, %swap3A_64] {strides = array<i32>} : memref<64x768xf32, #tpu.memory_space<vmem>>, vector<1x16xf32>,
      %swap3A_66 = vector.shape_cast %swap3A_65 : vector<1x16xf32> to vector<16xf32>
      %swap3A_67 = vector.shape_cast %add3A_62 : vector<16xf32> to vector<1x16xf32>
      tpu.vector_store %arg9[%swap3A_63, %swap3A_64], %swap3A_67 {strides = array<i32>} : memref<64x768xf32, #tpu.memory_space<vmem>>, vector<1x16xf32>,
      %get3A_68 = arith.index_cast %scan3A_26 : i32 to index
      %get3A_69 = arith.constant 48 : index
      %get3A_70 = tpu.vector_load %arg9[%get3A_68, %get3A_69] {strides = array<i32>} : memref<64x768xf32, #tpu.memory_space<vmem>>, vector<1x16xf32>,
      %get3A_71 = vector.shape_cast %get3A_70 : vector<1x16xf32> to vector<16xf32>
      %get3A_72 = arith.index_cast %scan3A_26 : i32 to index
      %get3A_73 = arith.constant 48 : index
      %get3A_74 = tpu.vector_load %arg8[%get3A_72, %get3A_73] {strides = array<i32>} : memref<64x768xf32, #tpu.memory_space<vmem>>, vector<1x16xf32>,
      %get3A_75 = vector.shape_cast %get3A_74 : vector<1x16xf32> to vector<16xf32>
      %add3A_76 = arith.addf %get3A_71, %get3A_75 : vector<16xf32>
      %swap3A_77 = arith.index_cast %scan3A_26 : i32 to index
      %swap3A_78 = arith.constant 48 : index
      %swap3A_79 = tpu.vector_load %arg9[%swap3A_77, %swap3A_78] {strides = array<i32>} : memref<64x768xf32, #tpu.memory_space<vmem>>, vector<1x16xf32>,
      %swap3A_80 = vector.shape_cast %swap3A_79 : vector<1x16xf32> to vector<16xf32>
      %swap3A_81 = vector.shape_cast %add3A_76 : vector<16xf32> to vector<1x16xf32>
      tpu.vector_store %arg9[%swap3A_77, %swap3A_78], %swap3A_81 {strides = array<i32>} : memref<64x768xf32, #tpu.memory_space<vmem>>, vector<1x16xf32>,
      %get3A_82 = arith.index_cast %scan3A_26 : i32 to index
      %get3A_83 = arith.constant 64 : index
      %get3A_84 = tpu.vector_load %arg9[%get3A_82, %get3A_83] {strides = array<i32>} : memref<64x768xf32, #tpu.memory_space<vmem>>, vector<1x16xf32>,
      %get3A_85 = vector.shape_cast %get3A_84 : vector<1x16xf32> to vector<16xf32>
      %get3A_86 = arith.index_cast %scan3A_26 : i32 to index
      %get3A_87 = arith.constant 64 : index
      %get3A_88 = tpu.vector_load %arg8[%get3A_86, %get3A_87] {strides = array<i32>} : memref<64x768xf32, #tpu.memory_space<vmem>>, vector<1x16xf32>,
      %get3A_89 = vector.shape_cast %get3A_88 : vector<1x16xf32> to vector<16xf32>
      %add3A_90 = arith.addf %get3A_85, %get3A_89 : vector<16xf32>
      %swap3A_91 = arith.index_cast %scan3A_26 : i32 to index
      %swap3A_92 = arith.constant 64 : index
      %swap3A_93 = tpu.vector_load %arg9[%swap3A_91, %swap3A_92] {strides = array<i32>} : memref<64x768xf32, #tpu.memory_space<vmem>>, vector<1x16xf32>,
      %swap3A_94 = vector.shape_cast %swap3A_93 : vector<1x16xf32> to vector<16xf32>
      %swap3A_95 = vector.shape_cast %add3A_90 : vector<16xf32> to vector<1x16xf32>
      tpu.vector_store %arg9[%swap3A_91, %swap3A_92], %swap3A_95 {strides = array<i32>} : memref<64x768xf32, #tpu.memory_space<vmem>>, vector<1x16xf32>,
      %get3A_96 = arith.index_cast %scan3A_26 : i32 to index
      %get3A_97 = arith.constant 80 : index
      %get3A_98 = tpu.vector_load %arg9[%get3A_96, %get3A_97] {strides = array<i32>} : memref<64x768xf32, #tpu.memory_space<vmem>>, vector<1x16xf32>,
      %get3A_99 = vector.shape_cast %get3A_98 : vector<1x16xf32> to vector<16xf32>
      %get3A_100 = arith.index_cast %scan3A_26 : i32 to index
      %get3A_101 = arith.constant 80 : index
      %get3A_102 = tpu.vector_load %arg8[%get3A_100, %get3A_101] {strides = array<i32>} : memref<64x768xf32, #tpu.memory_space<vmem>>, vector<1x16xf32>,
      %get3A_103 = vector.shape_cast %get3A_102 : vector<1x16xf32> to vector<16xf32>
      %add3A_104 = arith.addf %get3A_99, %get3A_103 : vector<16xf32>
      %swap3A_105 = arith.index_cast %scan3A_26 : i32 to index
      %swap3A_106 = arith.constant 80 : index
      %swap3A_107 = tpu.vector_load %arg9[%swap3A_105, %swap3A_106] {strides = array<i32>} : memref<64x768xf32, #tpu.memory_space<vmem>>, vector<1x16xf32>,
      %swap3A_108 = vector.shape_cast %swap3A_107 : vector<1x16xf32> to vector<16xf32>
      %swap3A_109 = vector.shape_cast %add3A_104 : vector<16xf32> to vector<1x16xf32>
      tpu.vector_store %arg9[%swap3A_105, %swap3A_106], %swap3A_109 {strides = array<i32>} : memref<64x768xf32, #tpu.memory_space<vmem>>, vector<1x16xf32>,
      %get3A_110 = arith.index_cast %scan3A_26 : i32 to index
      %get3A_111 = arith.constant 96 : index
      %get3A_112 = tpu.vector_load %arg9[%get3A_110, %get3A_111] {strides = array<i32>} : memref<64x768xf32, #tpu.memory_space<vmem>>, vector<1x16xf32>,
      %get3A_113 = vector.shape_cast %get3A_112 : vector<1x16xf32> to vector<16xf32>
      %get3A_114 = arith.index_cast %scan3A_26 : i32 to index
      %get3A_115 = arith.constant 96 : index
      %get3A_116 = tpu.vector_load %arg8[%get3A_114, %get3A_115] {strides = array<i32>} : memref<64x768xf32, #tpu.memory_space<vmem>>, vector<1x16xf32>,
      %get3A_117 = vector.shape_cast %get3A_116 : vector<1x16xf32> to vector<16xf32>
      %add3A_118 = arith.addf %get3A_113, %get3A_117 : vector<16xf32>
      %swap3A_119 = arith.index_cast %scan3A_26 : i32 to index
      %swap3A_120 = arith.constant 96 : index
      %swap3A_121 = tpu.vector_load %arg9[%swap3A_119, %swap3A_120] {strides = array<i32>} : memref<64x768xf32, #tpu.memory_space<vmem>>, vector<1x16xf32>,
      %swap3A_122 = vector.shape_cast %swap3A_121 : vector<1x16xf32> to vector<16xf32>
      %swap3A_123 = vector.shape_cast %add3A_118 : vector<16xf32> to vector<1x16xf32>
      tpu.vector_store %arg9[%swap3A_119, %swap3A_120], %swap3A_123 {strides = array<i32>} : memref<64x768xf32, #tpu.memory_space<vmem>>, vector<1x16xf32>,
      %get3A_124 = arith.index_cast %scan3A_26 : i32 to index
      %get3A_125 = arith.constant 112 : index
      %get3A_126 = tpu.vector_load %arg9[%get3A_124, %get3A_125] {strides = array<i32>} : memref<64x768xf32, #tpu.memory_space<vmem>>, vector<1x16xf32>,
      %get3A_127 = vector.shape_cast %get3A_126 : vector<1x16xf32> to vector<16xf32>
      %get3A_128 = arith.index_cast %scan3A_26 : i32 to index
      %get3A_129 = arith.constant 112 : index
      %get3A_130 = tpu.vector_load %arg8[%get3A_128, %get3A_129] {strides = array<i32>} : memref<64x768xf32, #tpu.memory_space<vmem>>, vector<1x16xf32>,
      %get3A_131 = vector.shape_cast %get3A_130 : vector<1x16xf32> to vector<16xf32>
      %add3A_132 = arith.addf %get3A_127, %get3A_131 : vector<16xf32>
      %swap3A_133 = arith.index_cast %scan3A_26 : i32 to index
      %swap3A_134 = arith.constant 112 : index
      %swap3A_135 = tpu.vector_load %arg9[%swap3A_133, %swap3A_134] {strides = array<i32>} : memref<64x768xf32, #tpu.memory_space<vmem>>, vector<1x16xf32>,
      %swap3A_136 = vector.shape_cast %swap3A_135 : vector<1x16xf32> to vector<16xf32>
      %swap3A_137 = vector.shape_cast %add3A_132 : vector<16xf32> to vector<1x16xf32>
      tpu.vector_store %arg9[%swap3A_133, %swap3A_134], %swap3A_137 {strides = array<i32>} : memref<64x768xf32, #tpu.memory_space<vmem>>, vector<1x16xf32>,
      %get3A_138 = arith.index_cast %scan3A_26 : i32 to index
      %get3A_139 = arith.constant 128 : index
      %get3A_140 = tpu.vector_load %arg9[%get3A_138, %get3A_139] {strides = array<i32>} : memref<64x768xf32, #tpu.memory_space<vmem>>, vector<1x16xf32>,
      %get3A_141 = vector.shape_cast %get3A_140 : vector<1x16xf32> to vector<16xf32>
      %get3A_142 = arith.index_cast %scan3A_26 : i32 to index
      %get3A_143 = arith.constant 128 : index
      %get3A_144 = tpu.vector_load %arg8[%get3A_142, %get3A_143] {strides = array<i32>} : memref<64x768xf32, #tpu.memory_space<vmem>>, vector<1x16xf32>,
      %get3A_145 = vector.shape_cast %get3A_144 : vector<1x16xf32> to vector<16xf32>
      %add3A_146 = arith.addf %get3A_141, %get3A_145 : vector<16xf32>
      %swap3A_147 = arith.index_cast %scan3A_26 : i32 to index
      %swap3A_148 = arith.constant 128 : index
      %swap3A_149 = tpu.vector_load %arg9[%swap3A_147, %swap3A_148] {strides = array<i32>} : memref<64x768xf32, #tpu.memory_space<vmem>>, vector<1x16xf32>,
      %swap3A_150 = vector.shape_cast %swap3A_149 : vector<1x16xf32> to vector<16xf32>
      %swap3A_151 = vector.shape_cast %add3A_146 : vector<16xf32> to vector<1x16xf32>
      tpu.vector_store %arg9[%swap3A_147, %swap3A_148], %swap3A_151 {strides = array<i32>} : memref<64x768xf32, #tpu.memory_space<vmem>>, vector<1x16xf32>,
      %get3A_152 = arith.index_cast %scan3A_26 : i32 to index
      %get3A_153 = arith.constant 144 : index
      %get3A_154 = tpu.vector_load %arg9[%get3A_152, %get3A_153] {strides = array<i32>} : memref<64x768xf32, #tpu.memory_space<vmem>>, vector<1x16xf32>,
      %get3A_155 = vector.shape_cast %get3A_154 : vector<1x16xf32> to vector<16xf32>
      %get3A_156 = arith.index_cast %scan3A_26 : i32 to index
      %get3A_157 = arith.constant 144 : index
      %get3A_158 = tpu.vector_load %arg8[%get3A_156, %get3A_157] {strides = array<i32>} : memref<64x768xf32, #tpu.memory_space<vmem>>, vector<1x16xf32>,
      %get3A_159 = vector.shape_cast %get3A_158 : vector<1x16xf32> to vector<16xf32>
      %add3A_160 = arith.addf %get3A_155, %get3A_159 : vector<16xf32>
      %swap3A_161 = arith.index_cast %scan3A_26 : i32 to index
      %swap3A_162 = arith.constant 144 : index
      %swap3A_163 = tpu.vector_load %arg9[%swap3A_161, %swap3A_162] {strides = array<i32>} : memref<64x768xf32, #tpu.memory_space<vmem>>, vector<1x16xf32>,
      %swap3A_164 = vector.shape_cast %swap3A_163 : vector<1x16xf32> to vector<16xf32>
      %swap3A_165 = vector.shape_cast %add3A_160 : vector<16xf32> to vector<1x16xf32>
      tpu.vector_store %arg9[%swap3A_161, %swap3A_162], %swap3A_165 {strides = array<i32>} : memref<64x768xf32, #tpu.memory_space<vmem>>, vector<1x16xf32>,
      %get3A_166 = arith.index_cast %scan3A_26 : i32 to index
      %get3A_167 = arith.constant 160 : index
      %get3A_168 = tpu.vector_load %arg9[%get3A_166, %get3A_167] {strides = array<i32>} : memref<64x768xf32, #tpu.memory_space<vmem>>, vector<1x16xf32>,
      %get3A_169 = vector.shape_cast %get3A_168 : vector<1x16xf32> to vector<16xf32>
      %get3A_170 = arith.index_cast %scan3A_26 : i32 to index
      %get3A_171 = arith.constant 160 : index
      %get3A_172 = tpu.vector_load %arg8[%get3A_170, %get3A_171] {strides = array<i32>} : memref<64x768xf32, #tpu.memory_space<vmem>>, vector<1x16xf32>,
      %get3A_173 = vector.shape_cast %get3A_172 : vector<1x16xf32> to vector<16xf32>
      %add3A_174 = arith.addf %get3A_169, %get3A_173 : vector<16xf32>
      %swap3A_175 = arith.index_cast %scan3A_26 : i32 to index
      %swap3A_176 = arith.constant 160 : index
      %swap3A_177 = tpu.vector_load %arg9[%swap3A_175, %swap3A_176] {strides = array<i32>} : memref<64x768xf32, #tpu.memory_space<vmem>>, vector<1x16xf32>,
      %swap3A_178 = vector.shape_cast %swap3A_177 : vector<1x16xf32> to vector<16xf32>
      %swap3A_179 = vector.shape_cast %add3A_174 : vector<16xf32> to vector<1x16xf32>
      tpu.vector_store %arg9[%swap3A_175, %swap3A_176], %swap3A_179 {strides = array<i32>} : memref<64x768xf32, #tpu.memory_space<vmem>>, vector<1x16xf32>,
      %get3A_180 = arith.index_cast %scan3A_26 : i32 to index
      %get3A_181 = arith.constant 176 : index
      %get3A_182 = tpu.vector_load %arg9[%get3A_180, %get3A_181] {strides = array<i32>} : memref<64x768xf32, #tpu.memory_space<vmem>>, vector<1x16xf32>,
      %get3A_183 = vector.shape_cast %get3A_182 : vector<1x16xf32> to vector<16xf32>
      %get3A_184 = arith.index_cast %scan3A_26 : i32 to index
      %get3A_185 = arith.constant 176 : index
      %get3A_186 = tpu.vector_load %arg8[%get3A_184, %get3A_185] {strides = array<i32>} : memref<64x768xf32, #tpu.memory_space<vmem>>, vector<1x16xf32>,
      %get3A_187 = vector.shape_cast %get3A_186 : vector<1x16xf32> to vector<16xf32>
      %add3A_188 = arith.addf %get3A_183, %get3A_187 : vector<16xf32>
      %swap3A_189 = arith.index_cast %scan3A_26 : i32 to index
      %swap3A_190 = arith.constant 176 : index
      %swap3A_191 = tpu.vector_load %arg9[%swap3A_189, %swap3A_190] {strides = array<i32>} : memref<64x768xf32, #tpu.memory_space<vmem>>, vector<1x16xf32>,
      %swap3A_192 = vector.shape_cast %swap3A_191 : vector<1x16xf32> to vector<16xf32>
      %swap3A_193 = vector.shape_cast %add3A_188 : vector<16xf32> to vector<1x16xf32>
      tpu.vector_store %arg9[%swap3A_189, %swap3A_190], %swap3A_193 {strides = array<i32>} : memref<64x768xf32, #tpu.memory_space<vmem>>, vector<1x16xf32>,
      %get3A_194 = arith.index_cast %scan3A_26 : i32 to index
      %get3A_195 = arith.constant 192 : index
      %get3A_196 = tpu.vector_load %arg9[%get3A_194, %get3A_195] {strides = array<i32>} : memref<64x768xf32, #tpu.memory_space<vmem>>, vector<1x16xf32>,
      %get3A_197 = vector.shape_cast %get3A_196 : vector<1x16xf32> to vector<16xf32>
      %get3A_198 = arith.index_cast %scan3A_26 : i32 to index
      %get3A_199 = arith.constant 192 : index
      %get3A_200 = tpu.vector_load %arg8[%get3A_198, %get3A_199] {strides = array<i32>} : memref<64x768xf32, #tpu.memory_space<vmem>>, vector<1x16xf32>,
      %get3A_201 = vector.shape_cast %get3A_200 : vector<1x16xf32> to vector<16xf32>
      %add3A_202 = arith.addf %get3A_197, %get3A_201 : vector<16xf32>
      %swap3A_203 = arith.index_cast %scan3A_26 : i32 to index
      %swap3A_204 = arith.constant 192 : index
      %swap3A_205 = tpu.vector_load %arg9[%swap3A_203, %swap3A_204] {strides = array<i32>} : memref<64x768xf32, #tpu.memory_space<vmem>>, vector<1x16xf32>,
      %swap3A_206 = vector.shape_cast %swap3A_205 : vector<1x16xf32> to vector<16xf32>
      %swap3A_207 = vector.shape_cast %add3A_202 : vector<16xf32> to vector<1x16xf32>
      tpu.vector_store %arg9[%swap3A_203, %swap3A_204], %swap3A_207 {strides = array<i32>} : memref<64x768xf32, #tpu.memory_space<vmem>>, vector<1x16xf32>,
      %get3A_208 = arith.index_cast %scan3A_26 : i32 to index
      %get3A_209 = arith.constant 208 : index
      %get3A_210 = tpu.vector_load %arg9[%get3A_208, %get3A_209] {strides = array<i32>} : memref<64x768xf32, #tpu.memory_space<vmem>>, vector<1x16xf32>,
      %get3A_211 = vector.shape_cast %get3A_210 : vector<1x16xf32> to vector<16xf32>
      %get3A_212 = arith.index_cast %scan3A_26 : i32 to index
      %get3A_213 = arith.constant 208 : index
      %get3A_214 = tpu.vector_load %arg8[%get3A_212, %get3A_213] {strides = array<i32>} : memref<64x768xf32, #tpu.memory_space<vmem>>, vector<1x16xf32>,
      %get3A_215 = vector.shape_cast %get3A_214 : vector<1x16xf32> to vector<16xf32>
      %add3A_216 = arith.addf %get3A_211, %get3A_215 : vector<16xf32>
      %swap3A_217 = arith.index_cast %scan3A_26 : i32 to index
      %swap3A_218 = arith.constant 208 : index
      %swap3A_219 = tpu.vector_load %arg9[%swap3A_217, %swap3A_218] {strides = array<i32>} : memref<64x768xf32, #tpu.memory_space<vmem>>, vector<1x16xf32>,
      %swap3A_220 = vector.shape_cast %swap3A_219 : vector<1x16xf32> to vector<16xf32>
      %swap3A_221 = vector.shape_cast %add3A_216 : vector<16xf32> to vector<1x16xf32>
      tpu.vector_store %arg9[%swap3A_217, %swap3A_218], %swap3A_221 {strides = array<i32>} : memref<64x768xf32, #tpu.memory_space<vmem>>, vector<1x16xf32>,
      %get3A_222 = arith.index_cast %scan3A_26 : i32 to index
      %get3A_223 = arith.constant 224 : index
      %get3A_224 = tpu.vector_load %arg9[%get3A_222, %get3A_223] {strides = array<i32>} : memref<64x768xf32, #tpu.memory_space<vmem>>, vector<1x16xf32>,
      %get3A_225 = vector.shape_cast %get3A_224 : vector<1x16xf32> to vector<16xf32>
      %get3A_226 = arith.index_cast %scan3A_26 : i32 to index
      %get3A_227 = arith.constant 224 : index
      %get3A_228 = tpu.vector_load %arg8[%get3A_226, %get3A_227] {strides = array<i32>} : memref<64x768xf32, #tpu.memory_space<vmem>>, vector<1x16xf32>,
      %get3A_229 = vector.shape_cast %get3A_228 : vector<1x16xf32> to vector<16xf32>
      %add3A_230 = arith.addf %get3A_225, %get3A_229 : vector<16xf32>
      %swap3A_231 = arith.index_cast %scan3A_26 : i32 to index
      %swap3A_232 = arith.constant 224 : index
      %swap3A_233 = tpu.vector_load %arg9[%swap3A_231, %swap3A_232] {strides = array<i32>} : memref<64x768xf32, #tpu.memory_space<vmem>>, vector<1x16xf32>,
      %swap3A_234 = vector.shape_cast %swap3A_233 : vector<1x16xf32> to vector<16xf32>
      %swap3A_235 = vector.shape_cast %add3A_230 : vector<16xf32> to vector<1x16xf32>
      tpu.vector_store %arg9[%swap3A_231, %swap3A_232], %swap3A_235 {strides = array<i32>} : memref<64x768xf32, #tpu.memory_space<vmem>>, vector<1x16xf32>,
      %get3A_236 = arith.index_cast %scan3A_26 : i32 to index
      %get3A_237 = arith.constant 240 : index
      %get3A_238 = tpu.vector_load %arg9[%get3A_236, %get3A_237] {strides = array<i32>} : memref<64x768xf32, #tpu.memory_space<vmem>>, vector<1x16xf32>,
      %get3A_239 = vector.shape_cast %get3A_238 : vector<1x16xf32> to vector<16xf32>
      %get3A_240 = arith.index_cast %scan3A_26 : i32 to index
      %get3A_241 = arith.constant 240 : index
      %get3A_242 = tpu.vector_load %arg8[%get3A_240, %get3A_241] {strides = array<i32>} : memref<64x768xf32, #tpu.memory_space<vmem>>, vector<1x16xf32>,
      %get3A_243 = vector.shape_cast %get3A_242 : vector<1x16xf32> to vector<16xf32>
      %add3A_244 = arith.addf %get3A_239, %get3A_243 : vector<16xf32>
      %swap3A_245 = arith.index_cast %scan3A_26 : i32 to index
      %swap3A_246 = arith.constant 240 : index
      %swap3A_247 = tpu.vector_load %arg9[%swap3A_245, %swap3A_246] {strides = array<i32>} : memref<64x768xf32, #tpu.memory_space<vmem>>, vector<1x16xf32>,
      %swap3A_248 = vector.shape_cast %swap3A_247 : vector<1x16xf32> to vector<16xf32>
      %swap3A_249 = vector.shape_cast %add3A_244 : vector<16xf32> to vector<1x16xf32>
      tpu.vector_store %arg9[%swap3A_245, %swap3A_246], %swap3A_249 {strides = array<i32>} : memref<64x768xf32, #tpu.memory_space<vmem>>, vector<1x16xf32>,
      %get3A_250 = arith.index_cast %scan3A_26 : i32 to index
      %get3A_251 = arith.constant 256 : index
      %get3A_252 = tpu.vector_load %arg9[%get3A_250, %get3A_251] {strides = array<i32>} : memref<64x768xf32, #tpu.memory_space<vmem>>, vector<1x16xf32>,
      %get3A_253 = vector.shape_cast %get3A_252 : vector<1x16xf32> to vector<16xf32>
      %get3A_254 = arith.index_cast %scan3A_26 : i32 to index
      %get3A_255 = arith.constant 256 : index
      %get3A_256 = tpu.vector_load %arg8[%get3A_254, %get3A_255] {strides = array<i32>} : memref<64x768xf32, #tpu.memory_space<vmem>>, vector<1x16xf32>,
      %get3A_257 = vector.shape_cast %get3A_256 : vector<1x16xf32> to vector<16xf32>
      %add3A_258 = arith.addf %get3A_253, %get3A_257 : vector<16xf32>
      %swap3A_259 = arith.index_cast %scan3A_26 : i32 to index
      %swap3A_260 = arith.constant 256 : index
      %swap3A_261 = tpu.vector_load %arg9[%swap3A_259, %swap3A_260] {strides = array<i32>} : memref<64x768xf32, #tpu.memory_space<vmem>>, vector<1x16xf32>,
      %swap3A_262 = vector.shape_cast %swap3A_261 : vector<1x16xf32> to vector<16xf32>
      %swap3A_263 = vector.shape_cast %add3A_258 : vector<16xf32> to vector<1x16xf32>
      tpu.vector_store %arg9[%swap3A_259, %swap3A_260], %swap3A_263 {strides = array<i32>} : memref<64x768xf32, #tpu.memory_space<vmem>>, vector<1x16xf32>,
      %get3A_264 = arith.index_cast %scan3A_26 : i32 to index
      %get3A_265 = arith.constant 272 : index
      %get3A_266 = tpu.vector_load %arg9[%get3A_264, %get3A_265] {strides = array<i32>} : memref<64x768xf32, #tpu.memory_space<vmem>>, vector<1x16xf32>,
      %get3A_267 = vector.shape_cast %get3A_266 : vector<1x16xf32> to vector<16xf32>
      %get3A_268 = arith.index_cast %scan3A_26 : i32 to index
      %get3A_269 = arith.constant 272 : index
      %get3A_270 = tpu.vector_load %arg8[%get3A_268, %get3A_269] {strides = array<i32>} : memref<64x768xf32, #tpu.memory_space<vmem>>, vector<1x16xf32>,
      %get3A_271 = vector.shape_cast %get3A_270 : vector<1x16xf32> to vector<16xf32>
      %add3A_272 = arith.addf %get3A_267, %get3A_271 : vector<16xf32>
      %swap3A_273 = arith.index_cast %scan3A_26 : i32 to index
      %swap3A_274 = arith.constant 272 : index
      %swap3A_275 = tpu.vector_load %arg9[%swap3A_273, %swap3A_274] {strides = array<i32>} : memref<64x768xf32, #tpu.memory_space<vmem>>, vector<1x16xf32>,
      %swap3A_276 = vector.shape_cast %swap3A_275 : vector<1x16xf32> to vector<16xf32>
      %swap3A_277 = vector.shape_cast %add3A_272 : vector<16xf32> to vector<1x16xf32>
      tpu.vector_store %arg9[%swap3A_273, %swap3A_274], %swap3A_277 {strides = array<i32>} : memref<64x768xf32, #tpu.memory_space<vmem>>, vector<1x16xf32>,
      %get3A_278 = arith.index_cast %scan3A_26 : i32 to index
      %get3A_279 = arith.constant 288 : index
      %get3A_280 = tpu.vector_load %arg9[%get3A_278, %get3A_279] {strides = array<i32>} : memref<64x768xf32, #tpu.memory_space<vmem>>, vector<1x16xf32>,
      %get3A_281 = vector.shape_cast %get3A_280 : vector<1x16xf32> to vector<16xf32>
      %get3A_282 = arith.index_cast %scan3A_26 : i32 to index
      %get3A_283 = arith.constant 288 : index
      %get3A_284 = tpu.vector_load %arg8[%get3A_282, %get3A_283] {strides = array<i32>} : memref<64x768xf32, #tpu.memory_space<vmem>>, vector<1x16xf32>,
      %get3A_285 = vector.shape_cast %get3A_284 : vector<1x16xf32> to vector<16xf32>
      %add3A_286 = arith.addf %get3A_281, %get3A_285 : vector<16xf32>
      %swap3A_287 = arith.index_cast %scan3A_26 : i32 to index
      %swap3A_288 = arith.constant 288 : index
      %swap3A_289 = tpu.vector_load %arg9[%swap3A_287, %swap3A_288] {strides = array<i32>} : memref<64x768xf32, #tpu.memory_space<vmem>>, vector<1x16xf32>,
      %swap3A_290 = vector.shape_cast %swap3A_289 : vector<1x16xf32> to vector<16xf32>
      %swap3A_291 = vector.shape_cast %add3A_286 : vector<16xf32> to vector<1x16xf32>
      tpu.vector_store %arg9[%swap3A_287, %swap3A_288], %swap3A_291 {strides = array<i32>} : memref<64x768xf32, #tpu.memory_space<vmem>>, vector<1x16xf32>,
      %get3A_292 = arith.index_cast %scan3A_26 : i32 to index
      %get3A_293 = arith.constant 304 : index
      %get3A_294 = tpu.vector_load %arg9[%get3A_292, %get3A_293] {strides = array<i32>} : memref<64x768xf32, #tpu.memory_space<vmem>>, vector<1x16xf32>,
      %get3A_295 = vector.shape_cast %get3A_294 : vector<1x16xf32> to vector<16xf32>
      %get3A_296 = arith.index_cast %scan3A_26 : i32 to index
      %get3A_297 = arith.constant 304 : index
      %get3A_298 = tpu.vector_load %arg8[%get3A_296, %get3A_297] {strides = array<i32>} : memref<64x768xf32, #tpu.memory_space<vmem>>, vector<1x16xf32>,
      %get3A_299 = vector.shape_cast %get3A_298 : vector<1x16xf32> to vector<16xf32>
      %add3A_300 = arith.addf %get3A_295, %get3A_299 : vector<16xf32>
      %swap3A_301 = arith.index_cast %scan3A_26 : i32 to index
      %swap3A_302 = arith.constant 304 : index
      %swap3A_303 = tpu.vector_load %arg9[%swap3A_301, %swap3A_302] {strides = array<i32>} : memref<64x768xf32, #tpu.memory_space<vmem>>, vector<1x16xf32>,
      %swap3A_304 = vector.shape_cast %swap3A_303 : vector<1x16xf32> to vector<16xf32>
      %swap3A_305 = vector.shape_cast %add3A_300 : vector<16xf32> to vector<1x16xf32>
      tpu.vector_store %arg9[%swap3A_301, %swap3A_302], %swap3A_305 {strides = array<i32>} : memref<64x768xf32, #tpu.memory_space<vmem>>, vector<1x16xf32>,
      %get3A_306 = arith.index_cast %scan3A_26 : i32 to index
      %get3A_307 = arith.constant 320 : index
      %get3A_308 = tpu.vector_load %arg9[%get3A_306, %get3A_307] {strides = array<i32>} : memref<64x768xf32, #tpu.memory_space<vmem>>, vector<1x16xf32>,
      %get3A_309 = vector.shape_cast %get3A_308 : vector<1x16xf32> to vector<16xf32>
      %get3A_310 = arith.index_cast %scan3A_26 : i32 to index
      %get3A_311 = arith.constant 320 : index
      %get3A_312 = tpu.vector_load %arg8[%get3A_310, %get3A_311] {strides = array<i32>} : memref<64x768xf32, #tpu.memory_space<vmem>>, vector<1x16xf32>,
      %get3A_313 = vector.shape_cast %get3A_312 : vector<1x16xf32> to vector<16xf32>
      %add3A_314 = arith.addf %get3A_309, %get3A_313 : vector<16xf32>
      %swap3A_315 = arith.index_cast %scan3A_26 : i32 to index
      %swap3A_316 = arith.constant 320 : index
      %swap3A_317 = tpu.vector_load %arg9[%swap3A_315, %swap3A_316] {strides = array<i32>} : memref<64x768xf32, #tpu.memory_space<vmem>>, vector<1x16xf32>,
      %swap3A_318 = vector.shape_cast %swap3A_317 : vector<1x16xf32> to vector<16xf32>
      %swap3A_319 = vector.shape_cast %add3A_314 : vector<16xf32> to vector<1x16xf32>
      tpu.vector_store %arg9[%swap3A_315, %swap3A_316], %swap3A_319 {strides = array<i32>} : memref<64x768xf32, #tpu.memory_space<vmem>>, vector<1x16xf32>,
      %get3A_320 = arith.index_cast %scan3A_26 : i32 to index
      %get3A_321 = arith.constant 336 : index
      %get3A_322 = tpu.vector_load %arg9[%get3A_320, %get3A_321] {strides = array<i32>} : memref<64x768xf32, #tpu.memory_space<vmem>>, vector<1x16xf32>,
      %get3A_323 = vector.shape_cast %get3A_322 : vector<1x16xf32> to vector<16xf32>
      %get3A_324 = arith.index_cast %scan3A_26 : i32 to index
      %get3A_325 = arith.constant 336 : index
      %get3A_326 = tpu.vector_load %arg8[%get3A_324, %get3A_325] {strides = array<i32>} : memref<64x768xf32, #tpu.memory_space<vmem>>, vector<1x16xf32>,
      %get3A_327 = vector.shape_cast %get3A_326 : vector<1x16xf32> to vector<16xf32>
      %add3A_328 = arith.addf %get3A_323, %get3A_327 : vector<16xf32>
      %swap3A_329 = arith.index_cast %scan3A_26 : i32 to index
      %swap3A_330 = arith.constant 336 : index
      %swap3A_331 = tpu.vector_load %arg9[%swap3A_329, %swap3A_330] {strides = array<i32>} : memref<64x768xf32, #tpu.memory_space<vmem>>, vector<1x16xf32>,
      %swap3A_332 = vector.shape_cast %swap3A_331 : vector<1x16xf32> to vector<16xf32>
      %swap3A_333 = vector.shape_cast %add3A_328 : vector<16xf32> to vector<1x16xf32>
      tpu.vector_store %arg9[%swap3A_329, %swap3A_330], %swap3A_333 {strides = array<i32>} : memref<64x768xf32, #tpu.memory_space<vmem>>, vector<1x16xf32>,
      %get3A_334 = arith.index_cast %scan3A_26 : i32 to index
      %get3A_335 = arith.constant 352 : index
      %get3A_336 = tpu.vector_load %arg9[%get3A_334, %get3A_335] {strides = array<i32>} : memref<64x768xf32, #tpu.memory_space<vmem>>, vector<1x16xf32>,
      %get3A_337 = vector.shape_cast %get3A_336 : vector<1x16xf32> to vector<16xf32>
      %get3A_338 = arith.index_cast %scan3A_26 : i32 to index
      %get3A_339 = arith.constant 352 : index
      %get3A_340 = tpu.vector_load %arg8[%get3A_338, %get3A_339] {strides = array<i32>} : memref<64x768xf32, #tpu.memory_space<vmem>>, vector<1x16xf32>,
      %get3A_341 = vector.shape_cast %get3A_340 : vector<1x16xf32> to vector<16xf32>
      %add3A_342 = arith.addf %get3A_337, %get3A_341 : vector<16xf32>
      %swap3A_343 = arith.index_cast %scan3A_26 : i32 to index
      %swap3A_344 = arith.constant 352 : index
      %swap3A_345 = tpu.vector_load %arg9[%swap3A_343, %swap3A_344] {strides = array<i32>} : memref<64x768xf32, #tpu.memory_space<vmem>>, vector<1x16xf32>,
      %swap3A_346 = vector.shape_cast %swap3A_345 : vector<1x16xf32> to vector<16xf32>
      %swap3A_347 = vector.shape_cast %add3A_342 : vector<16xf32> to vector<1x16xf32>
      tpu.vector_store %arg9[%swap3A_343, %swap3A_344], %swap3A_347 {strides = array<i32>} : memref<64x768xf32, #tpu.memory_space<vmem>>, vector<1x16xf32>,
      %get3A_348 = arith.index_cast %scan3A_26 : i32 to index
      %get3A_349 = arith.constant 368 : index
      %get3A_350 = tpu.vector_load %arg9[%get3A_348, %get3A_349] {strides = array<i32>} : memref<64x768xf32, #tpu.memory_space<vmem>>, vector<1x16xf32>,
      %get3A_351 = vector.shape_cast %get3A_350 : vector<1x16xf32> to vector<16xf32>
      %get3A_352 = arith.index_cast %scan3A_26 : i32 to index
      %get3A_353 = arith.constant 368 : index
      %get3A_354 = tpu.vector_load %arg8[%get3A_352, %get3A_353] {strides = array<i32>} : memref<64x768xf32, #tpu.memory_space<vmem>>, vector<1x16xf32>,
      %get3A_355 = vector.shape_cast %get3A_354 : vector<1x16xf32> to vector<16xf32>
      %add3A_356 = arith.addf %get3A_351, %get3A_355 : vector<16xf32>
      %swap3A_357 = arith.index_cast %scan3A_26 : i32 to index
      %swap3A_358 = arith.constant 368 : index
      %swap3A_359 = tpu.vector_load %arg9[%swap3A_357, %swap3A_358] {strides = array<i32>} : memref<64x768xf32, #tpu.memory_space<vmem>>, vector<1x16xf32>,
      %swap3A_360 = vector.shape_cast %swap3A_359 : vector<1x16xf32> to vector<16xf32>
      %swap3A_361 = vector.shape_cast %add3A_356 : vector<16xf32> to vector<1x16xf32>
      tpu.vector_store %arg9[%swap3A_357, %swap3A_358], %swap3A_361 {strides = array<i32>} : memref<64x768xf32, #tpu.memory_space<vmem>>, vector<1x16xf32>,
      %get3A_362 = arith.index_cast %scan3A_26 : i32 to index
      %get3A_363 = arith.constant 384 : index
      %get3A_364 = tpu.vector_load %arg9[%get3A_362, %get3A_363] {strides = array<i32>} : memref<64x768xf32, #tpu.memory_space<vmem>>, vector<1x16xf32>,
      %get3A_365 = vector.shape_cast %get3A_364 : vector<1x16xf32> to vector<16xf32>
      %get3A_366 = arith.index_cast %scan3A_26 : i32 to index
      %get3A_367 = arith.constant 384 : index
      %get3A_368 = tpu.vector_load %arg8[%get3A_366, %get3A_367] {strides = array<i32>} : memref<64x768xf32, #tpu.memory_space<vmem>>, vector<1x16xf32>,
      %get3A_369 = vector.shape_cast %get3A_368 : vector<1x16xf32> to vector<16xf32>
      %add3A_370 = arith.addf %get3A_365, %get3A_369 : vector<16xf32>
      %swap3A_371 = arith.index_cast %scan3A_26 : i32 to index
      %swap3A_372 = arith.constant 384 : index
      %swap3A_373 = tpu.vector_load %arg9[%swap3A_371, %swap3A_372] {strides = array<i32>} : memref<64x768xf32, #tpu.memory_space<vmem>>, vector<1x16xf32>,
      %swap3A_374 = vector.shape_cast %swap3A_373 : vector<1x16xf32> to vector<16xf32>
      %swap3A_375 = vector.shape_cast %add3A_370 : vector<16xf32> to vector<1x16xf32>
      tpu.vector_store %arg9[%swap3A_371, %swap3A_372], %swap3A_375 {strides = array<i32>} : memref<64x768xf32, #tpu.memory_space<vmem>>, vector<1x16xf32>,
      %get3A_376 = arith.index_cast %scan3A_26 : i32 to index
      %get3A_377 = arith.constant 400 : index
      %get3A_378 = tpu.vector_load %arg9[%get3A_376, %get3A_377] {strides = array<i32>} : memref<64x768xf32, #tpu.memory_space<vmem>>, vector<1x16xf32>,
      %get3A_379 = vector.shape_cast %get3A_378 : vector<1x16xf32> to vector<16xf32>
      %get3A_380 = arith.index_cast %scan3A_26 : i32 to index
      %get3A_381 = arith.constant 400 : index
      %get3A_382 = tpu.vector_load %arg8[%get3A_380, %get3A_381] {strides = array<i32>} : memref<64x768xf32, #tpu.memory_space<vmem>>, vector<1x16xf32>,
      %get3A_383 = vector.shape_cast %get3A_382 : vector<1x16xf32> to vector<16xf32>
      %add3A_384 = arith.addf %get3A_379, %get3A_383 : vector<16xf32>
      %swap3A_385 = arith.index_cast %scan3A_26 : i32 to index
      %swap3A_386 = arith.constant 400 : index
      %swap3A_387 = tpu.vector_load %arg9[%swap3A_385, %swap3A_386] {strides = array<i32>} : memref<64x768xf32, #tpu.memory_space<vmem>>, vector<1x16xf32>,
      %swap3A_388 = vector.shape_cast %swap3A_387 : vector<1x16xf32> to vector<16xf32>
      %swap3A_389 = vector.shape_cast %add3A_384 : vector<16xf32> to vector<1x16xf32>
      tpu.vector_store %arg9[%swap3A_385, %swap3A_386], %swap3A_389 {strides = array<i32>} : memref<64x768xf32, #tpu.memory_space<vmem>>, vector<1x16xf32>,
      %get3A_390 = arith.index_cast %scan3A_26 : i32 to index
      %get3A_391 = arith.constant 416 : index
      %get3A_392 = tpu.vector_load %arg9[%get3A_390, %get3A_391] {strides = array<i32>} : memref<64x768xf32, #tpu.memory_space<vmem>>, vector<1x16xf32>,
      %get3A_393 = vector.shape_cast %get3A_392 : vector<1x16xf32> to vector<16xf32>
      %get3A_394 = arith.index_cast %scan3A_26 : i32 to index
      %get3A_395 = arith.constant 416 : index
      %get3A_396 = tpu.vector_load %arg8[%get3A_394, %get3A_395] {strides = array<i32>} : memref<64x768xf32, #tpu.memory_space<vmem>>, vector<1x16xf32>,
      %get3A_397 = vector.shape_cast %get3A_396 : vector<1x16xf32> to vector<16xf32>
      %add3A_398 = arith.addf %get3A_393, %get3A_397 : vector<16xf32>
      %swap3A_399 = arith.index_cast %scan3A_26 : i32 to index
      %swap3A_400 = arith.constant 416 : index
      %swap3A_401 = tpu.vector_load %arg9[%swap3A_399, %swap3A_400] {strides = array<i32>} : memref<64x768xf32, #tpu.memory_space<vmem>>, vector<1x16xf32>,
      %swap3A_402 = vector.shape_cast %swap3A_401 : vector<1x16xf32> to vector<16xf32>
      %swap3A_403 = vector.shape_cast %add3A_398 : vector<16xf32> to vector<1x16xf32>
      tpu.vector_store %arg9[%swap3A_399, %swap3A_400], %swap3A_403 {strides = array<i32>} : memref<64x768xf32, #tpu.memory_space<vmem>>, vector<1x16xf32>,
      %get3A_404 = arith.index_cast %scan3A_26 : i32 to index
      %get3A_405 = arith.constant 432 : index
      %get3A_406 = tpu.vector_load %arg9[%get3A_404, %get3A_405] {strides = array<i32>} : memref<64x768xf32, #tpu.memory_space<vmem>>, vector<1x16xf32>,
      %get3A_407 = vector.shape_cast %get3A_406 : vector<1x16xf32> to vector<16xf32>
      %get3A_408 = arith.index_cast %scan3A_26 : i32 to index
      %get3A_409 = arith.constant 432 : index
      %get3A_410 = tpu.vector_load %arg8[%get3A_408, %get3A_409] {strides = array<i32>} : memref<64x768xf32, #tpu.memory_space<vmem>>, vector<1x16xf32>,
      %get3A_411 = vector.shape_cast %get3A_410 : vector<1x16xf32> to vector<16xf32>
      %add3A_412 = arith.addf %get3A_407, %get3A_411 : vector<16xf32>
      %swap3A_413 = arith.index_cast %scan3A_26 : i32 to index
      %swap3A_414 = arith.constant 432 : index
      %swap3A_415 = tpu.vector_load %arg9[%swap3A_413, %swap3A_414] {strides = array<i32>} : memref<64x768xf32, #tpu.memory_space<vmem>>, vector<1x16xf32>,
      %swap3A_416 = vector.shape_cast %swap3A_415 : vector<1x16xf32> to vector<16xf32>
      %swap3A_417 = vector.shape_cast %add3A_412 : vector<16xf32> to vector<1x16xf32>
      tpu.vector_store %arg9[%swap3A_413, %swap3A_414], %swap3A_417 {strides = array<i32>} : memref<64x768xf32, #tpu.memory_space<vmem>>, vector<1x16xf32>,
      %get3A_418 = arith.index_cast %scan3A_26 : i32 to index
      %get3A_419 = arith.constant 448 : index
      %get3A_420 = tpu.vector_load %arg9[%get3A_418, %get3A_419] {strides = array<i32>} : memref<64x768xf32, #tpu.memory_space<vmem>>, vector<1x16xf32>,
      %get3A_421 = vector.shape_cast %get3A_420 : vector<1x16xf32> to vector<16xf32>
      %get3A_422 = arith.index_cast %scan3A_26 : i32 to index
      %get3A_423 = arith.constant 448 : index
      %get3A_424 = tpu.vector_load %arg8[%get3A_422, %get3A_423] {strides = array<i32>} : memref<64x768xf32, #tpu.memory_space<vmem>>, vector<1x16xf32>,
      %get3A_425 = vector.shape_cast %get3A_424 : vector<1x16xf32> to vector<16xf32>
      %add3A_426 = arith.addf %get3A_421, %get3A_425 : vector<16xf32>
      %swap3A_427 = arith.index_cast %scan3A_26 : i32 to index
      %swap3A_428 = arith.constant 448 : index
      %swap3A_429 = tpu.vector_load %arg9[%swap3A_427, %swap3A_428] {strides = array<i32>} : memref<64x768xf32, #tpu.memory_space<vmem>>, vector<1x16xf32>,
      %swap3A_430 = vector.shape_cast %swap3A_429 : vector<1x16xf32> to vector<16xf32>
      %swap3A_431 = vector.shape_cast %add3A_426 : vector<16xf32> to vector<1x16xf32>
      tpu.vector_store %arg9[%swap3A_427, %swap3A_428], %swap3A_431 {strides = array<i32>} : memref<64x768xf32, #tpu.memory_space<vmem>>, vector<1x16xf32>,
      %get3A_432 = arith.index_cast %scan3A_26 : i32 to index
      %get3A_433 = arith.constant 464 : index
      %get3A_434 = tpu.vector_load %arg9[%get3A_432, %get3A_433] {strides = array<i32>} : memref<64x768xf32, #tpu.memory_space<vmem>>, vector<1x16xf32>,
      %get3A_435 = vector.shape_cast %get3A_434 : vector<1x16xf32> to vector<16xf32>
      %get3A_436 = arith.index_cast %scan3A_26 : i32 to index
      %get3A_437 = arith.constant 464 : index
      %get3A_438 = tpu.vector_load %arg8[%get3A_436, %get3A_437] {strides = array<i32>} : memref<64x768xf32, #tpu.memory_space<vmem>>, vector<1x16xf32>,
      %get3A_439 = vector.shape_cast %get3A_438 : vector<1x16xf32> to vector<16xf32>
      %add3A_440 = arith.addf %get3A_435, %get3A_439 : vector<16xf32>
      %swap3A_441 = arith.index_cast %scan3A_26 : i32 to index
      %swap3A_442 = arith.constant 464 : index
      %swap3A_443 = tpu.vector_load %arg9[%swap3A_441, %swap3A_442] {strides = array<i32>} : memref<64x768xf32, #tpu.memory_space<vmem>>, vector<1x16xf32>,
      %swap3A_444 = vector.shape_cast %swap3A_443 : vector<1x16xf32> to vector<16xf32>
      %swap3A_445 = vector.shape_cast %add3A_440 : vector<16xf32> to vector<1x16xf32>
      tpu.vector_store %arg9[%swap3A_441, %swap3A_442], %swap3A_445 {strides = array<i32>} : memref<64x768xf32, #tpu.memory_space<vmem>>, vector<1x16xf32>,
      %get3A_446 = arith.index_cast %scan3A_26 : i32 to index
      %get3A_447 = arith.constant 480 : index
      %get3A_448 = tpu.vector_load %arg9[%get3A_446, %get3A_447] {strides = array<i32>} : memref<64x768xf32, #tpu.memory_space<vmem>>, vector<1x16xf32>,
      %get3A_449 = vector.shape_cast %get3A_448 : vector<1x16xf32> to vector<16xf32>
      %get3A_450 = arith.index_cast %scan3A_26 : i32 to index
      %get3A_451 = arith.constant 480 : index
      %get3A_452 = tpu.vector_load %arg8[%get3A_450, %get3A_451] {strides = array<i32>} : memref<64x768xf32, #tpu.memory_space<vmem>>, vector<1x16xf32>,
      %get3A_453 = vector.shape_cast %get3A_452 : vector<1x16xf32> to vector<16xf32>
      %add3A_454 = arith.addf %get3A_449, %get3A_453 : vector<16xf32>
      %swap3A_455 = arith.index_cast %scan3A_26 : i32 to index
      %swap3A_456 = arith.constant 480 : index
      %swap3A_457 = tpu.vector_load %arg9[%swap3A_455, %swap3A_456] {strides = array<i32>} : memref<64x768xf32, #tpu.memory_space<vmem>>, vector<1x16xf32>,
      %swap3A_458 = vector.shape_cast %swap3A_457 : vector<1x16xf32> to vector<16xf32>
      %swap3A_459 = vector.shape_cast %add3A_454 : vector<16xf32> to vector<1x16xf32>
      tpu.vector_store %arg9[%swap3A_455, %swap3A_456], %swap3A_459 {strides = array<i32>} : memref<64x768xf32, #tpu.memory_space<vmem>>, vector<1x16xf32>,
      %get3A_460 = arith.index_cast %scan3A_26 : i32 to index
      %get3A_461 = arith.constant 496 : index
      %get3A_462 = tpu.vector_load %arg9[%get3A_460, %get3A_461] {strides = array<i32>} : memref<64x768xf32, #tpu.memory_space<vmem>>, vector<1x16xf32>,
      %get3A_463 = vector.shape_cast %get3A_462 : vector<1x16xf32> to vector<16xf32>
      %get3A_464 = arith.index_cast %scan3A_26 : i32 to index
      %get3A_465 = arith.constant 496 : index
      %get3A_466 = tpu.vector_load %arg8[%get3A_464, %get3A_465] {strides = array<i32>} : memref<64x768xf32, #tpu.memory_space<vmem>>, vector<1x16xf32>,
      %get3A_467 = vector.shape_cast %get3A_466 : vector<1x16xf32> to vector<16xf32>
      %add3A_468 = arith.addf %get3A_463, %get3A_467 : vector<16xf32>
      %swap3A_469 = arith.index_cast %scan3A_26 : i32 to index
      %swap3A_470 = arith.constant 496 : index
      %swap3A_471 = tpu.vector_load %arg9[%swap3A_469, %swap3A_470] {strides = array<i32>} : memref<64x768xf32, #tpu.memory_space<vmem>>, vector<1x16xf32>,
      %swap3A_472 = vector.shape_cast %swap3A_471 : vector<1x16xf32> to vector<16xf32>
      %swap3A_473 = vector.shape_cast %add3A_468 : vector<16xf32> to vector<1x16xf32>
      tpu.vector_store %arg9[%swap3A_469, %swap3A_470], %swap3A_473 {strides = array<i32>} : memref<64x768xf32, #tpu.memory_space<vmem>>, vector<1x16xf32>,
      %get3A_474 = arith.index_cast %scan3A_26 : i32 to index
      %get3A_475 = arith.constant 512 : index
      %get3A_476 = tpu.vector_load %arg9[%get3A_474, %get3A_475] {strides = array<i32>} : memref<64x768xf32, #tpu.memory_space<vmem>>, vector<1x16xf32>,
      %get3A_477 = vector.shape_cast %get3A_476 : vector<1x16xf32> to vector<16xf32>
      %get3A_478 = arith.index_cast %scan3A_26 : i32 to index
      %get3A_479 = arith.constant 512 : index
      %get3A_480 = tpu.vector_load %arg8[%get3A_478, %get3A_479] {strides = array<i32>} : memref<64x768xf32, #tpu.memory_space<vmem>>, vector<1x16xf32>,
      %get3A_481 = vector.shape_cast %get3A_480 : vector<1x16xf32> to vector<16xf32>
      %add3A_482 = arith.addf %get3A_477, %get3A_481 : vector<16xf32>
      %swap3A_483 = arith.index_cast %scan3A_26 : i32 to index
      %swap3A_484 = arith.constant 512 : index
      %swap3A_485 = tpu.vector_load %arg9[%swap3A_483, %swap3A_484] {strides = array<i32>} : memref<64x768xf32, #tpu.memory_space<vmem>>, vector<1x16xf32>,
      %swap3A_486 = vector.shape_cast %swap3A_485 : vector<1x16xf32> to vector<16xf32>
      %swap3A_487 = vector.shape_cast %add3A_482 : vector<16xf32> to vector<1x16xf32>
      tpu.vector_store %arg9[%swap3A_483, %swap3A_484], %swap3A_487 {strides = array<i32>} : memref<64x768xf32, #tpu.memory_space<vmem>>, vector<1x16xf32>,
      %get3A_488 = arith.index_cast %scan3A_26 : i32 to index
      %get3A_489 = arith.constant 528 : index
      %get3A_490 = tpu.vector_load %arg9[%get3A_488, %get3A_489] {strides = array<i32>} : memref<64x768xf32, #tpu.memory_space<vmem>>, vector<1x16xf32>,
      %get3A_491 = vector.shape_cast %get3A_490 : vector<1x16xf32> to vector<16xf32>
      %get3A_492 = arith.index_cast %scan3A_26 : i32 to index
      %get3A_493 = arith.constant 528 : index
      %get3A_494 = tpu.vector_load %arg8[%get3A_492, %get3A_493] {strides = array<i32>} : memref<64x768xf32, #tpu.memory_space<vmem>>, vector<1x16xf32>,
      %get3A_495 = vector.shape_cast %get3A_494 : vector<1x16xf32> to vector<16xf32>
      %add3A_496 = arith.addf %get3A_491, %get3A_495 : vector<16xf32>
      %swap3A_497 = arith.index_cast %scan3A_26 : i32 to index
      %swap3A_498 = arith.constant 528 : index
      %swap3A_499 = tpu.vector_load %arg9[%swap3A_497, %swap3A_498] {strides = array<i32>} : memref<64x768xf32, #tpu.memory_space<vmem>>, vector<1x16xf32>,
      %swap3A_500 = vector.shape_cast %swap3A_499 : vector<1x16xf32> to vector<16xf32>
      %swap3A_501 = vector.shape_cast %add3A_496 : vector<16xf32> to vector<1x16xf32>
      tpu.vector_store %arg9[%swap3A_497, %swap3A_498], %swap3A_501 {strides = array<i32>} : memref<64x768xf32, #tpu.memory_space<vmem>>, vector<1x16xf32>,
      %get3A_502 = arith.index_cast %scan3A_26 : i32 to index
      %get3A_503 = arith.constant 544 : index
      %get3A_504 = tpu.vector_load %arg9[%get3A_502, %get3A_503] {strides = array<i32>} : memref<64x768xf32, #tpu.memory_space<vmem>>, vector<1x16xf32>,
      %get3A_505 = vector.shape_cast %get3A_504 : vector<1x16xf32> to vector<16xf32>
      %get3A_506 = arith.index_cast %scan3A_26 : i32 to index
      %get3A_507 = arith.constant 544 : index
      %get3A_508 = tpu.vector_load %arg8[%get3A_506, %get3A_507] {strides = array<i32>} : memref<64x768xf32, #tpu.memory_space<vmem>>, vector<1x16xf32>,
      %get3A_509 = vector.shape_cast %get3A_508 : vector<1x16xf32> to vector<16xf32>
      %add3A_510 = arith.addf %get3A_505, %get3A_509 : vector<16xf32>
      %swap3A_511 = arith.index_cast %scan3A_26 : i32 to index
      %swap3A_512 = arith.constant 544 : index
      %swap3A_513 = tpu.vector_load %arg9[%swap3A_511, %swap3A_512] {strides = array<i32>} : memref<64x768xf32, #tpu.memory_space<vmem>>, vector<1x16xf32>,
      %swap3A_514 = vector.shape_cast %swap3A_513 : vector<1x16xf32> to vector<16xf32>
      %swap3A_515 = vector.shape_cast %add3A_510 : vector<16xf32> to vector<1x16xf32>
      tpu.vector_store %arg9[%swap3A_511, %swap3A_512], %swap3A_515 {strides = array<i32>} : memref<64x768xf32, #tpu.memory_space<vmem>>, vector<1x16xf32>,
      %get3A_516 = arith.index_cast %scan3A_26 : i32 to index
      %get3A_517 = arith.constant 560 : index
      %get3A_518 = tpu.vector_load %arg9[%get3A_516, %get3A_517] {strides = array<i32>} : memref<64x768xf32, #tpu.memory_space<vmem>>, vector<1x16xf32>,
      %get3A_519 = vector.shape_cast %get3A_518 : vector<1x16xf32> to vector<16xf32>
      %get3A_520 = arith.index_cast %scan3A_26 : i32 to index
      %get3A_521 = arith.constant 560 : index
      %get3A_522 = tpu.vector_load %arg8[%get3A_520, %get3A_521] {strides = array<i32>} : memref<64x768xf32, #tpu.memory_space<vmem>>, vector<1x16xf32>,
      %get3A_523 = vector.shape_cast %get3A_522 : vector<1x16xf32> to vector<16xf32>
      %add3A_524 = arith.addf %get3A_519, %get3A_523 : vector<16xf32>
      %swap3A_525 = arith.index_cast %scan3A_26 : i32 to index
      %swap3A_526 = arith.constant 560 : index
      %swap3A_527 = tpu.vector_load %arg9[%swap3A_525, %swap3A_526] {strides = array<i32>} : memref<64x768xf32, #tpu.memory_space<vmem>>, vector<1x16xf32>,
      %swap3A_528 = vector.shape_cast %swap3A_527 : vector<1x16xf32> to vector<16xf32>
      %swap3A_529 = vector.shape_cast %add3A_524 : vector<16xf32> to vector<1x16xf32>
      tpu.vector_store %arg9[%swap3A_525, %swap3A_526], %swap3A_529 {strides = array<i32>} : memref<64x768xf32, #tpu.memory_space<vmem>>, vector<1x16xf32>,
      %get3A_530 = arith.index_cast %scan3A_26 : i32 to index
      %get3A_531 = arith.constant 576 : index
      %get3A_532 = tpu.vector_load %arg9[%get3A_530, %get3A_531] {strides = array<i32>} : memref<64x768xf32, #tpu.memory_space<vmem>>, vector<1x16xf32>,
      %get3A_533 = vector.shape_cast %get3A_532 : vector<1x16xf32> to vector<16xf32>
      %get3A_534 = arith.index_cast %scan3A_26 : i32 to index
      %get3A_535 = arith.constant 576 : index
      %get3A_536 = tpu.vector_load %arg8[%get3A_534, %get3A_535] {strides = array<i32>} : memref<64x768xf32, #tpu.memory_space<vmem>>, vector<1x16xf32>,
      %get3A_537 = vector.shape_cast %get3A_536 : vector<1x16xf32> to vector<16xf32>
      %add3A_538 = arith.addf %get3A_533, %get3A_537 : vector<16xf32>
      %swap3A_539 = arith.index_cast %scan3A_26 : i32 to index
      %swap3A_540 = arith.constant 576 : index
      %swap3A_541 = tpu.vector_load %arg9[%swap3A_539, %swap3A_540] {strides = array<i32>} : memref<64x768xf32, #tpu.memory_space<vmem>>, vector<1x16xf32>,
      %swap3A_542 = vector.shape_cast %swap3A_541 : vector<1x16xf32> to vector<16xf32>
      %swap3A_543 = vector.shape_cast %add3A_538 : vector<16xf32> to vector<1x16xf32>
      tpu.vector_store %arg9[%swap3A_539, %swap3A_540], %swap3A_543 {strides = array<i32>} : memref<64x768xf32, #tpu.memory_space<vmem>>, vector<1x16xf32>,
      %get3A_544 = arith.index_cast %scan3A_26 : i32 to index
      %get3A_545 = arith.constant 592 : index
      %get3A_546 = tpu.vector_load %arg9[%get3A_544, %get3A_545] {strides = array<i32>} : memref<64x768xf32, #tpu.memory_space<vmem>>, vector<1x16xf32>,
      %get3A_547 = vector.shape_cast %get3A_546 : vector<1x16xf32> to vector<16xf32>
      %get3A_548 = arith.index_cast %scan3A_26 : i32 to index
      %get3A_549 = arith.constant 592 : index
      %get3A_550 = tpu.vector_load %arg8[%get3A_548, %get3A_549] {strides = array<i32>} : memref<64x768xf32, #tpu.memory_space<vmem>>, vector<1x16xf32>,
      %get3A_551 = vector.shape_cast %get3A_550 : vector<1x16xf32> to vector<16xf32>
      %add3A_552 = arith.addf %get3A_547, %get3A_551 : vector<16xf32>
      %swap3A_553 = arith.index_cast %scan3A_26 : i32 to index
      %swap3A_554 = arith.constant 592 : index
      %swap3A_555 = tpu.vector_load %arg9[%swap3A_553, %swap3A_554] {strides = array<i32>} : memref<64x768xf32, #tpu.memory_space<vmem>>, vector<1x16xf32>,
      %swap3A_556 = vector.shape_cast %swap3A_555 : vector<1x16xf32> to vector<16xf32>
      %swap3A_557 = vector.shape_cast %add3A_552 : vector<16xf32> to vector<1x16xf32>
      tpu.vector_store %arg9[%swap3A_553, %swap3A_554], %swap3A_557 {strides = array<i32>} : memref<64x768xf32, #tpu.memory_space<vmem>>, vector<1x16xf32>,
      %get3A_558 = arith.index_cast %scan3A_26 : i32 to index
      %get3A_559 = arith.constant 608 : index
      %get3A_560 = tpu.vector_load %arg9[%get3A_558, %get3A_559] {strides = array<i32>} : memref<64x768xf32, #tpu.memory_space<vmem>>, vector<1x16xf32>,
      %get3A_561 = vector.shape_cast %get3A_560 : vector<1x16xf32> to vector<16xf32>
      %get3A_562 = arith.index_cast %scan3A_26 : i32 to index
      %get3A_563 = arith.constant 608 : index
      %get3A_564 = tpu.vector_load %arg8[%get3A_562, %get3A_563] {strides = array<i32>} : memref<64x768xf32, #tpu.memory_space<vmem>>, vector<1x16xf32>,
      %get3A_565 = vector.shape_cast %get3A_564 : vector<1x16xf32> to vector<16xf32>
      %add3A_566 = arith.addf %get3A_561, %get3A_565 : vector<16xf32>
      %swap3A_567 = arith.index_cast %scan3A_26 : i32 to index
      %swap3A_568 = arith.constant 608 : index
      %swap3A_569 = tpu.vector_load %arg9[%swap3A_567, %swap3A_568] {strides = array<i32>} : memref<64x768xf32, #tpu.memory_space<vmem>>, vector<1x16xf32>,
      %swap3A_570 = vector.shape_cast %swap3A_569 : vector<1x16xf32> to vector<16xf32>
      %swap3A_571 = vector.shape_cast %add3A_566 : vector<16xf32> to vector<1x16xf32>
      tpu.vector_store %arg9[%swap3A_567, %swap3A_568], %swap3A_571 {strides = array<i32>} : memref<64x768xf32, #tpu.memory_space<vmem>>, vector<1x16xf32>,
      %get3A_572 = arith.index_cast %scan3A_26 : i32 to index
      %get3A_573 = arith.constant 624 : index
      %get3A_574 = tpu.vector_load %arg9[%get3A_572, %get3A_573] {strides = array<i32>} : memref<64x768xf32, #tpu.memory_space<vmem>>, vector<1x16xf32>,
      %get3A_575 = vector.shape_cast %get3A_574 : vector<1x16xf32> to vector<16xf32>
      %get3A_576 = arith.index_cast %scan3A_26 : i32 to index
      %get3A_577 = arith.constant 624 : index
      %get3A_578 = tpu.vector_load %arg8[%get3A_576, %get3A_577] {strides = array<i32>} : memref<64x768xf32, #tpu.memory_space<vmem>>, vector<1x16xf32>,
      %get3A_579 = vector.shape_cast %get3A_578 : vector<1x16xf32> to vector<16xf32>
      %add3A_580 = arith.addf %get3A_575, %get3A_579 : vector<16xf32>
      %swap3A_581 = arith.index_cast %scan3A_26 : i32 to index
      %swap3A_582 = arith.constant 624 : index
      %swap3A_583 = tpu.vector_load %arg9[%swap3A_581, %swap3A_582] {strides = array<i32>} : memref<64x768xf32, #tpu.memory_space<vmem>>, vector<1x16xf32>,
      %swap3A_584 = vector.shape_cast %swap3A_583 : vector<1x16xf32> to vector<16xf32>
      %swap3A_585 = vector.shape_cast %add3A_580 : vector<16xf32> to vector<1x16xf32>
      tpu.vector_store %arg9[%swap3A_581, %swap3A_582], %swap3A_585 {strides = array<i32>} : memref<64x768xf32, #tpu.memory_space<vmem>>, vector<1x16xf32>,
      %get3A_586 = arith.index_cast %scan3A_26 : i32 to index
      %get3A_587 = arith.constant 640 : index
      %get3A_588 = tpu.vector_load %arg9[%get3A_586, %get3A_587] {strides = array<i32>} : memref<64x768xf32, #tpu.memory_space<vmem>>, vector<1x16xf32>,
      %get3A_589 = vector.shape_cast %get3A_588 : vector<1x16xf32> to vector<16xf32>
      %get3A_590 = arith.index_cast %scan3A_26 : i32 to index
      %get3A_591 = arith.constant 640 : index
      %get3A_592 = tpu.vector_load %arg8[%get3A_590, %get3A_591] {strides = array<i32>} : memref<64x768xf32, #tpu.memory_space<vmem>>, vector<1x16xf32>,
      %get3A_593 = vector.shape_cast %get3A_592 : vector<1x16xf32> to vector<16xf32>
      %add3A_594 = arith.addf %get3A_589, %get3A_593 : vector<16xf32>
      %swap3A_595 = arith.index_cast %scan3A_26 : i32 to index
      %swap3A_596 = arith.constant 640 : index
      %swap3A_597 = tpu.vector_load %arg9[%swap3A_595, %swap3A_596] {strides = array<i32>} : memref<64x768xf32, #tpu.memory_space<vmem>>, vector<1x16xf32>,
      %swap3A_598 = vector.shape_cast %swap3A_597 : vector<1x16xf32> to vector<16xf32>
      %swap3A_599 = vector.shape_cast %add3A_594 : vector<16xf32> to vector<1x16xf32>
      tpu.vector_store %arg9[%swap3A_595, %swap3A_596], %swap3A_599 {strides = array<i32>} : memref<64x768xf32, #tpu.memory_space<vmem>>, vector<1x16xf32>,
      %get3A_600 = arith.index_cast %scan3A_26 : i32 to index
      %get3A_601 = arith.constant 656 : index
      %get3A_602 = tpu.vector_load %arg9[%get3A_600, %get3A_601] {strides = array<i32>} : memref<64x768xf32, #tpu.memory_space<vmem>>, vector<1x16xf32>,
      %get3A_603 = vector.shape_cast %get3A_602 : vector<1x16xf32> to vector<16xf32>
      %get3A_604 = arith.index_cast %scan3A_26 : i32 to index
      %get3A_605 = arith.constant 656 : index
      %get3A_606 = tpu.vector_load %arg8[%get3A_604, %get3A_605] {strides = array<i32>} : memref<64x768xf32, #tpu.memory_space<vmem>>, vector<1x16xf32>,
      %get3A_607 = vector.shape_cast %get3A_606 : vector<1x16xf32> to vector<16xf32>
      %add3A_608 = arith.addf %get3A_603, %get3A_607 : vector<16xf32>
      %swap3A_609 = arith.index_cast %scan3A_26 : i32 to index
      %swap3A_610 = arith.constant 656 : index
      %swap3A_611 = tpu.vector_load %arg9[%swap3A_609, %swap3A_610] {strides = array<i32>} : memref<64x768xf32, #tpu.memory_space<vmem>>, vector<1x16xf32>,
      %swap3A_612 = vector.shape_cast %swap3A_611 : vector<1x16xf32> to vector<16xf32>
      %swap3A_613 = vector.shape_cast %add3A_608 : vector<16xf32> to vector<1x16xf32>
      tpu.vector_store %arg9[%swap3A_609, %swap3A_610], %swap3A_613 {strides = array<i32>} : memref<64x768xf32, #tpu.memory_space<vmem>>, vector<1x16xf32>,
      %get3A_614 = arith.index_cast %scan3A_26 : i32 to index
      %get3A_615 = arith.constant 672 : index
      %get3A_616 = tpu.vector_load %arg9[%get3A_614, %get3A_615] {strides = array<i32>} : memref<64x768xf32, #tpu.memory_space<vmem>>, vector<1x16xf32>,
      %get3A_617 = vector.shape_cast %get3A_616 : vector<1x16xf32> to vector<16xf32>
      %get3A_618 = arith.index_cast %scan3A_26 : i32 to index
      %get3A_619 = arith.constant 672 : index
      %get3A_620 = tpu.vector_load %arg8[%get3A_618, %get3A_619] {strides = array<i32>} : memref<64x768xf32, #tpu.memory_space<vmem>>, vector<1x16xf32>,
      %get3A_621 = vector.shape_cast %get3A_620 : vector<1x16xf32> to vector<16xf32>
      %add3A_622 = arith.addf %get3A_617, %get3A_621 : vector<16xf32>
      %swap3A_623 = arith.index_cast %scan3A_26 : i32 to index
      %swap3A_624 = arith.constant 672 : index
      %swap3A_625 = tpu.vector_load %arg9[%swap3A_623, %swap3A_624] {strides = array<i32>} : memref<64x768xf32, #tpu.memory_space<vmem>>, vector<1x16xf32>,
      %swap3A_626 = vector.shape_cast %swap3A_625 : vector<1x16xf32> to vector<16xf32>
      %swap3A_627 = vector.shape_cast %add3A_622 : vector<16xf32> to vector<1x16xf32>
      tpu.vector_store %arg9[%swap3A_623, %swap3A_624], %swap3A_627 {strides = array<i32>} : memref<64x768xf32, #tpu.memory_space<vmem>>, vector<1x16xf32>,
      %get3A_628 = arith.index_cast %scan3A_26 : i32 to index
      %get3A_629 = arith.constant 688 : index
      %get3A_630 = tpu.vector_load %arg9[%get3A_628, %get3A_629] {strides = array<i32>} : memref<64x768xf32, #tpu.memory_space<vmem>>, vector<1x16xf32>,
      %get3A_631 = vector.shape_cast %get3A_630 : vector<1x16xf32> to vector<16xf32>
      %get3A_632 = arith.index_cast %scan3A_26 : i32 to index
      %get3A_633 = arith.constant 688 : index
      %get3A_634 = tpu.vector_load %arg8[%get3A_632, %get3A_633] {strides = array<i32>} : memref<64x768xf32, #tpu.memory_space<vmem>>, vector<1x16xf32>,
      %get3A_635 = vector.shape_cast %get3A_634 : vector<1x16xf32> to vector<16xf32>
      %add3A_636 = arith.addf %get3A_631, %get3A_635 : vector<16xf32>
      %swap3A_637 = arith.index_cast %scan3A_26 : i32 to index
      %swap3A_638 = arith.constant 688 : index
      %swap3A_639 = tpu.vector_load %arg9[%swap3A_637, %swap3A_638] {strides = array<i32>} : memref<64x768xf32, #tpu.memory_space<vmem>>, vector<1x16xf32>,
      %swap3A_640 = vector.shape_cast %swap3A_639 : vector<1x16xf32> to vector<16xf32>
      %swap3A_641 = vector.shape_cast %add3A_636 : vector<16xf32> to vector<1x16xf32>
      tpu.vector_store %arg9[%swap3A_637, %swap3A_638], %swap3A_641 {strides = array<i32>} : memref<64x768xf32, #tpu.memory_space<vmem>>, vector<1x16xf32>,
      %get3A_642 = arith.index_cast %scan3A_26 : i32 to index
      %get3A_643 = arith.constant 704 : index
      %get3A_644 = tpu.vector_load %arg9[%get3A_642, %get3A_643] {strides = array<i32>} : memref<64x768xf32, #tpu.memory_space<vmem>>, vector<1x16xf32>,
      %get3A_645 = vector.shape_cast %get3A_644 : vector<1x16xf32> to vector<16xf32>
      %get3A_646 = arith.index_cast %scan3A_26 : i32 to index
      %get3A_647 = arith.constant 704 : index
      %get3A_648 = tpu.vector_load %arg8[%get3A_646, %get3A_647] {strides = array<i32>} : memref<64x768xf32, #tpu.memory_space<vmem>>, vector<1x16xf32>,
      %get3A_649 = vector.shape_cast %get3A_648 : vector<1x16xf32> to vector<16xf32>
      %add3A_650 = arith.addf %get3A_645, %get3A_649 : vector<16xf32>
      %swap3A_651 = arith.index_cast %scan3A_26 : i32 to index
      %swap3A_652 = arith.constant 704 : index
      %swap3A_653 = tpu.vector_load %arg9[%swap3A_651, %swap3A_652] {strides = array<i32>} : memref<64x768xf32, #tpu.memory_space<vmem>>, vector<1x16xf32>,
      %swap3A_654 = vector.shape_cast %swap3A_653 : vector<1x16xf32> to vector<16xf32>
      %swap3A_655 = vector.shape_cast %add3A_650 : vector<16xf32> to vector<1x16xf32>
      tpu.vector_store %arg9[%swap3A_651, %swap3A_652], %swap3A_655 {strides = array<i32>} : memref<64x768xf32, #tpu.memory_space<vmem>>, vector<1x16xf32>,
      %get3A_656 = arith.index_cast %scan3A_26 : i32 to index
      %get3A_657 = arith.constant 720 : index
      %get3A_658 = tpu.vector_load %arg9[%get3A_656, %get3A_657] {strides = array<i32>} : memref<64x768xf32, #tpu.memory_space<vmem>>, vector<1x16xf32>,
      %get3A_659 = vector.shape_cast %get3A_658 : vector<1x16xf32> to vector<16xf32>
      %get3A_660 = arith.index_cast %scan3A_26 : i32 to index
      %get3A_661 = arith.constant 720 : index
      %get3A_662 = tpu.vector_load %arg8[%get3A_660, %get3A_661] {strides = array<i32>} : memref<64x768xf32, #tpu.memory_space<vmem>>, vector<1x16xf32>,
      %get3A_663 = vector.shape_cast %get3A_662 : vector<1x16xf32> to vector<16xf32>
      %add3A_664 = arith.addf %get3A_659, %get3A_663 : vector<16xf32>
      %swap3A_665 = arith.index_cast %scan3A_26 : i32 to index
      %swap3A_666 = arith.constant 720 : index
      %swap3A_667 = tpu.vector_load %arg9[%swap3A_665, %swap3A_666] {strides = array<i32>} : memref<64x768xf32, #tpu.memory_space<vmem>>, vector<1x16xf32>,
      %swap3A_668 = vector.shape_cast %swap3A_667 : vector<1x16xf32> to vector<16xf32>
      %swap3A_669 = vector.shape_cast %add3A_664 : vector<16xf32> to vector<1x16xf32>
      tpu.vector_store %arg9[%swap3A_665, %swap3A_666], %swap3A_669 {strides = array<i32>} : memref<64x768xf32, #tpu.memory_space<vmem>>, vector<1x16xf32>,
      %get3A_670 = arith.index_cast %scan3A_26 : i32 to index
      %get3A_671 = arith.constant 736 : index
      %get3A_672 = tpu.vector_load %arg9[%get3A_670, %get3A_671] {strides = array<i32>} : memref<64x768xf32, #tpu.memory_space<vmem>>, vector<1x16xf32>,
      %get3A_673 = vector.shape_cast %get3A_672 : vector<1x16xf32> to vector<16xf32>
      %get3A_674 = arith.index_cast %scan3A_26 : i32 to index
      %get3A_675 = arith.constant 736 : index
      %get3A_676 = tpu.vector_load %arg8[%get3A_674, %get3A_675] {strides = array<i32>} : memref<64x768xf32, #tpu.memory_space<vmem>>, vector<1x16xf32>,
      %get3A_677 = vector.shape_cast %get3A_676 : vector<1x16xf32> to vector<16xf32>
      %add3A_678 = arith.addf %get3A_673, %get3A_677 : vector<16xf32>
      %swap3A_679 = arith.index_cast %scan3A_26 : i32 to index
      %swap3A_680 = arith.constant 736 : index
      %swap3A_681 = tpu.vector_load %arg9[%swap3A_679, %swap3A_680] {strides = array<i32>} : memref<64x768xf32, #tpu.memory_space<vmem>>, vector<1x16xf32>,
      %swap3A_682 = vector.shape_cast %swap3A_681 : vector<1x16xf32> to vector<16xf32>
      %swap3A_683 = vector.shape_cast %add3A_678 : vector<16xf32> to vector<1x16xf32>
      tpu.vector_store %arg9[%swap3A_679, %swap3A_680], %swap3A_683 {strides = array<i32>} : memref<64x768xf32, #tpu.memory_space<vmem>>, vector<1x16xf32>,
      %get3A_684 = arith.index_cast %scan3A_26 : i32 to index
      %get3A_685 = arith.constant 752 : index
      %get3A_686 = tpu.vector_load %arg9[%get3A_684, %get3A_685] {strides = array<i32>} : memref<64x768xf32, #tpu.memory_space<vmem>>, vector<1x16xf32>,
      %get3A_687 = vector.shape_cast %get3A_686 : vector<1x16xf32> to vector<16xf32>
      %get3A_688 = arith.index_cast %scan3A_26 : i32 to index
      %get3A_689 = arith.constant 752 : index
      %get3A_690 = tpu.vector_load %arg8[%get3A_688, %get3A_689] {strides = array<i32>} : memref<64x768xf32, #tpu.memory_space<vmem>>, vector<1x16xf32>,
      %get3A_691 = vector.shape_cast %get3A_690 : vector<1x16xf32> to vector<16xf32>
      %add3A_692 = arith.addf %get3A_687, %get3A_691 : vector<16xf32>
      %swap3A_693 = arith.index_cast %scan3A_26 : i32 to index
      %swap3A_694 = arith.constant 752 : index
      %swap3A_695 = tpu.vector_load %arg9[%swap3A_693, %swap3A_694] {strides = array<i32>} : memref<64x768xf32, #tpu.memory_space<vmem>>, vector<1x16xf32>,
      %swap3A_696 = vector.shape_cast %swap3A_695 : vector<1x16xf32> to vector<16xf32>
      %swap3A_697 = vector.shape_cast %add3A_692 : vector<16xf32> to vector<1x16xf32>
      tpu.vector_store %arg9[%swap3A_693, %swap3A_694], %swap3A_697 {strides = array<i32>} : memref<64x768xf32, #tpu.memory_space<vmem>>, vector<1x16xf32>,
      %scan3A_698 = arith.constant 0 : i32
      scf.yield %scan3A_698 : i32
    }
    %scan3A_25 = arith.constant 64 : i32
    "tpu.region"() ({
      %run_scoped3A = tpu.sem_alloc : memref<!tpu.dma_semaphore, #tpu.memory_space<semaphore_mem>>
      %dma_start3A_26 = arith.constant 0 : i32
      %dma_start3A_27 = tpu.memref_slice %arg6[%add3A, %dma_start3A_26] : memref<2048x768xf32, #tpu.memory_space<hbm>> -> memref<64x768xf32, #tpu.memory_space<hbm>>
      %dma_start3A_28 = arith.constant 0 : i32
      %dma_start3A_29 = tpu.memref_slice %arg6[%add3A, %dma_start3A_28] : memref<2048x768xf32, #tpu.memory_space<hbm>> -> memref<64x768xf32, #tpu.memory_space<hbm>>
      tpu.enqueue_dma source(%arg9 : memref<64x768xf32, #tpu.memory_space<vmem>>) target(%dma_start3A_29 : memref<64x768xf32, #tpu.memory_space<hbm>>) target_semaphore(%run_scoped3A : memref<!tpu.dma_semaphore, #tpu.memory_space<semaphore_mem>>)
      %dma_wait3A_30 = arith.constant 0 : i32
      %dma_wait3A_31 = tpu.memref_slice %arg6[%add3A, %dma_wait3A_30] : memref<2048x768xf32, #tpu.memory_space<hbm>> -> memref<64x768xf32, #tpu.memory_space<hbm>>
      %dma_wait3A_32 = arith.constant 0 : i32
      %dma_wait3A_33 = tpu.memref_slice %arg6[%add3A, %dma_wait3A_32] : memref<2048x768xf32, #tpu.memory_space<hbm>> -> memref<64x768xf32, #tpu.memory_space<hbm>>
      tpu.wait_dma2 semaphore(%run_scoped3A : memref<!tpu.dma_semaphore, #tpu.memory_space<semaphore_mem>>) src(%arg9 : memref<64x768xf32, #tpu.memory_space<vmem>>) dst(%dma_wait3A_33 : memref<64x768xf32, #tpu.memory_space<hbm>>)
      tpu.yield
    }) : () -> ()
    return
  }
}

module attributes {stable_mosaic.version = 14 : i64} {
  func.func @_router_body(%arg0: memref<2048x768xf32, #tpu.memory_space<vmem>>, %arg1: memref<64x768xf32, #tpu.memory_space<vmem>>, %arg2: memref<2x2048x128xf32, #tpu.memory_space<vmem>>, %arg3: memref<2x2048xi32, #tpu.memory_space<vmem>>, %arg4: memref<2x128xi32, #tpu.memory_space<vmem>>) attributes {dimension_semantics = [], scalar_prefetch = 0 : i64, scratch_operands = 0 : i64, tpu.core_type = #tpu.core_type<tc>} {
    %get3A = arith.constant 0 : index
    %get3A_0 = arith.constant 0 : index
    %get3A_1 = vector.load %arg0[%get3A, %get3A_0] : memref<2048x768xf32, #tpu.memory_space<vmem>>, vector<2048x768xf32>
    %get3A_2 = arith.constant 0 : index
    %get3A_3 = arith.constant 0 : index
    %get3A_4 = vector.load %arg1[%get3A_2, %get3A_3] : memref<64x768xf32, #tpu.memory_space<vmem>>, vector<64x768xf32>
    %dot_general3A = arith.constant dense<0.000000e+00> : vector<2048x64xf32>
    %dot_general3A_5 = tpu.matmul %get3A_1, %get3A_4, %dot_general3A {dimension_numbers = #tpu.dot_dimension_numbers<[1], [1], [0], [0], [0, 0, 1, 0], [], []>, transpose_lhs_hint = false} : vector<2048x768xf32>, vector<64x768xf32>, vector<2048x64xf32> -> vector<2048x64xf32>
    %iota3A = tpu.iota {dimensions = array<i32: 1>} : vector<2048x64xi32>
    %reduce_max3A = arith.constant dense<0xFF800000> : vector<2048xf32>
    %reduce_max3A_6 = vector.multi_reduction <maximumf>, %dot_general3A_5, %reduce_max3A [1] : vector<2048x64xf32> to vector<2048xf32>
    %broadcast_in_dim3A = vector.shape_cast %reduce_max3A_6 : vector<2048xf32> to vector<2048x1xf32>
    %eq3A = vector.broadcast %broadcast_in_dim3A : vector<2048x1xf32> to vector<2048x64xf32>
    %eq3A_7 = arith.cmpf oeq, %dot_general3A_5, %eq3A : vector<2048x64xf32>
    %jit3A = arith.constant 1073741824 : i32
    %broadcast_in_dim3A_8 = vector.broadcast %jit3A : i32 to vector<2048x64xi32>
    %select_n3A = arith.select %eq3A_7, %iota3A, %broadcast_in_dim3A_8 : vector<2048x64xi1>, vector<2048x64xi32>
    %reduce_min3A = arith.constant dense<2147483647> : vector<2048xi32>
    %reduce_min3A_9 = vector.multi_reduction <minsi>, %select_n3A, %reduce_min3A [1] : vector<2048x64xi32> to vector<2048xi32>
    %broadcast_in_dim3A_10 = vector.shape_cast %reduce_min3A_9 : vector<2048xi32> to vector<2048x1xi32>
    %eq3A_11 = vector.broadcast %broadcast_in_dim3A_10 : vector<2048x1xi32> to vector<2048x64xi32>
    %eq3A_12 = arith.cmpi eq, %iota3A, %eq3A_11 : vector<2048x64xi32>
    %jit3A_13 = arith.constant 0xFF800000 : f32
    %broadcast_in_dim3A_14 = vector.broadcast %jit3A_13 : f32 to vector<2048x64xf32>
    %select_n3A_15 = arith.select %eq3A_12, %broadcast_in_dim3A_14, %dot_general3A_5 : vector<2048x64xi1>, vector<2048x64xf32>
    %reduce_max3A_16 = arith.constant dense<0xFF800000> : vector<2048xf32>
    %reduce_max3A_17 = vector.multi_reduction <maximumf>, %select_n3A_15, %reduce_max3A_16 [1] : vector<2048x64xf32> to vector<2048xf32>
    %broadcast_in_dim3A_18 = vector.shape_cast %reduce_max3A_17 : vector<2048xf32> to vector<2048x1xf32>
    %eq3A_19 = vector.broadcast %broadcast_in_dim3A_18 : vector<2048x1xf32> to vector<2048x64xf32>
    %eq3A_20 = arith.cmpf oeq, %select_n3A_15, %eq3A_19 : vector<2048x64xf32>
    %jit3A_21 = arith.constant 1073741824 : i32
    %broadcast_in_dim3A_22 = vector.broadcast %jit3A_21 : i32 to vector<2048x64xi32>
    %select_n3A_23 = arith.select %eq3A_20, %iota3A, %broadcast_in_dim3A_22 : vector<2048x64xi1>, vector<2048x64xi32>
    %reduce_min3A_24 = arith.constant dense<2147483647> : vector<2048xi32>
    %reduce_min3A_25 = vector.multi_reduction <minsi>, %select_n3A_23, %reduce_min3A_24 [1] : vector<2048x64xi32> to vector<2048xi32>
    %sub3A = arith.subf %reduce_max3A_17, %reduce_max3A_6 : vector<2048xf32>
    %exp3A = math.exp %sub3A : vector<2048xf32>
    %add3A = arith.constant 1.000000e+00 : f32
    %add3A_26 = vector.broadcast %add3A : f32 to vector<2048xf32>
    %add3A_27 = arith.addf %add3A_26, %exp3A : vector<2048xf32>
    %div3A = arith.constant 1.000000e+00 : f32
    %div3A_28 = vector.broadcast %div3A : f32 to vector<2048xf32>
    %div3A_29 = arith.divf %div3A_28, %add3A_27 : vector<2048xf32>
    %add3A_30 = arith.constant 1.000000e+00 : f32
    %add3A_31 = vector.broadcast %add3A_30 : f32 to vector<2048xf32>
    %add3A_32 = arith.addf %add3A_31, %exp3A : vector<2048xf32>
    %div3A_33 = arith.divf %exp3A, %add3A_32 : vector<2048xf32>
    %broadcast_in_dim3A_34 = vector.shape_cast %div3A_29 : vector<2048xf32> to vector<2048x1xf32>
    %broadcast_in_dim3A_35 = vector.shape_cast %broadcast_in_dim3A_34 : vector<2048x1xf32> to vector<2048x1xf32>
    %broadcast_in_dim3A_36 = vector.broadcast %broadcast_in_dim3A_35 : vector<2048x1xf32> to vector<2048x128xf32>
    %swap3A = arith.constant 0 : index
    %swap3A_37 = arith.constant 0 : index
    %swap3A_38 = arith.constant 0 : index
    %swap3A_39 = vector.load %arg2[%swap3A, %swap3A_37, %swap3A_38] : memref<2x2048x128xf32, #tpu.memory_space<vmem>>, vector<1x2048x128xf32>
    %swap3A_40 = vector.shape_cast %swap3A_39 : vector<1x2048x128xf32> to vector<2048x128xf32>
    %swap3A_41 = vector.shape_cast %broadcast_in_dim3A_36 : vector<2048x128xf32> to vector<1x2048x128xf32>
    tpu.vector_store %arg2[%swap3A, %swap3A_37, %swap3A_38], %swap3A_41 {strides = array<i32>} : memref<2x2048x128xf32, #tpu.memory_space<vmem>>, vector<1x2048x128xf32>,
    %broadcast_in_dim3A_42 = vector.shape_cast %div3A_33 : vector<2048xf32> to vector<2048x1xf32>
    %broadcast_in_dim3A_43 = vector.shape_cast %broadcast_in_dim3A_42 : vector<2048x1xf32> to vector<2048x1xf32>
    %broadcast_in_dim3A_44 = vector.broadcast %broadcast_in_dim3A_43 : vector<2048x1xf32> to vector<2048x128xf32>
    %swap3A_45 = arith.constant 1 : index
    %swap3A_46 = arith.constant 0 : index
    %swap3A_47 = arith.constant 0 : index
    %swap3A_48 = vector.load %arg2[%swap3A_45, %swap3A_46, %swap3A_47] : memref<2x2048x128xf32, #tpu.memory_space<vmem>>, vector<1x2048x128xf32>
    %swap3A_49 = vector.shape_cast %swap3A_48 : vector<1x2048x128xf32> to vector<2048x128xf32>
    %swap3A_50 = vector.shape_cast %broadcast_in_dim3A_44 : vector<2048x128xf32> to vector<1x2048x128xf32>
    tpu.vector_store %arg2[%swap3A_45, %swap3A_46, %swap3A_47], %swap3A_50 {strides = array<i32>} : memref<2x2048x128xf32, #tpu.memory_space<vmem>>, vector<1x2048x128xf32>,
    %broadcast_in_dim3A_51 = vector.shape_cast %reduce_min3A_9 : vector<2048xi32> to vector<2048x1xi32>
    %eq3A_52 = vector.broadcast %broadcast_in_dim3A_51 : vector<2048x1xi32> to vector<2048x64xi32>
    %eq3A_53 = arith.cmpi eq, %eq3A_52, %iota3A : vector<2048x64xi32>
    %convert_element_type3A = arith.extui %eq3A_53 : vector<2048x64xi1> to vector<2048x64xi32>
    %convert_element_type3A_54 = arith.sitofp %convert_element_type3A : vector<2048x64xi32> to vector<2048x64xf32>
    %broadcast_in_dim3A_55 = vector.shape_cast %reduce_min3A_25 : vector<2048xi32> to vector<2048x1xi32>
    %eq3A_56 = vector.broadcast %broadcast_in_dim3A_55 : vector<2048x1xi32> to vector<2048x64xi32>
    %eq3A_57 = arith.cmpi eq, %eq3A_56, %iota3A : vector<2048x64xi32>
    %convert_element_type3A_58 = arith.extui %eq3A_57 : vector<2048x64xi1> to vector<2048x64xi32>
    %convert_element_type3A_59 = arith.sitofp %convert_element_type3A_58 : vector<2048x64xi32> to vector<2048x64xf32>
    %iota3A_60 = tpu.iota {dimensions = array<i32: 0>} : vector<256x256xi32>
    %iota3A_61 = tpu.iota {dimensions = array<i32: 1>} : vector<256x256xi32>
    %ge3A = arith.cmpi sge, %iota3A_60, %iota3A_61 : vector<256x256xi32>
    %convert_element_type3A_62 = arith.extui %ge3A : vector<256x256xi1> to vector<256x256xi32>
    %convert_element_type3A_63 = arith.sitofp %convert_element_type3A_62 : vector<256x256xi32> to vector<256x256xf32>
    %broadcast_in_dim3A_64 = arith.constant 0.000000e+00 : f32
    %broadcast_in_dim3A_65 = vector.broadcast %broadcast_in_dim3A_64 : f32 to vector<1x64xf32>
    %slice3A = vector.extract_strided_slice %convert_element_type3A_54 {offsets = [0, 0], sizes = [256, 64], strides = [1, 1]} : vector<2048x64xf32> to vector<256x64xf32>
    %dot_general3A_66 = arith.constant dense<0.000000e+00> : vector<256x64xf32>
    %dot_general3A_67 = tpu.matmul %convert_element_type3A_63, %slice3A, %dot_general3A_66 {dimension_numbers = #tpu.dot_dimension_numbers<[1], [0], [0], [1], [0, 0, 1, 1], [], []>, transpose_lhs_hint = false} : vector<256x256xf32>, vector<256x64xf32>, vector<256x64xf32> -> vector<256x64xf32>
    %add3A_68 = vector.broadcast %broadcast_in_dim3A_65 : vector<1x64xf32> to vector<256x64xf32>
    %add3A_69 = arith.addf %dot_general3A_67, %add3A_68 : vector<256x64xf32>
    %sub3A_70 = arith.subf %add3A_69, %slice3A : vector<256x64xf32>
    %mul3A = arith.mulf %sub3A_70, %slice3A : vector<256x64xf32>
    %reduce_sum3A = arith.constant dense<0.000000e+00> : vector<256xf32>
    %reduce_sum3A_71 = vector.multi_reduction <add>, %mul3A, %reduce_sum3A [1] : vector<256x64xf32> to vector<256xf32>
    %reduce_sum3A_72 = arith.constant dense<0.000000e+00> : vector<64xf32>
    %reduce_sum3A_73 = vector.multi_reduction <add>, %slice3A, %reduce_sum3A_72 [0] : vector<256x64xf32> to vector<64xf32>
    %broadcast_in_dim3A_74 = vector.shape_cast %reduce_sum3A_73 : vector<64xf32> to vector<1x64xf32>
    %add3A_75 = arith.addf %broadcast_in_dim3A_65, %broadcast_in_dim3A_74 : vector<1x64xf32>
    %slice3A_76 = vector.extract_strided_slice %convert_element_type3A_54 {offsets = [256, 0], sizes = [256, 64], strides = [1, 1]} : vector<2048x64xf32> to vector<256x64xf32>
    %dot_general3A_77 = arith.constant dense<0.000000e+00> : vector<256x64xf32>
    %dot_general3A_78 = tpu.matmul %convert_element_type3A_63, %slice3A_76, %dot_general3A_77 {dimension_numbers = #tpu.dot_dimension_numbers<[1], [0], [0], [1], [0, 0, 1, 1], [], []>, transpose_lhs_hint = false} : vector<256x256xf32>, vector<256x64xf32>, vector<256x64xf32> -> vector<256x64xf32>
    %add3A_79 = vector.broadcast %add3A_75 : vector<1x64xf32> to vector<256x64xf32>
    %add3A_80 = arith.addf %dot_general3A_78, %add3A_79 : vector<256x64xf32>
    %sub3A_81 = arith.subf %add3A_80, %slice3A_76 : vector<256x64xf32>
    %mul3A_82 = arith.mulf %sub3A_81, %slice3A_76 : vector<256x64xf32>
    %reduce_sum3A_83 = arith.constant dense<0.000000e+00> : vector<256xf32>
    %reduce_sum3A_84 = vector.multi_reduction <add>, %mul3A_82, %reduce_sum3A_83 [1] : vector<256x64xf32> to vector<256xf32>
    %reduce_sum3A_85 = arith.constant dense<0.000000e+00> : vector<64xf32>
    %reduce_sum3A_86 = vector.multi_reduction <add>, %slice3A_76, %reduce_sum3A_85 [0] : vector<256x64xf32> to vector<64xf32>
    %broadcast_in_dim3A_87 = vector.shape_cast %reduce_sum3A_86 : vector<64xf32> to vector<1x64xf32>
    %add3A_88 = arith.addf %add3A_75, %broadcast_in_dim3A_87 : vector<1x64xf32>
    %slice3A_89 = vector.extract_strided_slice %convert_element_type3A_54 {offsets = [512, 0], sizes = [256, 64], strides = [1, 1]} : vector<2048x64xf32> to vector<256x64xf32>
    %dot_general3A_90 = arith.constant dense<0.000000e+00> : vector<256x64xf32>
    %dot_general3A_91 = tpu.matmul %convert_element_type3A_63, %slice3A_89, %dot_general3A_90 {dimension_numbers = #tpu.dot_dimension_numbers<[1], [0], [0], [1], [0, 0, 1, 1], [], []>, transpose_lhs_hint = false} : vector<256x256xf32>, vector<256x64xf32>, vector<256x64xf32> -> vector<256x64xf32>
    %add3A_92 = vector.broadcast %add3A_88 : vector<1x64xf32> to vector<256x64xf32>
    %add3A_93 = arith.addf %dot_general3A_91, %add3A_92 : vector<256x64xf32>
    %sub3A_94 = arith.subf %add3A_93, %slice3A_89 : vector<256x64xf32>
    %mul3A_95 = arith.mulf %sub3A_94, %slice3A_89 : vector<256x64xf32>
    %reduce_sum3A_96 = arith.constant dense<0.000000e+00> : vector<256xf32>
    %reduce_sum3A_97 = vector.multi_reduction <add>, %mul3A_95, %reduce_sum3A_96 [1] : vector<256x64xf32> to vector<256xf32>
    %reduce_sum3A_98 = arith.constant dense<0.000000e+00> : vector<64xf32>
    %reduce_sum3A_99 = vector.multi_reduction <add>, %slice3A_89, %reduce_sum3A_98 [0] : vector<256x64xf32> to vector<64xf32>
    %broadcast_in_dim3A_100 = vector.shape_cast %reduce_sum3A_99 : vector<64xf32> to vector<1x64xf32>
    %add3A_101 = arith.addf %add3A_88, %broadcast_in_dim3A_100 : vector<1x64xf32>
    %slice3A_102 = vector.extract_strided_slice %convert_element_type3A_54 {offsets = [768, 0], sizes = [256, 64], strides = [1, 1]} : vector<2048x64xf32> to vector<256x64xf32>
    %dot_general3A_103 = arith.constant dense<0.000000e+00> : vector<256x64xf32>
    %dot_general3A_104 = tpu.matmul %convert_element_type3A_63, %slice3A_102, %dot_general3A_103 {dimension_numbers = #tpu.dot_dimension_numbers<[1], [0], [0], [1], [0, 0, 1, 1], [], []>, transpose_lhs_hint = false} : vector<256x256xf32>, vector<256x64xf32>, vector<256x64xf32> -> vector<256x64xf32>
    %add3A_105 = vector.broadcast %add3A_101 : vector<1x64xf32> to vector<256x64xf32>
    %add3A_106 = arith.addf %dot_general3A_104, %add3A_105 : vector<256x64xf32>
    %sub3A_107 = arith.subf %add3A_106, %slice3A_102 : vector<256x64xf32>
    %mul3A_108 = arith.mulf %sub3A_107, %slice3A_102 : vector<256x64xf32>
    %reduce_sum3A_109 = arith.constant dense<0.000000e+00> : vector<256xf32>
    %reduce_sum3A_110 = vector.multi_reduction <add>, %mul3A_108, %reduce_sum3A_109 [1] : vector<256x64xf32> to vector<256xf32>
    %reduce_sum3A_111 = arith.constant dense<0.000000e+00> : vector<64xf32>
    %reduce_sum3A_112 = vector.multi_reduction <add>, %slice3A_102, %reduce_sum3A_111 [0] : vector<256x64xf32> to vector<64xf32>
    %broadcast_in_dim3A_113 = vector.shape_cast %reduce_sum3A_112 : vector<64xf32> to vector<1x64xf32>
    %add3A_114 = arith.addf %add3A_101, %broadcast_in_dim3A_113 : vector<1x64xf32>
    %slice3A_115 = vector.extract_strided_slice %convert_element_type3A_54 {offsets = [1024, 0], sizes = [256, 64], strides = [1, 1]} : vector<2048x64xf32> to vector<256x64xf32>
    %dot_general3A_116 = arith.constant dense<0.000000e+00> : vector<256x64xf32>
    %dot_general3A_117 = tpu.matmul %convert_element_type3A_63, %slice3A_115, %dot_general3A_116 {dimension_numbers = #tpu.dot_dimension_numbers<[1], [0], [0], [1], [0, 0, 1, 1], [], []>, transpose_lhs_hint = false} : vector<256x256xf32>, vector<256x64xf32>, vector<256x64xf32> -> vector<256x64xf32>
    %add3A_118 = vector.broadcast %add3A_114 : vector<1x64xf32> to vector<256x64xf32>
    %add3A_119 = arith.addf %dot_general3A_117, %add3A_118 : vector<256x64xf32>
    %sub3A_120 = arith.subf %add3A_119, %slice3A_115 : vector<256x64xf32>
    %mul3A_121 = arith.mulf %sub3A_120, %slice3A_115 : vector<256x64xf32>
    %reduce_sum3A_122 = arith.constant dense<0.000000e+00> : vector<256xf32>
    %reduce_sum3A_123 = vector.multi_reduction <add>, %mul3A_121, %reduce_sum3A_122 [1] : vector<256x64xf32> to vector<256xf32>
    %reduce_sum3A_124 = arith.constant dense<0.000000e+00> : vector<64xf32>
    %reduce_sum3A_125 = vector.multi_reduction <add>, %slice3A_115, %reduce_sum3A_124 [0] : vector<256x64xf32> to vector<64xf32>
    %broadcast_in_dim3A_126 = vector.shape_cast %reduce_sum3A_125 : vector<64xf32> to vector<1x64xf32>
    %add3A_127 = arith.addf %add3A_114, %broadcast_in_dim3A_126 : vector<1x64xf32>
    %slice3A_128 = vector.extract_strided_slice %convert_element_type3A_54 {offsets = [1280, 0], sizes = [256, 64], strides = [1, 1]} : vector<2048x64xf32> to vector<256x64xf32>
    %dot_general3A_129 = arith.constant dense<0.000000e+00> : vector<256x64xf32>
    %dot_general3A_130 = tpu.matmul %convert_element_type3A_63, %slice3A_128, %dot_general3A_129 {dimension_numbers = #tpu.dot_dimension_numbers<[1], [0], [0], [1], [0, 0, 1, 1], [], []>, transpose_lhs_hint = false} : vector<256x256xf32>, vector<256x64xf32>, vector<256x64xf32> -> vector<256x64xf32>
    %add3A_131 = vector.broadcast %add3A_127 : vector<1x64xf32> to vector<256x64xf32>
    %add3A_132 = arith.addf %dot_general3A_130, %add3A_131 : vector<256x64xf32>
    %sub3A_133 = arith.subf %add3A_132, %slice3A_128 : vector<256x64xf32>
    %mul3A_134 = arith.mulf %sub3A_133, %slice3A_128 : vector<256x64xf32>
    %reduce_sum3A_135 = arith.constant dense<0.000000e+00> : vector<256xf32>
    %reduce_sum3A_136 = vector.multi_reduction <add>, %mul3A_134, %reduce_sum3A_135 [1] : vector<256x64xf32> to vector<256xf32>
    %reduce_sum3A_137 = arith.constant dense<0.000000e+00> : vector<64xf32>
    %reduce_sum3A_138 = vector.multi_reduction <add>, %slice3A_128, %reduce_sum3A_137 [0] : vector<256x64xf32> to vector<64xf32>
    %broadcast_in_dim3A_139 = vector.shape_cast %reduce_sum3A_138 : vector<64xf32> to vector<1x64xf32>
    %add3A_140 = arith.addf %add3A_127, %broadcast_in_dim3A_139 : vector<1x64xf32>
    %slice3A_141 = vector.extract_strided_slice %convert_element_type3A_54 {offsets = [1536, 0], sizes = [256, 64], strides = [1, 1]} : vector<2048x64xf32> to vector<256x64xf32>
    %dot_general3A_142 = arith.constant dense<0.000000e+00> : vector<256x64xf32>
    %dot_general3A_143 = tpu.matmul %convert_element_type3A_63, %slice3A_141, %dot_general3A_142 {dimension_numbers = #tpu.dot_dimension_numbers<[1], [0], [0], [1], [0, 0, 1, 1], [], []>, transpose_lhs_hint = false} : vector<256x256xf32>, vector<256x64xf32>, vector<256x64xf32> -> vector<256x64xf32>
    %add3A_144 = vector.broadcast %add3A_140 : vector<1x64xf32> to vector<256x64xf32>
    %add3A_145 = arith.addf %dot_general3A_143, %add3A_144 : vector<256x64xf32>
    %sub3A_146 = arith.subf %add3A_145, %slice3A_141 : vector<256x64xf32>
    %mul3A_147 = arith.mulf %sub3A_146, %slice3A_141 : vector<256x64xf32>
    %reduce_sum3A_148 = arith.constant dense<0.000000e+00> : vector<256xf32>
    %reduce_sum3A_149 = vector.multi_reduction <add>, %mul3A_147, %reduce_sum3A_148 [1] : vector<256x64xf32> to vector<256xf32>
    %reduce_sum3A_150 = arith.constant dense<0.000000e+00> : vector<64xf32>
    %reduce_sum3A_151 = vector.multi_reduction <add>, %slice3A_141, %reduce_sum3A_150 [0] : vector<256x64xf32> to vector<64xf32>
    %broadcast_in_dim3A_152 = vector.shape_cast %reduce_sum3A_151 : vector<64xf32> to vector<1x64xf32>
    %add3A_153 = arith.addf %add3A_140, %broadcast_in_dim3A_152 : vector<1x64xf32>
    %slice3A_154 = vector.extract_strided_slice %convert_element_type3A_54 {offsets = [1792, 0], sizes = [256, 64], strides = [1, 1]} : vector<2048x64xf32> to vector<256x64xf32>
    %dot_general3A_155 = arith.constant dense<0.000000e+00> : vector<256x64xf32>
    %dot_general3A_156 = tpu.matmul %convert_element_type3A_63, %slice3A_154, %dot_general3A_155 {dimension_numbers = #tpu.dot_dimension_numbers<[1], [0], [0], [1], [0, 0, 1, 1], [], []>, transpose_lhs_hint = false} : vector<256x256xf32>, vector<256x64xf32>, vector<256x64xf32> -> vector<256x64xf32>
    %add3A_157 = vector.broadcast %add3A_153 : vector<1x64xf32> to vector<256x64xf32>
    %add3A_158 = arith.addf %dot_general3A_156, %add3A_157 : vector<256x64xf32>
    %sub3A_159 = arith.subf %add3A_158, %slice3A_154 : vector<256x64xf32>
    %mul3A_160 = arith.mulf %sub3A_159, %slice3A_154 : vector<256x64xf32>
    %reduce_sum3A_161 = arith.constant dense<0.000000e+00> : vector<256xf32>
    %reduce_sum3A_162 = vector.multi_reduction <add>, %mul3A_160, %reduce_sum3A_161 [1] : vector<256x64xf32> to vector<256xf32>
    %reduce_sum3A_163 = arith.constant dense<0.000000e+00> : vector<64xf32>
    %reduce_sum3A_164 = vector.multi_reduction <add>, %slice3A_154, %reduce_sum3A_163 [0] : vector<256x64xf32> to vector<64xf32>
    %broadcast_in_dim3A_165 = vector.shape_cast %reduce_sum3A_164 : vector<64xf32> to vector<1x64xf32>
    %add3A_166 = arith.addf %add3A_153, %broadcast_in_dim3A_165 : vector<1x64xf32>
    %slice3A_167 = vector.extract_strided_slice %convert_element_type3A_59 {offsets = [0, 0], sizes = [256, 64], strides = [1, 1]} : vector<2048x64xf32> to vector<256x64xf32>
    %dot_general3A_168 = arith.constant dense<0.000000e+00> : vector<256x64xf32>
    %dot_general3A_169 = tpu.matmul %convert_element_type3A_63, %slice3A_167, %dot_general3A_168 {dimension_numbers = #tpu.dot_dimension_numbers<[1], [0], [0], [1], [0, 0, 1, 1], [], []>, transpose_lhs_hint = false} : vector<256x256xf32>, vector<256x64xf32>, vector<256x64xf32> -> vector<256x64xf32>
    %add3A_170 = vector.broadcast %add3A_166 : vector<1x64xf32> to vector<256x64xf32>
    %add3A_171 = arith.addf %dot_general3A_169, %add3A_170 : vector<256x64xf32>
    %sub3A_172 = arith.subf %add3A_171, %slice3A_167 : vector<256x64xf32>
    %mul3A_173 = arith.mulf %sub3A_172, %slice3A_167 : vector<256x64xf32>
    %reduce_sum3A_174 = arith.constant dense<0.000000e+00> : vector<256xf32>
    %reduce_sum3A_175 = vector.multi_reduction <add>, %mul3A_173, %reduce_sum3A_174 [1] : vector<256x64xf32> to vector<256xf32>
    %reduce_sum3A_176 = arith.constant dense<0.000000e+00> : vector<64xf32>
    %reduce_sum3A_177 = vector.multi_reduction <add>, %slice3A_167, %reduce_sum3A_176 [0] : vector<256x64xf32> to vector<64xf32>
    %broadcast_in_dim3A_178 = vector.shape_cast %reduce_sum3A_177 : vector<64xf32> to vector<1x64xf32>
    %add3A_179 = arith.addf %add3A_166, %broadcast_in_dim3A_178 : vector<1x64xf32>
    %slice3A_180 = vector.extract_strided_slice %convert_element_type3A_59 {offsets = [256, 0], sizes = [256, 64], strides = [1, 1]} : vector<2048x64xf32> to vector<256x64xf32>
    %dot_general3A_181 = arith.constant dense<0.000000e+00> : vector<256x64xf32>
    %dot_general3A_182 = tpu.matmul %convert_element_type3A_63, %slice3A_180, %dot_general3A_181 {dimension_numbers = #tpu.dot_dimension_numbers<[1], [0], [0], [1], [0, 0, 1, 1], [], []>, transpose_lhs_hint = false} : vector<256x256xf32>, vector<256x64xf32>, vector<256x64xf32> -> vector<256x64xf32>
    %add3A_183 = vector.broadcast %add3A_179 : vector<1x64xf32> to vector<256x64xf32>
    %add3A_184 = arith.addf %dot_general3A_182, %add3A_183 : vector<256x64xf32>
    %sub3A_185 = arith.subf %add3A_184, %slice3A_180 : vector<256x64xf32>
    %mul3A_186 = arith.mulf %sub3A_185, %slice3A_180 : vector<256x64xf32>
    %reduce_sum3A_187 = arith.constant dense<0.000000e+00> : vector<256xf32>
    %reduce_sum3A_188 = vector.multi_reduction <add>, %mul3A_186, %reduce_sum3A_187 [1] : vector<256x64xf32> to vector<256xf32>
    %reduce_sum3A_189 = arith.constant dense<0.000000e+00> : vector<64xf32>
    %reduce_sum3A_190 = vector.multi_reduction <add>, %slice3A_180, %reduce_sum3A_189 [0] : vector<256x64xf32> to vector<64xf32>
    %broadcast_in_dim3A_191 = vector.shape_cast %reduce_sum3A_190 : vector<64xf32> to vector<1x64xf32>
    %add3A_192 = arith.addf %add3A_179, %broadcast_in_dim3A_191 : vector<1x64xf32>
    %slice3A_193 = vector.extract_strided_slice %convert_element_type3A_59 {offsets = [512, 0], sizes = [256, 64], strides = [1, 1]} : vector<2048x64xf32> to vector<256x64xf32>
    %dot_general3A_194 = arith.constant dense<0.000000e+00> : vector<256x64xf32>
    %dot_general3A_195 = tpu.matmul %convert_element_type3A_63, %slice3A_193, %dot_general3A_194 {dimension_numbers = #tpu.dot_dimension_numbers<[1], [0], [0], [1], [0, 0, 1, 1], [], []>, transpose_lhs_hint = false} : vector<256x256xf32>, vector<256x64xf32>, vector<256x64xf32> -> vector<256x64xf32>
    %add3A_196 = vector.broadcast %add3A_192 : vector<1x64xf32> to vector<256x64xf32>
    %add3A_197 = arith.addf %dot_general3A_195, %add3A_196 : vector<256x64xf32>
    %sub3A_198 = arith.subf %add3A_197, %slice3A_193 : vector<256x64xf32>
    %mul3A_199 = arith.mulf %sub3A_198, %slice3A_193 : vector<256x64xf32>
    %reduce_sum3A_200 = arith.constant dense<0.000000e+00> : vector<256xf32>
    %reduce_sum3A_201 = vector.multi_reduction <add>, %mul3A_199, %reduce_sum3A_200 [1] : vector<256x64xf32> to vector<256xf32>
    %reduce_sum3A_202 = arith.constant dense<0.000000e+00> : vector<64xf32>
    %reduce_sum3A_203 = vector.multi_reduction <add>, %slice3A_193, %reduce_sum3A_202 [0] : vector<256x64xf32> to vector<64xf32>
    %broadcast_in_dim3A_204 = vector.shape_cast %reduce_sum3A_203 : vector<64xf32> to vector<1x64xf32>
    %add3A_205 = arith.addf %add3A_192, %broadcast_in_dim3A_204 : vector<1x64xf32>
    %slice3A_206 = vector.extract_strided_slice %convert_element_type3A_59 {offsets = [768, 0], sizes = [256, 64], strides = [1, 1]} : vector<2048x64xf32> to vector<256x64xf32>
    %dot_general3A_207 = arith.constant dense<0.000000e+00> : vector<256x64xf32>
    %dot_general3A_208 = tpu.matmul %convert_element_type3A_63, %slice3A_206, %dot_general3A_207 {dimension_numbers = #tpu.dot_dimension_numbers<[1], [0], [0], [1], [0, 0, 1, 1], [], []>, transpose_lhs_hint = false} : vector<256x256xf32>, vector<256x64xf32>, vector<256x64xf32> -> vector<256x64xf32>
    %add3A_209 = vector.broadcast %add3A_205 : vector<1x64xf32> to vector<256x64xf32>
    %add3A_210 = arith.addf %dot_general3A_208, %add3A_209 : vector<256x64xf32>
    %sub3A_211 = arith.subf %add3A_210, %slice3A_206 : vector<256x64xf32>
    %mul3A_212 = arith.mulf %sub3A_211, %slice3A_206 : vector<256x64xf32>
    %reduce_sum3A_213 = arith.constant dense<0.000000e+00> : vector<256xf32>
    %reduce_sum3A_214 = vector.multi_reduction <add>, %mul3A_212, %reduce_sum3A_213 [1] : vector<256x64xf32> to vector<256xf32>
    %reduce_sum3A_215 = arith.constant dense<0.000000e+00> : vector<64xf32>
    %reduce_sum3A_216 = vector.multi_reduction <add>, %slice3A_206, %reduce_sum3A_215 [0] : vector<256x64xf32> to vector<64xf32>
    %broadcast_in_dim3A_217 = vector.shape_cast %reduce_sum3A_216 : vector<64xf32> to vector<1x64xf32>
    %add3A_218 = arith.addf %add3A_205, %broadcast_in_dim3A_217 : vector<1x64xf32>
    %slice3A_219 = vector.extract_strided_slice %convert_element_type3A_59 {offsets = [1024, 0], sizes = [256, 64], strides = [1, 1]} : vector<2048x64xf32> to vector<256x64xf32>
    %dot_general3A_220 = arith.constant dense<0.000000e+00> : vector<256x64xf32>
    %dot_general3A_221 = tpu.matmul %convert_element_type3A_63, %slice3A_219, %dot_general3A_220 {dimension_numbers = #tpu.dot_dimension_numbers<[1], [0], [0], [1], [0, 0, 1, 1], [], []>, transpose_lhs_hint = false} : vector<256x256xf32>, vector<256x64xf32>, vector<256x64xf32> -> vector<256x64xf32>
    %add3A_222 = vector.broadcast %add3A_218 : vector<1x64xf32> to vector<256x64xf32>
    %add3A_223 = arith.addf %dot_general3A_221, %add3A_222 : vector<256x64xf32>
    %sub3A_224 = arith.subf %add3A_223, %slice3A_219 : vector<256x64xf32>
    %mul3A_225 = arith.mulf %sub3A_224, %slice3A_219 : vector<256x64xf32>
    %reduce_sum3A_226 = arith.constant dense<0.000000e+00> : vector<256xf32>
    %reduce_sum3A_227 = vector.multi_reduction <add>, %mul3A_225, %reduce_sum3A_226 [1] : vector<256x64xf32> to vector<256xf32>
    %reduce_sum3A_228 = arith.constant dense<0.000000e+00> : vector<64xf32>
    %reduce_sum3A_229 = vector.multi_reduction <add>, %slice3A_219, %reduce_sum3A_228 [0] : vector<256x64xf32> to vector<64xf32>
    %broadcast_in_dim3A_230 = vector.shape_cast %reduce_sum3A_229 : vector<64xf32> to vector<1x64xf32>
    %add3A_231 = arith.addf %add3A_218, %broadcast_in_dim3A_230 : vector<1x64xf32>
    %slice3A_232 = vector.extract_strided_slice %convert_element_type3A_59 {offsets = [1280, 0], sizes = [256, 64], strides = [1, 1]} : vector<2048x64xf32> to vector<256x64xf32>
    %dot_general3A_233 = arith.constant dense<0.000000e+00> : vector<256x64xf32>
    %dot_general3A_234 = tpu.matmul %convert_element_type3A_63, %slice3A_232, %dot_general3A_233 {dimension_numbers = #tpu.dot_dimension_numbers<[1], [0], [0], [1], [0, 0, 1, 1], [], []>, transpose_lhs_hint = false} : vector<256x256xf32>, vector<256x64xf32>, vector<256x64xf32> -> vector<256x64xf32>
    %add3A_235 = vector.broadcast %add3A_231 : vector<1x64xf32> to vector<256x64xf32>
    %add3A_236 = arith.addf %dot_general3A_234, %add3A_235 : vector<256x64xf32>
    %sub3A_237 = arith.subf %add3A_236, %slice3A_232 : vector<256x64xf32>
    %mul3A_238 = arith.mulf %sub3A_237, %slice3A_232 : vector<256x64xf32>
    %reduce_sum3A_239 = arith.constant dense<0.000000e+00> : vector<256xf32>
    %reduce_sum3A_240 = vector.multi_reduction <add>, %mul3A_238, %reduce_sum3A_239 [1] : vector<256x64xf32> to vector<256xf32>
    %reduce_sum3A_241 = arith.constant dense<0.000000e+00> : vector<64xf32>
    %reduce_sum3A_242 = vector.multi_reduction <add>, %slice3A_232, %reduce_sum3A_241 [0] : vector<256x64xf32> to vector<64xf32>
    %broadcast_in_dim3A_243 = vector.shape_cast %reduce_sum3A_242 : vector<64xf32> to vector<1x64xf32>
    %add3A_244 = arith.addf %add3A_231, %broadcast_in_dim3A_243 : vector<1x64xf32>
    %slice3A_245 = vector.extract_strided_slice %convert_element_type3A_59 {offsets = [1536, 0], sizes = [256, 64], strides = [1, 1]} : vector<2048x64xf32> to vector<256x64xf32>
    %dot_general3A_246 = arith.constant dense<0.000000e+00> : vector<256x64xf32>
    %dot_general3A_247 = tpu.matmul %convert_element_type3A_63, %slice3A_245, %dot_general3A_246 {dimension_numbers = #tpu.dot_dimension_numbers<[1], [0], [0], [1], [0, 0, 1, 1], [], []>, transpose_lhs_hint = false} : vector<256x256xf32>, vector<256x64xf32>, vector<256x64xf32> -> vector<256x64xf32>
    %add3A_248 = vector.broadcast %add3A_244 : vector<1x64xf32> to vector<256x64xf32>
    %add3A_249 = arith.addf %dot_general3A_247, %add3A_248 : vector<256x64xf32>
    %sub3A_250 = arith.subf %add3A_249, %slice3A_245 : vector<256x64xf32>
    %mul3A_251 = arith.mulf %sub3A_250, %slice3A_245 : vector<256x64xf32>
    %reduce_sum3A_252 = arith.constant dense<0.000000e+00> : vector<256xf32>
    %reduce_sum3A_253 = vector.multi_reduction <add>, %mul3A_251, %reduce_sum3A_252 [1] : vector<256x64xf32> to vector<256xf32>
    %reduce_sum3A_254 = arith.constant dense<0.000000e+00> : vector<64xf32>
    %reduce_sum3A_255 = vector.multi_reduction <add>, %slice3A_245, %reduce_sum3A_254 [0] : vector<256x64xf32> to vector<64xf32>
    %broadcast_in_dim3A_256 = vector.shape_cast %reduce_sum3A_255 : vector<64xf32> to vector<1x64xf32>
    %add3A_257 = arith.addf %add3A_244, %broadcast_in_dim3A_256 : vector<1x64xf32>
    %slice3A_258 = vector.extract_strided_slice %convert_element_type3A_59 {offsets = [1792, 0], sizes = [256, 64], strides = [1, 1]} : vector<2048x64xf32> to vector<256x64xf32>
    %dot_general3A_259 = arith.constant dense<0.000000e+00> : vector<256x64xf32>
    %dot_general3A_260 = tpu.matmul %convert_element_type3A_63, %slice3A_258, %dot_general3A_259 {dimension_numbers = #tpu.dot_dimension_numbers<[1], [0], [0], [1], [0, 0, 1, 1], [], []>, transpose_lhs_hint = false} : vector<256x256xf32>, vector<256x64xf32>, vector<256x64xf32> -> vector<256x64xf32>
    %add3A_261 = vector.broadcast %add3A_257 : vector<1x64xf32> to vector<256x64xf32>
    %add3A_262 = arith.addf %dot_general3A_260, %add3A_261 : vector<256x64xf32>
    %sub3A_263 = arith.subf %add3A_262, %slice3A_258 : vector<256x64xf32>
    %mul3A_264 = arith.mulf %sub3A_263, %slice3A_258 : vector<256x64xf32>
    %reduce_sum3A_265 = arith.constant dense<0.000000e+00> : vector<256xf32>
    %reduce_sum3A_266 = vector.multi_reduction <add>, %mul3A_264, %reduce_sum3A_265 [1] : vector<256x64xf32> to vector<256xf32>
    %reduce_sum3A_267 = arith.constant dense<0.000000e+00> : vector<64xf32>
    %reduce_sum3A_268 = vector.multi_reduction <add>, %slice3A_258, %reduce_sum3A_267 [0] : vector<256x64xf32> to vector<64xf32>
    %broadcast_in_dim3A_269 = vector.shape_cast %reduce_sum3A_268 : vector<64xf32> to vector<1x64xf32>
    %add3A_270 = arith.addf %add3A_257, %broadcast_in_dim3A_269 : vector<1x64xf32>
    %add3A_271 = arith.constant 6.300000e+01 : f32
    %add3A_272 = vector.broadcast %add3A_271 : f32 to vector<1x64xf32>
    %add3A_273 = arith.addf %add3A_270, %add3A_272 : vector<1x64xf32>
    %mul3A_274 = arith.constant 1.562500e-02 : f32
    %mul3A_275 = vector.broadcast %mul3A_274 : f32 to vector<1x64xf32>
    %mul3A_276 = arith.mulf %add3A_273, %mul3A_275 : vector<1x64xf32>
    %floor3A = math.floor %mul3A_276 : vector<1x64xf32>
    %iota3A_277 = tpu.iota {dimensions = array<i32: 0>} : vector<64x64xi32>
    %iota3A_278 = tpu.iota {dimensions = array<i32: 1>} : vector<64x64xi32>
    %le3A = arith.cmpi sle, %iota3A_277, %iota3A_278 : vector<64x64xi32>
    %convert_element_type3A_279 = arith.extui %le3A : vector<64x64xi1> to vector<64x64xi32>
    %convert_element_type3A_280 = arith.sitofp %convert_element_type3A_279 : vector<64x64xi32> to vector<64x64xf32>
    %dot_general3A_281 = arith.constant dense<0.000000e+00> : vector<1x64xf32>
    %dot_general3A_282 = tpu.matmul %floor3A, %convert_element_type3A_280, %dot_general3A_281 {dimension_numbers = #tpu.dot_dimension_numbers<[1], [0], [0], [1], [0, 0, 1, 1], [], []>, transpose_lhs_hint = false} : vector<1x64xf32>, vector<64x64xf32>, vector<1x64xf32> -> vector<1x64xf32>
    %sub3A_283 = arith.subf %dot_general3A_282, %floor3A : vector<1x64xf32>
    %mul3A_284 = arith.constant 6.400000e+01 : f32
    %mul3A_285 = vector.broadcast %mul3A_284 : f32 to vector<1x64xf32>
    %mul3A_286 = arith.mulf %sub3A_283, %mul3A_285 : vector<1x64xf32>
    %mul3A_287 = vector.broadcast %mul3A_286 : vector<1x64xf32> to vector<2048x64xf32>
    %mul3A_288 = arith.mulf %convert_element_type3A_54, %mul3A_287 : vector<2048x64xf32>
    %reduce_sum3A_289 = arith.constant dense<0.000000e+00> : vector<2048xf32>
    %reduce_sum3A_290 = vector.multi_reduction <add>, %mul3A_288, %reduce_sum3A_289 [1] : vector<2048x64xf32> to vector<2048xf32>
    %mul3A_291 = vector.broadcast %mul3A_286 : vector<1x64xf32> to vector<2048x64xf32>
    %mul3A_292 = arith.mulf %convert_element_type3A_59, %mul3A_291 : vector<2048x64xf32>
    %reduce_sum3A_293 = arith.constant dense<0.000000e+00> : vector<2048xf32>
    %reduce_sum3A_294 = vector.multi_reduction <add>, %mul3A_292, %reduce_sum3A_293 [1] : vector<2048x64xf32> to vector<2048xf32>
    %slice3A_295 = vector.extract_strided_slice %reduce_sum3A_290 {offsets = [0], sizes = [256], strides = [1]} : vector<2048xf32> to vector<256xf32>
    %add3A_296 = arith.addf %slice3A_295, %reduce_sum3A_71 : vector<256xf32>
    %convert_element_type3A_297 = arith.fptosi %add3A_296 : vector<256xf32> to vector<256xi32>
    %swap3A_298 = arith.constant 0 : index
    %swap3A_299 = arith.constant 0 : index
    %swap3A_300 = vector.load %arg3[%swap3A_298, %swap3A_299] : memref<2x2048xi32, #tpu.memory_space<vmem>>, vector<1x256xi32>
    %swap3A_301 = vector.shape_cast %swap3A_300 : vector<1x256xi32> to vector<256xi32>
    %swap3A_302 = vector.shape_cast %convert_element_type3A_297 : vector<256xi32> to vector<1x256xi32>
    tpu.vector_store %arg3[%swap3A_298, %swap3A_299], %swap3A_302 {strides = array<i32>} : memref<2x2048xi32, #tpu.memory_space<vmem>>, vector<1x256xi32>,
    %slice3A_303 = vector.extract_strided_slice %reduce_sum3A_294 {offsets = [0], sizes = [256], strides = [1]} : vector<2048xf32> to vector<256xf32>
    %add3A_304 = arith.addf %slice3A_303, %reduce_sum3A_175 : vector<256xf32>
    %convert_element_type3A_305 = arith.fptosi %add3A_304 : vector<256xf32> to vector<256xi32>
    %swap3A_306 = arith.constant 1 : index
    %swap3A_307 = arith.constant 0 : index
    %swap3A_308 = vector.load %arg3[%swap3A_306, %swap3A_307] : memref<2x2048xi32, #tpu.memory_space<vmem>>, vector<1x256xi32>
    %swap3A_309 = vector.shape_cast %swap3A_308 : vector<1x256xi32> to vector<256xi32>
    %swap3A_310 = vector.shape_cast %convert_element_type3A_305 : vector<256xi32> to vector<1x256xi32>
    tpu.vector_store %arg3[%swap3A_306, %swap3A_307], %swap3A_310 {strides = array<i32>} : memref<2x2048xi32, #tpu.memory_space<vmem>>, vector<1x256xi32>,
    %slice3A_311 = vector.extract_strided_slice %reduce_sum3A_290 {offsets = [256], sizes = [256], strides = [1]} : vector<2048xf32> to vector<256xf32>
    %add3A_312 = arith.addf %slice3A_311, %reduce_sum3A_84 : vector<256xf32>
    %convert_element_type3A_313 = arith.fptosi %add3A_312 : vector<256xf32> to vector<256xi32>
    %swap3A_314 = arith.constant 0 : index
    %swap3A_315 = arith.constant 256 : index
    %swap3A_316 = vector.load %arg3[%swap3A_314, %swap3A_315] : memref<2x2048xi32, #tpu.memory_space<vmem>>, vector<1x256xi32>
    %swap3A_317 = vector.shape_cast %swap3A_316 : vector<1x256xi32> to vector<256xi32>
    %swap3A_318 = vector.shape_cast %convert_element_type3A_313 : vector<256xi32> to vector<1x256xi32>
    tpu.vector_store %arg3[%swap3A_314, %swap3A_315], %swap3A_318 {strides = array<i32>} : memref<2x2048xi32, #tpu.memory_space<vmem>>, vector<1x256xi32>,
    %slice3A_319 = vector.extract_strided_slice %reduce_sum3A_294 {offsets = [256], sizes = [256], strides = [1]} : vector<2048xf32> to vector<256xf32>
    %add3A_320 = arith.addf %slice3A_319, %reduce_sum3A_188 : vector<256xf32>
    %convert_element_type3A_321 = arith.fptosi %add3A_320 : vector<256xf32> to vector<256xi32>
    %swap3A_322 = arith.constant 1 : index
    %swap3A_323 = arith.constant 256 : index
    %swap3A_324 = vector.load %arg3[%swap3A_322, %swap3A_323] : memref<2x2048xi32, #tpu.memory_space<vmem>>, vector<1x256xi32>
    %swap3A_325 = vector.shape_cast %swap3A_324 : vector<1x256xi32> to vector<256xi32>
    %swap3A_326 = vector.shape_cast %convert_element_type3A_321 : vector<256xi32> to vector<1x256xi32>
    tpu.vector_store %arg3[%swap3A_322, %swap3A_323], %swap3A_326 {strides = array<i32>} : memref<2x2048xi32, #tpu.memory_space<vmem>>, vector<1x256xi32>,
    %slice3A_327 = vector.extract_strided_slice %reduce_sum3A_290 {offsets = [512], sizes = [256], strides = [1]} : vector<2048xf32> to vector<256xf32>
    %add3A_328 = arith.addf %slice3A_327, %reduce_sum3A_97 : vector<256xf32>
    %convert_element_type3A_329 = arith.fptosi %add3A_328 : vector<256xf32> to vector<256xi32>
    %swap3A_330 = arith.constant 0 : index
    %swap3A_331 = arith.constant 512 : index
    %swap3A_332 = vector.load %arg3[%swap3A_330, %swap3A_331] : memref<2x2048xi32, #tpu.memory_space<vmem>>, vector<1x256xi32>
    %swap3A_333 = vector.shape_cast %swap3A_332 : vector<1x256xi32> to vector<256xi32>
    %swap3A_334 = vector.shape_cast %convert_element_type3A_329 : vector<256xi32> to vector<1x256xi32>
    tpu.vector_store %arg3[%swap3A_330, %swap3A_331], %swap3A_334 {strides = array<i32>} : memref<2x2048xi32, #tpu.memory_space<vmem>>, vector<1x256xi32>,
    %slice3A_335 = vector.extract_strided_slice %reduce_sum3A_294 {offsets = [512], sizes = [256], strides = [1]} : vector<2048xf32> to vector<256xf32>
    %add3A_336 = arith.addf %slice3A_335, %reduce_sum3A_201 : vector<256xf32>
    %convert_element_type3A_337 = arith.fptosi %add3A_336 : vector<256xf32> to vector<256xi32>
    %swap3A_338 = arith.constant 1 : index
    %swap3A_339 = arith.constant 512 : index
    %swap3A_340 = vector.load %arg3[%swap3A_338, %swap3A_339] : memref<2x2048xi32, #tpu.memory_space<vmem>>, vector<1x256xi32>
    %swap3A_341 = vector.shape_cast %swap3A_340 : vector<1x256xi32> to vector<256xi32>
    %swap3A_342 = vector.shape_cast %convert_element_type3A_337 : vector<256xi32> to vector<1x256xi32>
    tpu.vector_store %arg3[%swap3A_338, %swap3A_339], %swap3A_342 {strides = array<i32>} : memref<2x2048xi32, #tpu.memory_space<vmem>>, vector<1x256xi32>,
    %slice3A_343 = vector.extract_strided_slice %reduce_sum3A_290 {offsets = [768], sizes = [256], strides = [1]} : vector<2048xf32> to vector<256xf32>
    %add3A_344 = arith.addf %slice3A_343, %reduce_sum3A_110 : vector<256xf32>
    %convert_element_type3A_345 = arith.fptosi %add3A_344 : vector<256xf32> to vector<256xi32>
    %swap3A_346 = arith.constant 0 : index
    %swap3A_347 = arith.constant 768 : index
    %swap3A_348 = vector.load %arg3[%swap3A_346, %swap3A_347] : memref<2x2048xi32, #tpu.memory_space<vmem>>, vector<1x256xi32>
    %swap3A_349 = vector.shape_cast %swap3A_348 : vector<1x256xi32> to vector<256xi32>
    %swap3A_350 = vector.shape_cast %convert_element_type3A_345 : vector<256xi32> to vector<1x256xi32>
    tpu.vector_store %arg3[%swap3A_346, %swap3A_347], %swap3A_350 {strides = array<i32>} : memref<2x2048xi32, #tpu.memory_space<vmem>>, vector<1x256xi32>,
    %slice3A_351 = vector.extract_strided_slice %reduce_sum3A_294 {offsets = [768], sizes = [256], strides = [1]} : vector<2048xf32> to vector<256xf32>
    %add3A_352 = arith.addf %slice3A_351, %reduce_sum3A_214 : vector<256xf32>
    %convert_element_type3A_353 = arith.fptosi %add3A_352 : vector<256xf32> to vector<256xi32>
    %swap3A_354 = arith.constant 1 : index
    %swap3A_355 = arith.constant 768 : index
    %swap3A_356 = vector.load %arg3[%swap3A_354, %swap3A_355] : memref<2x2048xi32, #tpu.memory_space<vmem>>, vector<1x256xi32>
    %swap3A_357 = vector.shape_cast %swap3A_356 : vector<1x256xi32> to vector<256xi32>
    %swap3A_358 = vector.shape_cast %convert_element_type3A_353 : vector<256xi32> to vector<1x256xi32>
    tpu.vector_store %arg3[%swap3A_354, %swap3A_355], %swap3A_358 {strides = array<i32>} : memref<2x2048xi32, #tpu.memory_space<vmem>>, vector<1x256xi32>,
    %slice3A_359 = vector.extract_strided_slice %reduce_sum3A_290 {offsets = [1024], sizes = [256], strides = [1]} : vector<2048xf32> to vector<256xf32>
    %add3A_360 = arith.addf %slice3A_359, %reduce_sum3A_123 : vector<256xf32>
    %convert_element_type3A_361 = arith.fptosi %add3A_360 : vector<256xf32> to vector<256xi32>
    %swap3A_362 = arith.constant 0 : index
    %swap3A_363 = arith.constant 1024 : index
    %swap3A_364 = vector.load %arg3[%swap3A_362, %swap3A_363] : memref<2x2048xi32, #tpu.memory_space<vmem>>, vector<1x256xi32>
    %swap3A_365 = vector.shape_cast %swap3A_364 : vector<1x256xi32> to vector<256xi32>
    %swap3A_366 = vector.shape_cast %convert_element_type3A_361 : vector<256xi32> to vector<1x256xi32>
    tpu.vector_store %arg3[%swap3A_362, %swap3A_363], %swap3A_366 {strides = array<i32>} : memref<2x2048xi32, #tpu.memory_space<vmem>>, vector<1x256xi32>,
    %slice3A_367 = vector.extract_strided_slice %reduce_sum3A_294 {offsets = [1024], sizes = [256], strides = [1]} : vector<2048xf32> to vector<256xf32>
    %add3A_368 = arith.addf %slice3A_367, %reduce_sum3A_227 : vector<256xf32>
    %convert_element_type3A_369 = arith.fptosi %add3A_368 : vector<256xf32> to vector<256xi32>
    %swap3A_370 = arith.constant 1 : index
    %swap3A_371 = arith.constant 1024 : index
    %swap3A_372 = vector.load %arg3[%swap3A_370, %swap3A_371] : memref<2x2048xi32, #tpu.memory_space<vmem>>, vector<1x256xi32>
    %swap3A_373 = vector.shape_cast %swap3A_372 : vector<1x256xi32> to vector<256xi32>
    %swap3A_374 = vector.shape_cast %convert_element_type3A_369 : vector<256xi32> to vector<1x256xi32>
    tpu.vector_store %arg3[%swap3A_370, %swap3A_371], %swap3A_374 {strides = array<i32>} : memref<2x2048xi32, #tpu.memory_space<vmem>>, vector<1x256xi32>,
    %slice3A_375 = vector.extract_strided_slice %reduce_sum3A_290 {offsets = [1280], sizes = [256], strides = [1]} : vector<2048xf32> to vector<256xf32>
    %add3A_376 = arith.addf %slice3A_375, %reduce_sum3A_136 : vector<256xf32>
    %convert_element_type3A_377 = arith.fptosi %add3A_376 : vector<256xf32> to vector<256xi32>
    %swap3A_378 = arith.constant 0 : index
    %swap3A_379 = arith.constant 1280 : index
    %swap3A_380 = vector.load %arg3[%swap3A_378, %swap3A_379] : memref<2x2048xi32, #tpu.memory_space<vmem>>, vector<1x256xi32>
    %swap3A_381 = vector.shape_cast %swap3A_380 : vector<1x256xi32> to vector<256xi32>
    %swap3A_382 = vector.shape_cast %convert_element_type3A_377 : vector<256xi32> to vector<1x256xi32>
    tpu.vector_store %arg3[%swap3A_378, %swap3A_379], %swap3A_382 {strides = array<i32>} : memref<2x2048xi32, #tpu.memory_space<vmem>>, vector<1x256xi32>,
    %slice3A_383 = vector.extract_strided_slice %reduce_sum3A_294 {offsets = [1280], sizes = [256], strides = [1]} : vector<2048xf32> to vector<256xf32>
    %add3A_384 = arith.addf %slice3A_383, %reduce_sum3A_240 : vector<256xf32>
    %convert_element_type3A_385 = arith.fptosi %add3A_384 : vector<256xf32> to vector<256xi32>
    %swap3A_386 = arith.constant 1 : index
    %swap3A_387 = arith.constant 1280 : index
    %swap3A_388 = vector.load %arg3[%swap3A_386, %swap3A_387] : memref<2x2048xi32, #tpu.memory_space<vmem>>, vector<1x256xi32>
    %swap3A_389 = vector.shape_cast %swap3A_388 : vector<1x256xi32> to vector<256xi32>
    %swap3A_390 = vector.shape_cast %convert_element_type3A_385 : vector<256xi32> to vector<1x256xi32>
    tpu.vector_store %arg3[%swap3A_386, %swap3A_387], %swap3A_390 {strides = array<i32>} : memref<2x2048xi32, #tpu.memory_space<vmem>>, vector<1x256xi32>,
    %slice3A_391 = vector.extract_strided_slice %reduce_sum3A_290 {offsets = [1536], sizes = [256], strides = [1]} : vector<2048xf32> to vector<256xf32>
    %add3A_392 = arith.addf %slice3A_391, %reduce_sum3A_149 : vector<256xf32>
    %convert_element_type3A_393 = arith.fptosi %add3A_392 : vector<256xf32> to vector<256xi32>
    %swap3A_394 = arith.constant 0 : index
    %swap3A_395 = arith.constant 1536 : index
    %swap3A_396 = vector.load %arg3[%swap3A_394, %swap3A_395] : memref<2x2048xi32, #tpu.memory_space<vmem>>, vector<1x256xi32>
    %swap3A_397 = vector.shape_cast %swap3A_396 : vector<1x256xi32> to vector<256xi32>
    %swap3A_398 = vector.shape_cast %convert_element_type3A_393 : vector<256xi32> to vector<1x256xi32>
    tpu.vector_store %arg3[%swap3A_394, %swap3A_395], %swap3A_398 {strides = array<i32>} : memref<2x2048xi32, #tpu.memory_space<vmem>>, vector<1x256xi32>,
    %slice3A_399 = vector.extract_strided_slice %reduce_sum3A_294 {offsets = [1536], sizes = [256], strides = [1]} : vector<2048xf32> to vector<256xf32>
    %add3A_400 = arith.addf %slice3A_399, %reduce_sum3A_253 : vector<256xf32>
    %convert_element_type3A_401 = arith.fptosi %add3A_400 : vector<256xf32> to vector<256xi32>
    %swap3A_402 = arith.constant 1 : index
    %swap3A_403 = arith.constant 1536 : index
    %swap3A_404 = vector.load %arg3[%swap3A_402, %swap3A_403] : memref<2x2048xi32, #tpu.memory_space<vmem>>, vector<1x256xi32>
    %swap3A_405 = vector.shape_cast %swap3A_404 : vector<1x256xi32> to vector<256xi32>
    %swap3A_406 = vector.shape_cast %convert_element_type3A_401 : vector<256xi32> to vector<1x256xi32>
    tpu.vector_store %arg3[%swap3A_402, %swap3A_403], %swap3A_406 {strides = array<i32>} : memref<2x2048xi32, #tpu.memory_space<vmem>>, vector<1x256xi32>,
    %slice3A_407 = vector.extract_strided_slice %reduce_sum3A_290 {offsets = [1792], sizes = [256], strides = [1]} : vector<2048xf32> to vector<256xf32>
    %add3A_408 = arith.addf %slice3A_407, %reduce_sum3A_162 : vector<256xf32>
    %convert_element_type3A_409 = arith.fptosi %add3A_408 : vector<256xf32> to vector<256xi32>
    %swap3A_410 = arith.constant 0 : index
    %swap3A_411 = arith.constant 1792 : index
    %swap3A_412 = vector.load %arg3[%swap3A_410, %swap3A_411] : memref<2x2048xi32, #tpu.memory_space<vmem>>, vector<1x256xi32>
    %swap3A_413 = vector.shape_cast %swap3A_412 : vector<1x256xi32> to vector<256xi32>
    %swap3A_414 = vector.shape_cast %convert_element_type3A_409 : vector<256xi32> to vector<1x256xi32>
    tpu.vector_store %arg3[%swap3A_410, %swap3A_411], %swap3A_414 {strides = array<i32>} : memref<2x2048xi32, #tpu.memory_space<vmem>>, vector<1x256xi32>,
    %slice3A_415 = vector.extract_strided_slice %reduce_sum3A_294 {offsets = [1792], sizes = [256], strides = [1]} : vector<2048xf32> to vector<256xf32>
    %add3A_416 = arith.addf %slice3A_415, %reduce_sum3A_266 : vector<256xf32>
    %convert_element_type3A_417 = arith.fptosi %add3A_416 : vector<256xf32> to vector<256xi32>
    %swap3A_418 = arith.constant 1 : index
    %swap3A_419 = arith.constant 1792 : index
    %swap3A_420 = vector.load %arg3[%swap3A_418, %swap3A_419] : memref<2x2048xi32, #tpu.memory_space<vmem>>, vector<1x256xi32>
    %swap3A_421 = vector.shape_cast %swap3A_420 : vector<1x256xi32> to vector<256xi32>
    %swap3A_422 = vector.shape_cast %convert_element_type3A_417 : vector<256xi32> to vector<1x256xi32>
    tpu.vector_store %arg3[%swap3A_418, %swap3A_419], %swap3A_422 {strides = array<i32>} : memref<2x2048xi32, #tpu.memory_space<vmem>>, vector<1x256xi32>,
    %iota3A_423 = tpu.iota {dimensions = array<i32: 0>} : vector<128x64xi32>
    %convert_element_type3A_424 = arith.sitofp %iota3A_423 : vector<128x64xi32> to vector<128x64xf32>
    %broadcast_in_dim3A_425 = vector.shape_cast %dot_general3A_282 : vector<1x64xf32> to vector<1x64xf32>
    %broadcast_in_dim3A_426 = vector.broadcast %broadcast_in_dim3A_425 : vector<1x64xf32> to vector<128x64xf32>
    %le3A_427 = arith.cmpf ole, %broadcast_in_dim3A_426, %convert_element_type3A_424 : vector<128x64xf32>
    %convert_element_type3A_428 = arith.extui %le3A_427 : vector<128x64xi1> to vector<128x64xi32>
    %reduce_sum3A_429 = arith.constant dense<0> : vector<128xi32>
    %reduce_sum3A_430 = vector.multi_reduction <add>, %convert_element_type3A_428, %reduce_sum3A_429 [1] : vector<128x64xi32> to vector<128xi32>
    %lt3A = arith.constant 64 : i32
    %lt3A_431 = vector.broadcast %lt3A : i32 to vector<128xi32>
    %lt3A_432 = arith.cmpi slt, %reduce_sum3A_430, %lt3A_431 : vector<128xi32>
    %convert_element_type3A_433 = arith.extui %lt3A_432 : vector<128xi1> to vector<128xi32>
    %iota3A_434 = tpu.iota {dimensions = array<i32: 1>} : vector<1x64xi32>
    %gt3A = arith.constant 0.000000e+00 : f32
    %gt3A_435 = vector.broadcast %gt3A : f32 to vector<1x64xf32>
    %gt3A_436 = arith.cmpf ogt, %add3A_270, %gt3A_435 : vector<1x64xf32>
    %jit3A_437 = arith.constant 0 : i32
    %broadcast_in_dim3A_438 = vector.broadcast %jit3A_437 : i32 to vector<1x64xi32>
    %select_n3A_439 = arith.select %gt3A_436, %iota3A_434, %broadcast_in_dim3A_438 : vector<1x64xi1>, vector<1x64xi32>
    %reduce_max3A_440 = vector.shape_cast %select_n3A_439 : vector<1x64xi32> to vector<1x1x64xi32>
    %reduce_max3A_441 = arith.constant dense<-2147483648> : vector<1xi32>
    %reduce_max3A_442 = vector.multi_reduction <maxsi>, %reduce_max3A_440, %reduce_max3A_441 [1, 2] : vector<1x1x64xi32> to vector<1xi32>
    %reduce_max3A_443 = vector.shape_cast %reduce_max3A_442 : vector<1xi32> to vector<1x1x1xi32>
    %reduce_max3A_444 = vector.extract %reduce_max3A_443[0, 0, 0] : i32 from vector<1x1x1xi32>
    %eq3A_445 = arith.constant 1 : i32
    %eq3A_446 = vector.broadcast %eq3A_445 : i32 to vector<128xi32>
    %eq3A_447 = arith.cmpi eq, %convert_element_type3A_433, %eq3A_446 : vector<128xi32>
    %broadcast_in_dim3A_448 = vector.broadcast %reduce_max3A_444 : i32 to vector<128xi32>
    %select_n3A_449 = arith.select %eq3A_447, %reduce_sum3A_430, %broadcast_in_dim3A_448 : vector<128xi1>, vector<128xi32>
    %swap3A_450 = arith.constant 0 : index
    %swap3A_451 = arith.constant 0 : index
    %swap3A_452 = vector.load %arg4[%swap3A_450, %swap3A_451] : memref<2x128xi32, #tpu.memory_space<vmem>>, vector<1x128xi32>
    %swap3A_453 = vector.shape_cast %swap3A_452 : vector<1x128xi32> to vector<128xi32>
    %swap3A_454 = vector.shape_cast %select_n3A_449 : vector<128xi32> to vector<1x128xi32>
    tpu.vector_store %arg4[%swap3A_450, %swap3A_451], %swap3A_454 {strides = array<i32>} : memref<2x128xi32, #tpu.memory_space<vmem>>, vector<1x128xi32>,
    %swap3A_455 = arith.constant 1 : index
    %swap3A_456 = arith.constant 0 : index
    %swap3A_457 = vector.load %arg4[%swap3A_455, %swap3A_456] : memref<2x128xi32, #tpu.memory_space<vmem>>, vector<1x128xi32>
    %swap3A_458 = vector.shape_cast %swap3A_457 : vector<1x128xi32> to vector<128xi32>
    %swap3A_459 = vector.shape_cast %convert_element_type3A_433 : vector<128xi32> to vector<1x128xi32>
    tpu.vector_store %arg4[%swap3A_455, %swap3A_456], %swap3A_459 {strides = array<i32>} : memref<2x128xi32, #tpu.memory_space<vmem>>, vector<1x128xi32>,
    return
  }
}

module attributes {stable_mosaic.version = 14 : i64} {
  func.func @_grouped_body(%arg0: i32, %arg1: memref<2x128xi32, #tpu.memory_space<smem>>, %arg2: memref<64x768xf32, #tpu.memory_space<vmem>>, %arg3: memref<64x128xf32, #tpu.memory_space<vmem>>, %arg4: memref<1x768x2048xf32, #tpu.memory_space<vmem>>, %arg5: memref<1x1024x768xf32, #tpu.memory_space<vmem>>, %arg6: memref<64x768xf32, #tpu.memory_space<vmem>>) attributes {dimension_semantics = [#tpu.dimension_semantics<arbitrary>], iteration_bounds = array<i64: 128>, scalar_prefetch = 1 : i64, scratch_operands = 0 : i64, tpu.core_type = #tpu.core_type<tc>, window_params = [{transform_indices = @transform_0, window_bounds = array<i64: 64, 768>}, {transform_indices = @transform_1, window_bounds = array<i64: 64, 128>}, {transform_indices = @transform_2, window_bounds = array<i64: 1, 768, 2048>}, {transform_indices = @transform_3, window_bounds = array<i64: 1, 1024, 768>}, {transform_indices = @transform_4, window_bounds = array<i64: 64, 768>}]} {
    %get3A = arith.constant 1 : index
    %get3A_0 = arith.index_cast %arg0 : i32 to index
    %get3A_1 = memref.load %arg1[%get3A, %get3A_0] : memref<2x128xi32, #tpu.memory_space<smem>>
    %eq3A = arith.constant 1 : i32
    %eq3A_2 = arith.cmpi eq, %get3A_1, %eq3A : i32
    %convert_element_type3A = arith.extui %eq3A_2 : i1 to i32
    %cond3A = arith.constant 0 : i32
    %cond3A_3 = arith.cmpi ne, %convert_element_type3A, %cond3A : i32
    scf.if %cond3A_3 {
      %get3A_4 = arith.constant 0 : index
      %get3A_5 = arith.constant 0 : index
      %get3A_6 = vector.load %arg2[%get3A_4, %get3A_5] : memref<64x768xf32, #tpu.memory_space<vmem>>, vector<64x768xf32>
      %get3A_7 = arith.constant 0 : index
      %get3A_8 = arith.constant 0 : index
      %get3A_9 = arith.constant 0 : index
      %get3A_10 = vector.load %arg4[%get3A_7, %get3A_8, %get3A_9] : memref<1x768x2048xf32, #tpu.memory_space<vmem>>, vector<1x768x2048xf32>
      %get3A_11 = vector.shape_cast %get3A_10 : vector<1x768x2048xf32> to vector<768x2048xf32>
      %dot_general3A = arith.constant dense<0.000000e+00> : vector<64x2048xf32>
      %dot_general3A_12 = tpu.matmul %get3A_6, %get3A_11, %dot_general3A {dimension_numbers = #tpu.dot_dimension_numbers<[1], [0], [0], [1], [0, 0, 1, 1], [], []>, transpose_lhs_hint = false} : vector<64x768xf32>, vector<768x2048xf32>, vector<64x2048xf32> -> vector<64x2048xf32>
      %slice3A = vector.extract_strided_slice %dot_general3A_12 {offsets = [0, 0], sizes = [64, 1024], strides = [1, 1]} : vector<64x2048xf32> to vector<64x1024xf32>
      %slice3A_13 = vector.extract_strided_slice %dot_general3A_12 {offsets = [0, 1024], sizes = [64, 1024], strides = [1, 1]} : vector<64x2048xf32> to vector<64x1024xf32>
      %neg3A = arith.constant 0.000000e+00 : f32
      %neg3A_14 = vector.broadcast %neg3A : f32 to vector<64x1024xf32>
      %neg3A_15 = arith.subf %neg3A_14, %slice3A : vector<64x1024xf32>
      %exp3A = math.exp %neg3A_15 : vector<64x1024xf32>
      %add3A = arith.constant 1.000000e+00 : f32
      %add3A_16 = vector.broadcast %add3A : f32 to vector<64x1024xf32>
      %add3A_17 = arith.addf %add3A_16, %exp3A : vector<64x1024xf32>
      %div3A = arith.constant 1.000000e+00 : f32
      %div3A_18 = vector.broadcast %div3A : f32 to vector<64x1024xf32>
      %div3A_19 = arith.divf %div3A_18, %add3A_17 : vector<64x1024xf32>
      %mul3A = arith.mulf %slice3A, %div3A_19 : vector<64x1024xf32>
      %mul3A_20 = arith.mulf %mul3A, %slice3A_13 : vector<64x1024xf32>
      %get3A_21 = arith.constant 0 : index
      %get3A_22 = arith.constant 0 : index
      %get3A_23 = arith.constant 0 : index
      %get3A_24 = vector.load %arg5[%get3A_21, %get3A_22, %get3A_23] : memref<1x1024x768xf32, #tpu.memory_space<vmem>>, vector<1x1024x768xf32>
      %get3A_25 = vector.shape_cast %get3A_24 : vector<1x1024x768xf32> to vector<1024x768xf32>
      %dot_general3A_26 = arith.constant dense<0.000000e+00> : vector<64x768xf32>
      %dot_general3A_27 = tpu.matmul %mul3A_20, %get3A_25, %dot_general3A_26 {dimension_numbers = #tpu.dot_dimension_numbers<[1], [0], [0], [1], [0, 0, 1, 1], [], []>, transpose_lhs_hint = false} : vector<64x1024xf32>, vector<1024x768xf32>, vector<64x768xf32> -> vector<64x768xf32>
      %get3A_28 = arith.constant 0 : index
      %get3A_29 = arith.constant 0 : index
      %get3A_30 = vector.load %arg3[%get3A_28, %get3A_29] : memref<64x128xf32, #tpu.memory_space<vmem>>, vector<64x128xf32>
      %slice3A_31 = vector.extract_strided_slice %get3A_30 {offsets = [0, 0], sizes = [64, 1], strides = [1, 1]} : vector<64x128xf32> to vector<64x1xf32>
      %mul3A_32 = vector.broadcast %slice3A_31 : vector<64x1xf32> to vector<64x768xf32>
      %mul3A_33 = arith.mulf %dot_general3A_27, %mul3A_32 : vector<64x768xf32>
      %swap3A = arith.constant 0 : index
      %swap3A_34 = arith.constant 0 : index
      %swap3A_35 = vector.load %arg6[%swap3A, %swap3A_34] : memref<64x768xf32, #tpu.memory_space<vmem>>, vector<64x768xf32>
      tpu.vector_store %arg6[%swap3A, %swap3A_34], %mul3A_33 {strides = array<i32>} : memref<64x768xf32, #tpu.memory_space<vmem>>, vector<64x768xf32>,
    } else {
    }
    return
  }
  func.func @transform_0(%arg0: i32, %arg1: memref<2x128xi32, #tpu.memory_space<smem>>) -> (i32, i32) {
    %get3A = arith.constant 1 : index
    %get3A_0 = arith.index_cast %arg0 : i32 to index
    %get3A_1 = memref.load %arg1[%get3A, %get3A_0] : memref<2x128xi32, #tpu.memory_space<smem>>
    %mul3A = arith.muli %get3A_1, %arg0 : i32
    %c0_i32 = arith.constant 0 : i32
    %c0_i32_2 = arith.constant 0 : i32
    return %mul3A, %c0_i32 : i32, i32
  }
  func.func @transform_1(%arg0: i32, %arg1: memref<2x128xi32, #tpu.memory_space<smem>>) -> (i32, i32) {
    %get3A = arith.constant 1 : index
    %get3A_0 = arith.index_cast %arg0 : i32 to index
    %get3A_1 = memref.load %arg1[%get3A, %get3A_0] : memref<2x128xi32, #tpu.memory_space<smem>>
    %mul3A = arith.muli %get3A_1, %arg0 : i32
    %c0_i32 = arith.constant 0 : i32
    %c0_i32_2 = arith.constant 0 : i32
    return %mul3A, %c0_i32 : i32, i32
  }
  func.func @transform_2(%arg0: i32, %arg1: memref<2x128xi32, #tpu.memory_space<smem>>) -> (i32, i32, i32) {
    %get3A = arith.constant 0 : index
    %get3A_0 = arith.index_cast %arg0 : i32 to index
    %get3A_1 = memref.load %arg1[%get3A, %get3A_0] : memref<2x128xi32, #tpu.memory_space<smem>>
    %c0_i32 = arith.constant 0 : i32
    %c0_i32_2 = arith.constant 0 : i32
    %c0_i32_3 = arith.constant 0 : i32
    return %get3A_1, %c0_i32, %c0_i32_2 : i32, i32, i32
  }
  func.func @transform_3(%arg0: i32, %arg1: memref<2x128xi32, #tpu.memory_space<smem>>) -> (i32, i32, i32) {
    %get3A = arith.constant 0 : index
    %get3A_0 = arith.index_cast %arg0 : i32 to index
    %get3A_1 = memref.load %arg1[%get3A, %get3A_0] : memref<2x128xi32, #tpu.memory_space<smem>>
    %c0_i32 = arith.constant 0 : i32
    %c0_i32_2 = arith.constant 0 : i32
    %c0_i32_3 = arith.constant 0 : i32
    return %get3A_1, %c0_i32, %c0_i32_2 : i32, i32, i32
  }
  func.func @transform_4(%arg0: i32, %arg1: memref<2x128xi32, #tpu.memory_space<smem>>) -> (i32, i32) {
    %c0_i32 = arith.constant 0 : i32
    %c0_i32_0 = arith.constant 0 : i32
    return %arg0, %c0_i32 : i32, i32
  }
}

module attributes {stable_mosaic.version = 14 : i64} {
  func.func @_shared_body(%arg0: i32, %arg1: memref<256x768xf32, #tpu.memory_space<vmem>>, %arg2: memref<2048x768xf32, #tpu.memory_space<vmem>>, %arg3: memref<2048x768xf32, #tpu.memory_space<vmem>>, %arg4: memref<768x2048xf32, #tpu.memory_space<vmem>>, %arg5: memref<256x768xf32, #tpu.memory_space<vmem>>) attributes {dimension_semantics = [#tpu.dimension_semantics<arbitrary>], iteration_bounds = array<i64: 8>, scalar_prefetch = 0 : i64, scratch_operands = 0 : i64, tpu.core_type = #tpu.core_type<tc>, window_params = [{transform_indices = @transform_0, window_bounds = array<i64: 256, 768>}, {pipeline_mode = #tpu.pipeline_mode<synchronous>, transform_indices = @transform_1, window_bounds = array<i64: 2048, 768>}, {pipeline_mode = #tpu.pipeline_mode<synchronous>, transform_indices = @transform_2, window_bounds = array<i64: 2048, 768>}, {pipeline_mode = #tpu.pipeline_mode<synchronous>, transform_indices = @transform_3, window_bounds = array<i64: 768, 2048>}, {transform_indices = @transform_4, window_bounds = array<i64: 256, 768>}]} {
    %get3A = arith.constant 0 : index
    %get3A_0 = arith.constant 0 : index
    %get3A_1 = vector.load %arg1[%get3A, %get3A_0] : memref<256x768xf32, #tpu.memory_space<vmem>>, vector<256x768xf32>
    %get3A_2 = arith.constant 0 : index
    %get3A_3 = arith.constant 0 : index
    %get3A_4 = vector.load %arg2[%get3A_2, %get3A_3] : memref<2048x768xf32, #tpu.memory_space<vmem>>, vector<2048x768xf32>
    %dot_general3A = arith.constant dense<0.000000e+00> : vector<256x2048xf32>
    %dot_general3A_5 = tpu.matmul %get3A_1, %get3A_4, %dot_general3A {dimension_numbers = #tpu.dot_dimension_numbers<[1], [1], [0], [0], [0, 0, 1, 0], [], []>, transpose_lhs_hint = false} : vector<256x768xf32>, vector<2048x768xf32>, vector<256x2048xf32> -> vector<256x2048xf32>
    %get3A_6 = arith.constant 0 : index
    %get3A_7 = arith.constant 0 : index
    %get3A_8 = vector.load %arg3[%get3A_6, %get3A_7] : memref<2048x768xf32, #tpu.memory_space<vmem>>, vector<2048x768xf32>
    %dot_general3A_9 = arith.constant dense<0.000000e+00> : vector<256x2048xf32>
    %dot_general3A_10 = tpu.matmul %get3A_1, %get3A_8, %dot_general3A_9 {dimension_numbers = #tpu.dot_dimension_numbers<[1], [1], [0], [0], [0, 0, 1, 0], [], []>, transpose_lhs_hint = false} : vector<256x768xf32>, vector<2048x768xf32>, vector<256x2048xf32> -> vector<256x2048xf32>
    %neg3A = arith.constant 0.000000e+00 : f32
    %neg3A_11 = vector.broadcast %neg3A : f32 to vector<256x2048xf32>
    %neg3A_12 = arith.subf %neg3A_11, %dot_general3A_5 : vector<256x2048xf32>
    %exp3A = math.exp %neg3A_12 : vector<256x2048xf32>
    %add3A = arith.constant 1.000000e+00 : f32
    %add3A_13 = vector.broadcast %add3A : f32 to vector<256x2048xf32>
    %add3A_14 = arith.addf %add3A_13, %exp3A : vector<256x2048xf32>
    %div3A = arith.constant 1.000000e+00 : f32
    %div3A_15 = vector.broadcast %div3A : f32 to vector<256x2048xf32>
    %div3A_16 = arith.divf %div3A_15, %add3A_14 : vector<256x2048xf32>
    %mul3A = arith.mulf %dot_general3A_5, %div3A_16 : vector<256x2048xf32>
    %mul3A_17 = arith.mulf %mul3A, %dot_general3A_10 : vector<256x2048xf32>
    %get3A_18 = arith.constant 0 : index
    %get3A_19 = arith.constant 0 : index
    %get3A_20 = vector.load %arg4[%get3A_18, %get3A_19] : memref<768x2048xf32, #tpu.memory_space<vmem>>, vector<768x2048xf32>
    %dot_general3A_21 = arith.constant dense<0.000000e+00> : vector<256x768xf32>
    %dot_general3A_22 = tpu.matmul %mul3A_17, %get3A_20, %dot_general3A_21 {dimension_numbers = #tpu.dot_dimension_numbers<[1], [1], [0], [0], [0, 0, 1, 0], [], []>, transpose_lhs_hint = false} : vector<256x2048xf32>, vector<768x2048xf32>, vector<256x768xf32> -> vector<256x768xf32>
    %swap3A = arith.constant 0 : index
    %swap3A_23 = arith.constant 0 : index
    %swap3A_24 = vector.load %arg5[%swap3A, %swap3A_23] : memref<256x768xf32, #tpu.memory_space<vmem>>, vector<256x768xf32>
    tpu.vector_store %arg5[%swap3A, %swap3A_23], %dot_general3A_22 {strides = array<i32>} : memref<256x768xf32, #tpu.memory_space<vmem>>, vector<256x768xf32>,
    return
  }
  func.func @transform_0(%arg0: i32) -> (i32, i32) {
    %c0_i32 = arith.constant 0 : i32
    %c0_i32_0 = arith.constant 0 : i32
    return %arg0, %c0_i32 : i32, i32
  }
  func.func @transform_1(%arg0: i32) -> (i32, i32) {
    %c0_i32 = arith.constant 0 : i32
    %c0_i32_0 = arith.constant 0 : i32
    %c0_i32_1 = arith.constant 0 : i32
    return %c0_i32, %c0_i32_0 : i32, i32
  }
  func.func @transform_2(%arg0: i32) -> (i32, i32) {
    %c0_i32 = arith.constant 0 : i32
    %c0_i32_0 = arith.constant 0 : i32
    %c0_i32_1 = arith.constant 0 : i32
    return %c0_i32, %c0_i32_0 : i32, i32
  }
  func.func @transform_3(%arg0: i32) -> (i32, i32) {
    %c0_i32 = arith.constant 0 : i32
    %c0_i32_0 = arith.constant 0 : i32
    %c0_i32_1 = arith.constant 0 : i32
    return %c0_i32, %c0_i32_0 : i32, i32
  }
  func.func @transform_4(%arg0: i32) -> (i32, i32) {
    %c0_i32 = arith.constant 0 : i32
    %c0_i32_0 = arith.constant 0 : i32
    return %arg0, %c0_i32 : i32, i32
  }
}

</mosaic_0001>

<sc_bundles>
// kernel: kernel.10.cloned.1.call-start
scs
__scs_entry_jumppad:
0x0: {  	(pc) =	sbr.rel $0x88, $3  }
0x1: {  	(tag) =	ssettag $0x0;
	lr =	simm.s32 $0x1  }
0x2: {  	[smem:$0x3F9A] =	sst lr;
	_ =	strace $0xD0000000  }
0x3: {  	_ = 	snop  }
0x4: {  	_ = 	snop  }
0x5: {  	_ = 	snop  }
0x6: {  	_ = 	snop  }
0x7: {  	_ = 	snop  }
__scs_overlays_trampoline_lowered:
0x8: {  	[smem:$0x3FA9] =	sst s0  }
0x9: {  	[smem:$0x3FAA] =	sst s1  }
0xa: {  	[smem:$0x3FAB] =	sst s2  }
0xb: {  	[smem:$0x3FAC] =	sst s3  }
0xc: {  	[smem:$0x3FAD] =	sst s4  }
0xd: {  	[smem:$0x3FAE] =	sst s5  }
0xe: {  	[smem:$0x3FAF] =	sst s6  }
0xf: {  	[smem:$0x3FB0] =	sst s7  }
0x10: {  	[smem:$0x3FB1] =	sst s8  }
0x11: {  	[smem:$0x3FB2] =	sst s9;
	s0 =	simm.s32 @!p0 $0x0  }
0x12: {  	s1 =	sld [smem:$0x3F98];
	s0 =	simm.s32 @p0 $0x1  }
0x13: {  	[smem:$0x3FB3] =	sst s0;
	s0 =	simm.s32 @!p1 $0x0  }
0x14: {  	s2 =	sld [smem:$0x3F97];
	s0 =	simm.s32 @p1 $0x1  }
0x15: {  	[smem:$0x3FB4] =	sst s0;
	s0 =	simm.s32 @!p2 $0x0  }
0x16: {  	s3 =	sld [smem:$0x3FDB];
	s0 =	simm.s32 @p2 $0x1  }
0x17: {  	s4 =	simm.s32 $0x1BF5;
	[smem:$0x3FB6] =	sst s0  }
0x18: {  	s0 =	sld [smem:$0x3F99];
	_ =	swait.ge [sflag:s4], $0x0  }
0x19: {  	s7 =	sld [smem:$0x3F9A]  }
0x1a: {  	s8 =	sadd.s32 $0xFFFFE003, lr  }
0x1b: {  	s9 =	sadd.s32 $0xFFFFFEF7, lr;
	s5 =	simm.s32 $0xFFFFFFFF;
	p2 =	slt.u32 s8, $0xFFFFF086  }
0x1c: {  	p1 =	slt.u32 s9, $0xF7A;
	s5 =	simm.s32 @!p2 $0x0  }
0x1d: {  	s5 =	simm.s32 @p1 $0x1;
	p0 =	seq.s32 s7, s2  }
0x1e: {  	s7 =	smul.u32 @!p0 $0xF7A, s2;
	p2 =	seq.s32 @!p0 s5, $0x0  }
0x1f: {  	s9 =	smul.u32 $0xF7A, s1;
	s8 =	simm.s32 @!p0 $0x1BF5;
	p2 =	por !p2, p0  }
0x20: {  	[sflag:s8] =	ssyncset.s32 @!p0 $0xFFFFF086;
	s6 =	sadd.s32 @!p0 s3, s7;
	s7 =	simm.s32 @!p0 $0x108  }
0x21: {  	s3 =	sadd.s32 s3, s9;
	s6 =	sadd.s32 @!p0 $0x88, s6;
	s7 =	simm.s32 @p2 $0x1082  }
0x22: {  	[simem:s7], [sflag:s8] =	dma.local @!p0 [hbm:s6], $0xF7A  }
0x23: {  	s9 =	sor.u32 $0xD0000000, s2;
	s6 =	simm.s32 $0x108;
	_ =	swait.ge @!p0 [sflag:s8], $0x0  }
0x24: {  	s3 =	sadd.s32 $0x88, s3;
	s6 =	simm.s32 @!p1 $0x1082;
	[sflag:s4] =	ssyncset.s32 $0xFFFFF086  }
0x25: {  	[simem:s6], [sflag:s4] =	dma.local [hbm:s3], $0xF7A  }
0x26: {  	[smem:$0x3F9A] =	sst s1;
	(tag) =	ssettag s2;
	_ =	strace s9  }
0x27: {  	s1 =	sld [smem:$0x3FAA]  }
0x28: {  	s2 =	sld [smem:$0x3FAB]  }
0x29: {  	s4 =	sld [smem:$0x3FAD]  }
0x2a: {  	p0 =	seq.s32 s5, $0x0;
	s5 =	sld [smem:$0x3FAE]  }
0x2b: {  	s6 =	sld [smem:$0x3FAF]  }
0x2c: {  	s7 =	sld [smem:$0x3FB0]  }
0x2d: {  	s3 =	simm.s32 $0x108;
	s8 =	sld [smem:$0x3FB1]  }
0x2e: {  	s3 =	simm.s32 @!p0 $0x1082;
	s9 =	sld [smem:$0x3FB2]  }
0x2f: {  	lr =	sadd.s32 s0, s3;
	s0 =	sld [smem:$0x3FA9]  }
0x30: {  	s3 =	sld [smem:$0x3FAC]  }
0x31: {  	[smem:$0x3FB5] =	sst s10  }
0x32: {  	s10 =	sld [smem:$0x3FB3];
	_ =	sdelay $0x3  }
0x33: {  	p0 =	seq.s32 s10, $0x1;
	s10 =	sld [smem:$0x3FB5];
	_ =	sdelay $0x3  }
0x34: {  	[smem:$0x3FB5] =	sst s10  }
0x35: {  	s10 =	sld [smem:$0x3FB4];
	_ =	sdelay $0x3  }
0x36: {  	p1 =	seq.s32 s10, $0x1;
	s10 =	sld [smem:$0x3FB5];
	_ =	sdelay $0x3  }
0x37: {  	[smem:$0x3FB5] =	sst s10  }
0x38: {  	s10 =	sld [smem:$0x3FB6]  }
0x39: {  	_ = 	snop;
	(pc) =	sbr.ind lr, $3  }
0x3a: {  	_ = 	snop  }
0x3b: {  	_ = 	snop  }
0x3c: {  	p2 =	seq.s32 s10, $0x1;
	s10 =	sld [smem:$0x3FB5]  }
0x3d: {  	_ =	shalt  }
0x3e: {  	_ =	shalt  }
0x3f: {  	_ =	shalt  }
0x40: {  	_ =	shalt  }
0x41: {  	_ =	shalt  }
0x42: {  	_ =	shalt  }
0x43: {  	_ =	shalt  }
0x44: {  	_ =	shalt  }
0x45: {  	_ =	shalt  }
0x46: {  	_ =	shalt  }
0x47: {  	_ =	shalt  }
0x48: {  	_ =	shalt  }
0x49: {  	_ =	shalt  }
0x4a: {  	_ =	shalt  }
0x4b: {  	_ =	shalt  }
0x4c: {  	_ =	shalt  }
0x4d: {  	_ =	shalt  }
0x4e: {  	_ =	shalt  }
0x4f: {  	_ =	shalt  }
0x50: {  	_ =	shalt  }
0x51: {  	_ =	shalt  }
0x52: {  	_ =	shalt  }
0x53: {  	_ =	shalt  }
0x54: {  	_ =	shalt  }
0x55: {  	_ =	shalt  }
0x56: {  	_ =	shalt  }
0x57: {  	_ =	shalt  }
0x58: {  	_ =	shalt  }
0x59: {  	_ =	shalt  }
0x5a: {  	_ =	shalt  }
0x5b: {  	_ =	shalt  }
0x5c: {  	_ =	shalt  }
0x5d: {  	_ =	shalt  }
0x5e: {  	_ =	shalt  }
0x5f: {  	_ =	shalt  }
0x60: {  	_ =	shalt  }
0x61: {  	_ =	shalt  }
0x62: {  	_ =	shalt  }
0x63: {  	_ =	shalt  }
0x64: {  	_ =	shalt  }
0x65: {  	_ =	shalt  }
0x66: {  	_ =	shalt  }
0x67: {  	_ =	shalt  }
0x68: {  	_ =	shalt  }
0x69: {  	_ =	shalt  }
0x6a: {  	_ =	shalt  }
0x6b: {  	_ =	shalt  }
0x6c: {  	_ =	shalt  }
0x6d: {  	_ =	shalt  }
0x6e: {  	_ =	shalt  }
0x6f: {  	_ =	shalt  }
0x70: {  	_ =	shalt  }
0x71: {  	_ =	shalt  }
0x72: {  	_ =	shalt  }
0x73: {  	_ =	shalt  }
0x74: {  	_ =	shalt  }
0x75: {  	_ =	shalt  }
0x76: {  	_ =	shalt  }
0x77: {  	_ =	shalt  }
0x78: {  	_ =	shalt  }
0x79: {  	_ =	shalt  }
0x7a: {  	_ =	shalt  }
0x7b: {  	_ =	shalt  }
0x7c: {  	_ =	shalt  }
0x7d: {  	_ =	shalt  }
0x7e: {  	_ =	shalt  }
0x7f: {  	_ =	shalt  }
0x80: {  	_ =	shalt  }
0x81: {  	_ =	shalt  }
0x82: {  	_ =	shalt  }
0x83: {  	_ =	shalt  }
0x84: {  	_ =	shalt  }
0x85: {  	_ =	shalt  }
0x86: {  	_ =	shalt  }
0x87: {  	_ =	shalt  }
.Lfunc_end0:
.L_simem_size_0:
called_computation.1_lowered:
.L_overlay_start_0:
0x88: {  	s2 =	sld [smem:$0x3FD9]  }
0x89: {  	s3 =	sld [smem:$0x3FFE];
	_ =	sdelay $0x1  }
0x8a: {  	s1 =	srdreg.scid  }
0x8b: {  	s0 =	sand.u32 $0x1, s1  }
0x8c: {  	s17 =	sshll.u32 s0, $0xA;
	s2 =	sadd.s32 s3, s2  }
0x8d: {  	s2 =	sadd.s32 s2, s17  }
0x8e: {  	[smem:$0x3FC1] =	sst s2  }
0x8f: {  	_ = 	snop  }
0x90: {  	s2 =	sld [smem:$0x3FD0];
	(tm) =	ssettm $0x1  }
0x91: {  	s18 =	sld [smem:$0x3FFB];
	_ =	sdelay $0x3  }
0x92: {  	_ =	strace s18  }
0x93: {  	s3 =	sld [smem:$0x3FFC];
	_ =	sdelay $0x3  }
0x94: {  	_ =	strace s3  }
0x95: {  	s3 =	sld [smem:$0x3FFD];
	_ =	sdelay $0x3  }
0x96: {  	_ =	strace s3  }
0x97: {  	_ =	strace $0x8FFFFFFF  }
0x98: {  	s19 =	sld [smem:$0x3FDB];
	_ =	sdelay $0x1  }
0x99: {  	s4 =	simm.s32 $_scs_section_size  }
0x9a: {  	s5 =	simm.s32 $_size__tile_overlayer_lowered;
	s6 =	simm.s32 $_tile_overlayer_lowered  }
0x9b: {  	s22 =	simm.s32 $0x1BFF;
	s21 =	sshll.u32 s6, $0x1;
	s3 =	sadd.s32 s4, s19  }
0x9c: {  	s7 =	simm.s32 $0x0;
	s20 =	sshll.u32 s5, $0x1;
	s5 =	sadd.s32 s21, s3  }
0x9d: {  	[timem:s7], [sflag:s22] =	dma.local [hbm:s5], s20  }
0x9e: {  	_ =	swait.ge [sflag:s22], s20  }
0x9f: {  	s4 =	ssub.s32 $0x0, s20;
	[sflag:s22] =	ssyncset.done $0x0  }
0xa0: {  	[sflag:s22] =	ssyncadd.s32 s4;
	_ =	sdelay $0x1  }
0xa1: {  	s23 =	simm.s32 $0x1B8B  }
0xa2: {  	_ =	swait.ge [sflag:s23], $0x1  }
0xa3: {  	[sflag:s23] =	ssyncset.done $0x0  }
0xa4: {  	s25 =	simm.s32 $0x1B8E;
	s24 =	sld [smem:$0x3FFE];
	[sflag:s23] =	ssyncadd.s32 $0xFFFFFFFF  }
0xa5: {  	s26 =	simm.s32 $execute0_lowered;
	[smem:$0x3FD2] =	sst s25  }
0xa6: {  	s5 =	sshll.u32 s26, $0x1;
	_ =	strace $0x80000049;
	[dreg:$0x1] =	wrdreg $0xFFFFFFFF  }
0xa7: {  	s28 =	simm.s32 $_size_execute0_lowered;
	s3 =	sadd.s32 s3, s5;
	[dreg:$0x0] =	wrdreg $0x0  }
0xa8: {  	s5 =	sshll.u32 s28, $0x1;
	[dreg:$0x2] =	wrdreg s3  }
0xa9: {  	[dreg:$0x3] =	wrdreg s5  }
0xaa: {  	[dreg:$0x4] =	wrdreg $0xC0  }
0xab: {  	_ =	task [dreg:s7], $0x5FFFF  }
0xac: {  	[dreg:$0x1] =	wrdreg $0xFFFFFFFF  }
0xad: {  	[dreg:$0x0] =	wrdreg $0x60  }
0xae: {  	[dreg:$0x2] =	wrdreg s24  }
0xaf: {  	[dreg:$0x3] =	wrdreg s2  }
0xb0: {  	[dreg:$0x4] =	wrdreg $0x9  }
0xb1: {  	_ =	task.clear_ibuf [dreg:s7], $0x5FFFF;
	_ =	strace $0x90000049  }
0xb2: {  	s29 =	simm.s32 $0x9;
	_ =	strace $0x8000004B  }
0xb3: {  	_ =	swait.ge [sflag:s29], $0x1  }
0xb4: {  	[sflag:s29] =	ssyncadd.s32 $0xFFFFFFFF  }
0xb5: {  	_ =	strace $0x9000004B  }
0xb6: {  	_ =	sfence  }
0xb7: {  	s30 =	sld [smem:$0x0];
	_ =	sdelay $0x2  }
0xb8: {  	s31 =	sshll.u32 s1, $0xD;
	s1 =	sshrl.u32 s1, $0x2  }
0xb9: {  	s3 =	sand.u32 $0x4000, s31;
	s1 =	sadd.s32 s1, s30  }
0xba: {  	s0 =	sor.u32 s3, s0;
	s1 =	sshll.u32 s1, $0x11  }
0xbb: {  	s0 =	sor.u32 s1, s0  }
0xbc: {  	s0 =	sadd.s32 $0x8F2B, s0  }
0xbd: {  	[sflag:s0] =	ssyncadd.remote.s32 $0x1  }
0xbe: {  	_ =	sfence.sel $0xFFFF  }
0xbf: {  	[dreg:$0x0] =	wrdreg $0xFFFFFFFF;
	(pc) =	sbr.abs _section_cstart, $3  }
0xc0: {  	[dreg:$0x1] =	wrdreg $0xFFFFFFFF  }
0xc1: {  	_ =	task.clear_ibuf [dreg:s7], $0x2FFFF;
	_ =	strace $0x9FFFFFFF  }
0xc2: {  	(tm) =	ssettm $0x7FFFFFFF  }
0xc3: {  	_ =	shalt  }
tec
execute0_lowered:
.L_overlay_start_1:
0x0: {  	(tag) =	ssettag $0x1  }
0x1: {  	s0 =	srdreg.scid;
	s1 =	rddreg [dreg:$0x0]  }
0x2: {  	s2 =	stileid.u32;
	s9 =	rddreg [dreg:$0x1]  }
0x3: {  	s18 =	simm.s32 $0xC080;
	s12 =	simm.s32 $0x2;
	s23 =	simm.s32 $0x5080  }
0x4: {  	s24 =	simm.s32 $0x5880;
	s25 =	simm.s32 $0x6080;
	s28 =	simm.s32 $0x7080  }
0x5: {  	s29 =	simm.s32 $0x7880;
	s30 =	simm.s32 $0x8080;
	s31 =	simm.s32 $0x8880  }
0x6: {  	s11 =	simm.s32 $0xA080;
	s13 =	simm.s32 $0xA880;
	s14 =	simm.s32 $0xB080  }
0x7: {  	s15 =	simm.s32 $0xB880;
	s16 =	simm.s32 $0x1;
	s17 =	simm.s32 $0x0  }
0x8: {  	s0 =	sand.u32 $0x1, s0;
	s4 =	sshll.u32 s2, $0x3;
	s2 =	simm.s32 $0x0  }
0x9: {  	s6 =	sadd.s32 $0x102F00, s1;
	s7 =	sadd.s32 $0x103000, s1;
	s3 =	sshll.u32 s0, $0x7  }
0xa: {  	[smem:$0x7FF] =	sst s2;
	s0 =	ssub.s32 $0x2, s0;
	s4 =	sor.u32 s4, s3  }
0xb: {  	_ =	strace $0x8000004A;
	s5 =	sshrl.u32 s0, $0x1;
	s10 =	smul.u32 $0x300, s4  }
0xc: {  	s3 =	sadd.s32 $0x102E00, s1;
	s8 =	sadd.s32 s4, s1;
	s0 =	ssub.s32 s0, s5  }
0xd: {  	v2 =	vlaneseq.u32;
	s5 =	sadd.s32 $0x12C00, s8;
	s8 =	sadd.s32 $0x12A00, s8;
	s26 =	sadd.s32 s10, s1  }
0xe: {  	vm0 =	vmmov $0xffff;
	v1 =	vshrl.u32 v2, $0x3;
	s9 =	sadd.s32 s9, s10;
	s10 =	smax.u32 s0, $0x1;
	s1 =	simm.s32 $0x9080  }
0xf: {  	v0 =	vand.u32 $0x7, v2;
	v2 =	vor.u32 $0x8, v2;
	v1 =	vmul.u32 $0x8, v1;
	s0 =	simm.s32 $0x9880;
	s4 =	sadd.s32 $0xD2E00, s26;
	s26 =	simm.s32 $0x6880  }
.LBB2_1:
0x10: {  	[tilespmem:s18], [sflag:$0x2] =	stream.linear.gather [hbm4b:s4+s2], $0xC000, $0x38;
	[tilespmem:$0x18080] =	vst v63  }
0x11: {  	_ =	swait.ge [sflag:s12], $0xC000  }
0x12: {  	[sflag:s12] =	ssyncset.done $0x0  }
0x13: {  	[sflag:s12] =	ssyncadd.s32 $0xFFFF4000  }
0x14: {  	[tilespmem:s2], [sflag:$0x2] =	stream.linear.gather [hbm4b:s5+s2], $0x40, $0x38;
	[tilespmem:$0x18080] =	vst v63  }
0x15: {  	_ =	swait.ge [sflag:s12], $0x40  }
0x16: {  	[sflag:s12] =	ssyncset.done $0x0  }
0x17: {  	[sflag:s12] =	ssyncadd.s32 $0xFFFFFFC0  }
0x18: {  	v3 =	vld [tilespmem:$0x0];
	_ =	sdelay $0x4  }
0x19: {  	v4 =	vshrl.u32 v3, $0x3  }
0x1a: {  	v4 =	vmul.u32 $0x30, v4  }
0x1b: {  	v3 =	vand.u32 $0x7, v3  }
0x1c: {  	v3 =	vor.u32 v3, v4  }
0x1d: {  	v4 =	vperm.xlane v3, v0;
	_ =	sdelay $0x1  }
0x1e: {  	v4 =	vadd.s32 v1, v4;
	_ =	sdelay $0x3  }
0x1f: {  	s20 =	simm.s32 $0x80;
	v3 =	vperm.xlane v3, v2  }
0x20: {  	[tilespmem:s20], [sflag:$0x1] =	stream.indirect_vreg.gather [hbm4b:s3+s2], $0x80, v4, vm0, $0xb8;
	[tilespmem:$0x18080] =	vst v63  }
0x21: {  	s21 =	simm.s32 $0x880;
	v3 =	vadd.s32 v1, v3  }
0x22: {  	[tilespmem:s21], [sflag:$0x1] =	stream.indirect_vreg.gather [hbm4b:s6+s2], $0x80, v4, vm0, $0xb8;
	[tilespmem:$0x18080] =	vst v63  }
0x23: {  	s22 =	simm.s32 $0x1080  }
0x24: {  	[tilespmem:s22], [sflag:$0x1] =	stream.indirect_vreg.gather [hbm4b:s7+s2], $0x80, v4, vm0, $0xb8;
	[tilespmem:$0x18080] =	vst v63  }
0x25: {  	s19 =	simm.s32 $0x1880  }
0x26: {  	[tilespmem:s19], [sflag:$0x1] =	stream.indirect_vreg.gather [hbm4b:s3+s2], $0x80, v3, vm0, $0xb8;
	[tilespmem:$0x18080] =	vst v63  }
0x27: {  	s20 =	simm.s32 $0x2080  }
0x28: {  	[tilespmem:s20], [sflag:$0x1] =	stream.indirect_vreg.gather [hbm4b:s6+s2], $0x80, v3, vm0, $0xb8;
	[tilespmem:$0x18080] =	vst v63  }
0x29: {  	s21 =	simm.s32 $0x2880  }
0x2a: {  	[tilespmem:s21], [sflag:$0x1] =	stream.indirect_vreg.gather [hbm4b:s7+s2], $0x80, v3, vm0, $0xb8;
	[tilespmem:$0x18080] =	vst v63  }
0x2b: {  	v3 =	vld [tilespmem:$0x10];
	_ =	sdelay $0x4  }
0x2c: {  	v4 =	vshrl.u32 v3, $0x3  }
0x2d: {  	v4 =	vmul.u32 $0x30, v4  }
0x2e: {  	v3 =	vand.u32 $0x7, v3  }
0x2f: {  	v3 =	vor.u32 v3, v4  }
0x30: {  	v4 =	vperm.xlane v3, v0;
	_ =	sdelay $0x1  }
0x31: {  	v4 =	vadd.s32 v1, v4;
	_ =	sdelay $0x3  }
0x32: {  	s22 =	simm.s32 $0x3080;
	v3 =	vperm.xlane v3, v2  }
0x33: {  	[tilespmem:s22], [sflag:$0x1] =	stream.indirect_vreg.gather [hbm4b:s3+s2], $0x80, v4, vm0, $0xb8;
	[tilespmem:$0x18080] =	vst v63  }
0x34: {  	s19 =	simm.s32 $0x3880;
	v3 =	vadd.s32 v1, v3  }
0x35: {  	[tilespmem:s19], [sflag:$0x1] =	stream.indirect_vreg.gather [hbm4b:s6+s2], $0x80, v4, vm0, $0xb8;
	[tilespmem:$0x18080] =	vst v63  }
0x36: {  	s20 =	simm.s32 $0x4080  }
0x37: {  	[tilespmem:s20], [sflag:$0x1] =	stream.indirect_vreg.gather [hbm4b:s7+s2], $0x80, v4, vm0, $0xb8;
	[tilespmem:$0x18080] =	vst v63  }
0x38: {  	s21 =	simm.s32 $0x4880  }
0x39: {  	[tilespmem:s21], [sflag:$0x1] =	stream.indirect_vreg.gather [hbm4b:s3+s2], $0x80, v3, vm0, $0xb8;
	[tilespmem:$0x18080] =	vst v63  }
0x3a: {  	_ = 	snop  }
0x3b: {  	[tilespmem:s23], [sflag:$0x1] =	stream.indirect_vreg.gather [hbm4b:s6+s2], $0x80, v3, vm0, $0xb8;
	[tilespmem:$0x18080] =	vst v63  }
0x3c: {  	_ = 	snop  }
0x3d: {  	[tilespmem:s24], [sflag:$0x1] =	stream.indirect_vreg.gather [hbm4b:s7+s2], $0x80, v3, vm0, $0xb8;
	[tilespmem:$0x18080] =	vst v63  }
0x3e: {  	v3 =	vld [tilespmem:$0x20];
	_ =	sdelay $0x4  }
0x3f: {  	v4 =	vshrl.u32 v3, $0x3  }
0x40: {  	v4 =	vmul.u32 $0x30, v4  }
0x41: {  	v3 =	vand.u32 $0x7, v3  }
0x42: {  	v3 =	vor.u32 v3, v4  }
0x43: {  	v4 =	vperm.xlane v3, v0;
	_ =	sdelay $0x1  }
0x44: {  	v4 =	vadd.s32 v1, v4;
	_ =	sdelay $0x3  }
0x45: {  	v3 =	vperm.xlane v3, v2  }
0x46: {  	[tilespmem:s25], [sflag:$0x1] =	stream.indirect_vreg.gather [hbm4b:s3+s2], $0x80, v4, vm0, $0xb8;
	[tilespmem:$0x18080] =	vst v63  }
0x47: {  	v3 =	vadd.s32 v1, v3  }
0x48: {  	[tilespmem:s26], [sflag:$0x1] =	stream.indirect_vreg.gather [hbm4b:s6+s2], $0x80, v4, vm0, $0xb8;
	[tilespmem:$0x18080] =	vst v63  }
0x49: {  	_ = 	snop  }
0x4a: {  	[tilespmem:s28], [sflag:$0x1] =	stream.indirect_vreg.gather [hbm4b:s7+s2], $0x80, v4, vm0, $0xb8;
	[tilespmem:$0x18080] =	vst v63  }
0x4b: {  	_ = 	snop  }
0x4c: {  	[tilespmem:s29], [sflag:$0x1] =	stream.indirect_vreg.gather [hbm4b:s3+s2], $0x80, v3, vm0, $0xb8;
	[tilespmem:$0x18080] =	vst v63  }
0x4d: {  	_ = 	snop  }
0x4e: {  	[tilespmem:s30], [sflag:$0x1] =	stream.indirect_vreg.gather [hbm4b:s6+s2], $0x80, v3, vm0, $0xb8;
	[tilespmem:$0x18080] =	vst v63  }
0x4f: {  	_ = 	snop  }
0x50: {  	[tilespmem:s31], [sflag:$0x1] =	stream.indirect_vreg.gather [hbm4b:s7+s2], $0x80, v3, vm0, $0xb8;
	[tilespmem:$0x18080] =	vst v63  }
0x51: {  	v3 =	vld [tilespmem:$0x30];
	_ =	sdelay $0x4  }
0x52: {  	v4 =	vshrl.u32 v3, $0x3  }
0x53: {  	v4 =	vmul.u32 $0x30, v4  }
0x54: {  	v3 =	vand.u32 $0x7, v3  }
0x55: {  	v3 =	vor.u32 v3, v4  }
0x56: {  	v4 =	vperm.xlane v3, v0;
	_ =	sdelay $0x1  }
0x57: {  	v4 =	vadd.s32 v1, v4;
	_ =	sdelay $0x3  }
0x58: {  	v3 =	vperm.xlane v3, v2  }
0x59: {  	[tilespmem:s1], [sflag:$0x1] =	stream.indirect_vreg.gather [hbm4b:s3+s2], $0x80, v4, vm0, $0xb8;
	[tilespmem:$0x18080] =	vst v63  }
0x5a: {  	v3 =	vadd.s32 v1, v3  }
0x5b: {  	[tilespmem:s0], [sflag:$0x1] =	stream.indirect_vreg.gather [hbm4b:s6+s2], $0x80, v4, vm0, $0xb8;
	[tilespmem:$0x18080] =	vst v63  }
0x5c: {  	_ = 	snop  }
0x5d: {  	[tilespmem:s11], [sflag:$0x1] =	stream.indirect_vreg.gather [hbm4b:s7+s2], $0x80, v4, vm0, $0xb8;
	[tilespmem:$0x18080] =	vst v63  }
0x5e: {  	_ = 	snop  }
0x5f: {  	[tilespmem:s13], [sflag:$0x1] =	stream.indirect_vreg.gather [hbm4b:s3+s2], $0x80, v3, vm0, $0xb8;
	[tilespmem:$0x18080] =	vst v63  }
0x60: {  	_ = 	snop  }
0x61: {  	[tilespmem:s14], [sflag:$0x1] =	stream.indirect_vreg.gather [hbm4b:s6+s2], $0x80, v3, vm0, $0xb8;
	[tilespmem:$0x18080] =	vst v63  }
0x62: {  	s22 =	simm.s32 $0x0  }
0x63: {  	[tilespmem:s15], [sflag:$0x1] =	stream.indirect_vreg.gather [hbm4b:s7+s2], $0x80, v3, vm0, $0xb8;
	[tilespmem:$0x18080] =	vst v63  }
0x64: {  	s18 =	smul.u32 $0x1800, s22;
	_ =	swait.ge [sflag:s16], $0xC000  }
0x65: {  	s19 =	sand.u32 $0x380, s2;
	[sflag:s16] =	ssyncset.done $0x0  }
0x66: {  	s18 =	sor.u32 s19, s18;
	[sflag:s16] =	ssyncadd.s32 $0xFFFF4000  }
0x67: {  	v12 =	vld [tilespmem:s18+$0x80]  }
0x68: {  	v13 =	vld [tilespmem:s18+$0x90]  }
0x69: {  	v14 =	vld [tilespmem:s18+$0xA0]  }
0x6a: {  	v15 =	vld [tilespmem:s18+$0xB0]  }
0x6b: {  	v16 =	vld [tilespmem:s18+$0xC0]  }
0x6c: {  	v17 =	vld [tilespmem:s18+$0xD0]  }
0x6d: {  	v18 =	vld [tilespmem:s18+$0xE0]  }
0x6e: {  	v19 =	vld [tilespmem:s18+$0xF0]  }
0x6f: {  	v20 =	vld [tilespmem:s18+$0x480]  }
0x70: {  	v21 =	vld [tilespmem:s18+$0x490]  }
0x71: {  	v22 =	vld [tilespmem:s18+$0x4A0]  }
0x72: {  	v23 =	vld [tilespmem:s18+$0x4B0]  }
0x73: {  	v24 =	vld [tilespmem:s18+$0x4C0]  }
0x74: {  	v25 =	vld [tilespmem:s18+$0x4D0]  }
0x75: {  	v26 =	vld [tilespmem:s18+$0x4E0]  }
0x76: {  	v27 =	vld [tilespmem:s18+$0x4F0]  }
0x77: {  	v28 =	vld [tilespmem:s18+$0x880]  }
0x78: {  	v29 =	vld [tilespmem:s18+$0x890]  }
0x79: {  	v30 =	vld [tilespmem:s18+$0x8A0]  }
0x7a: {  	v31 =	vld [tilespmem:s18+$0x8B0]  }
0x7b: {  	v32 =	vld [tilespmem:s18+$0x8C0]  }
0x7c: {  	v33 =	vld [tilespmem:s18+$0x8D0]  }
0x7d: {  	v34 =	vld [tilespmem:s18+$0x8E0]  }
0x7e: {  	v35 =	vld [tilespmem:s18+$0x8F0]  }
0x7f: {  	v36 =	vld [tilespmem:s18+$0xC80]  }
0x80: {  	v37 =	vld [tilespmem:s18+$0xC90]  }
0x81: {  	v38 =	vld [tilespmem:s18+$0xCA0]  }
0x82: {  	v39 =	vld [tilespmem:s18+$0xCB0]  }
0x83: {  	v40 =	vld [tilespmem:s18+$0xCC0]  }
0x84: {  	v41 =	vld [tilespmem:s18+$0xCD0]  }
0x85: {  	v42 =	vld [tilespmem:s18+$0xCE0]  }
0x86: {  	v43 =	vld [tilespmem:s18+$0xCF0]  }
0x87: {  	v44 =	vld [tilespmem:s18+$0x1080]  }
0x88: {  	v45 =	vld [tilespmem:s18+$0x1090]  }
0x89: {  	v46 =	vld [tilespmem:s18+$0x10A0]  }
0x8a: {  	v47 =	vld [tilespmem:s18+$0x10B0]  }
0x8b: {  	v48 =	vld [tilespmem:s18+$0x10C0]  }
0x8c: {  	v49 =	vld [tilespmem:s18+$0x10D0]  }
0x8d: {  	v50 =	vld [tilespmem:s18+$0x10E0]  }
0x8e: {  	v11 =	vld [tilespmem:s18+$0x10F0]  }
0x8f: {  	v10 =	vld [tilespmem:s18+$0x1480]  }
0x90: {  	v9 =	vld [tilespmem:s18+$0x1490]  }
0x91: {  	v8 =	vld [tilespmem:s18+$0x14A0]  }
0x92: {  	v7 =	vld [tilespmem:s18+$0x14B0]  }
0x93: {  	v6 =	vld [tilespmem:s18+$0x14C0]  }
0x94: {  	v51 =	vld [tilespmem:s18+$0xC080]  }
0x95: {  	v52 =	vld [tilespmem:s18+$0xC090]  }
0x96: {  	v53 =	vld [tilespmem:s18+$0xC0A0]  }
0x97: {  	v54 =	vld [tilespmem:s18+$0xC0B0]  }
0x98: {  	v55 =	vld [tilespmem:s18+$0xC0C0]  }
0x99: {  	v62 =	vld [tilespmem:s18+$0xC0D0];
	v12 =	vadd.f32 v12, v51  }
0x9a: {  	v63 =	vld [tilespmem:s18+$0xC0E0];
	v13 =	vadd.f32 v13, v52  }
0x9b: {  	[tilespmem:s18+$0xC080] =	vst v12;
	v12 =	vadd.f32 v14, v53;
	v14 =	vld [tilespmem:s18+$0xC0F0]  }
0x9c: {  	[tilespmem:s18+$0xC090] =	vst v13;
	v13 =	vadd.f32 v15, v54;
	v15 =	vld [tilespmem:s18+$0xC480]  }
0x9d: {  	[tilespmem:s18+$0xC0A0] =	vst v12;
	v12 =	vadd.f32 v16, v55;
	v16 =	vld [tilespmem:s18+$0xC490]  }
0x9e: {  	[tilespmem:s18+$0xC0B0] =	vst v13;
	v13 =	vadd.f32 v17, v62;
	v17 =	vld [tilespmem:s18+$0xC4A0]  }
0x9f: {  	v5 =	vld [tilespmem:s18+$0x14D0]  }
0xa0: {  	[tilespmem:s18+$0xC0C0] =	vst v12;
	v12 =	vadd.f32 v18, v63;
	v18 =	vld [tilespmem:s18+$0xC4F0]  }
0xa1: {  	[tilespmem:s18+$0xC0D0] =	vst v13;
	v13 =	vadd.f32 v19, v14;
	v14 =	vld [tilespmem:s18+$0xC4B0]  }
0xa2: {  	[tilespmem:s18+$0xC0E0] =	vst v12;
	v12 =	vadd.f32 v20, v15;
	v15 =	vld [tilespmem:s18+$0xC4C0]  }
0xa3: {  	[tilespmem:s18+$0xC0F0] =	vst v13;
	v13 =	vadd.f32 v21, v16;
	v16 =	vadd.f32 v22, v17;
	v17 =	vld [tilespmem:s18+$0xC4E0]  }
0xa4: {  	[tilespmem:s18+$0xC480] =	vst v12;
	v12 =	vld [tilespmem:s18+$0xC4D0]  }
0xa5: {  	[tilespmem:s18+$0xC490] =	vst v13;
	v13 =	vld [tilespmem:s18+$0xC880];
	v18 =	vadd.f32 v27, v18  }
0xa6: {  	[tilespmem:s18+$0xC4A0] =	vst v16;
	v16 =	vld [tilespmem:s18+$0xC890];
	v14 =	vadd.f32 v23, v14  }
0xa7: {  	v4 =	vld [tilespmem:s18+$0x14E0];
	v15 =	vadd.f32 v24, v15;
	[tilespmem:s18+$0xC4F0] =	vst v18  }
0xa8: {  	[tilespmem:s18+$0xC4B0] =	vst v14;
	v14 =	vld [tilespmem:s18+$0xC8A0];
	v17 =	vadd.f32 v26, v17  }
0xa9: {  	v12 =	vadd.f32 v25, v12;
	[tilespmem:s18+$0xC4C0] =	vst v15;
	v15 =	vld [tilespmem:s18+$0xC8B0]  }
0xaa: {  	v18 =	vld [tilespmem:s18+$0xC8F0];
	[tilespmem:s18+$0xC4E0] =	vst v17;
	v13 =	vadd.f32 v28, v13  }
0xab: {  	v16 =	vadd.f32 v29, v16;
	[tilespmem:s18+$0xC4D0] =	vst v12;
	v12 =	vld [tilespmem:s18+$0xC8C0]  }
0xac: {  	v17 =	vld [tilespmem:s18+$0xC8D0];
	[tilespmem:s18+$0xC880] =	vst v13  }
0xad: {  	[tilespmem:s18+$0xC890] =	vst v16;
	v16 =	vld [tilespmem:s18+$0xC8E0];
	v13 =	vadd.f32 v30, v14  }
0xae: {  	v14 =	vld [tilespmem:s18+$0xCC80];
	v15 =	vadd.f32 v31, v15  }
0xaf: {  	[tilespmem:s18+$0xC8A0] =	vst v13;
	v13 =	vld [tilespmem:s18+$0xCC90]  }
0xb0: {  	v12 =	vadd.f32 v32, v12;
	[tilespmem:s18+$0xC8B0] =	vst v15;
	v15 =	vld [tilespmem:s18+$0xCCA0]  }
0xb1: {  	v3 =	vld [tilespmem:s18+$0x14F0];
	v17 =	vadd.f32 v33, v17  }
0xb2: {  	v16 =	vadd.f32 v34, v16;
	[tilespmem:s18+$0xC8C0] =	vst v12;
	v12 =	vld [tilespmem:s18+$0xCCB0]  }
0xb3: {  	[tilespmem:s18+$0xC8D0] =	vst v17;
	v17 =	vld [tilespmem:s18+$0xCCC0];
	v14 =	vadd.f32 v36, v14  }
0xb4: {  	v18 =	vadd.f32 v35, v18;
	[tilespmem:s18+$0xC8E0] =	vst v16;
	v16 =	vld [tilespmem:s18+$0xCCD0]  }
0xb5: {  	v13 =	vadd.f32 v37, v13;
	[tilespmem:s18+$0xCC80] =	vst v14;
	v14 =	vadd.f32 v38, v15;
	v15 =	vld [tilespmem:s18+$0xCCE0]  }
0xb6: {  	[tilespmem:s18+$0xC8F0] =	vst v18;
	v18 =	vld [tilespmem:s18+$0xCCF0]  }
0xb7: {  	[tilespmem:s18+$0xCC90] =	vst v13;
	v13 =	vld [tilespmem:s18+$0xD080];
	v12 =	vadd.f32 v39, v12  }
0xb8: {  	v17 =	vadd.f32 v40, v17;
	[tilespmem:s18+$0xCCA0] =	vst v14;
	v14 =	vld [tilespmem:s18+$0xD090]  }
0xb9: {  	v16 =	vadd.f32 v41, v16;
	[tilespmem:s18+$0xCCB0] =	vst v12;
	v12 =	vld [tilespmem:s18+$0xD0A0]  }
0xba: {  	[tilespmem:s18+$0xCCC0] =	vst v17;
	v17 =	vld [tilespmem:s18+$0xD0B0];
	v15 =	vadd.f32 v42, v15  }
0xbb: {  	v19 =	vld [tilespmem:s18+$0xD0C0];
	[tilespmem:s18+$0xCCD0] =	vst v16;
	v16 =	vadd.f32 v43, v18  }
0xbc: {  	v18 =	vld [tilespmem:s18+$0xD0D0];
	v13 =	vadd.f32 v44, v13;
	[tilespmem:s18+$0xCCE0] =	vst v15  }
0xbd: {  	v20 =	vld [tilespmem:s18+$0xD0E0];
	[tilespmem:s18+$0xCCF0] =	vst v16;
	v14 =	vadd.f32 v45, v14  }
0xbe: {  	v16 =	vld [tilespmem:s18+$0xD0F0];
	[tilespmem:s18+$0xD080] =	vst v13;
	v12 =	vadd.f32 v46, v12  }
0xbf: {  	v15 =	vld [tilespmem:s18+$0xD480];
	v13 =	vadd.f32 v47, v17;
	[tilespmem:s18+$0xD090] =	vst v14  }
0xc0: {  	v14 =	vld [tilespmem:s18+$0xD490];
	[tilespmem:s18+$0xD0A0] =	vst v12;
	v12 =	vadd.f32 v48, v19  }
0xc1: {  	[tilespmem:s18+$0xD0B0] =	vst v13;
	v13 =	vld [tilespmem:s18+$0xD4A0];
	v18 =	vadd.f32 v49, v18  }
0xc2: {  	s19 =	simm.s32 $0x1;
	s20 =	simm.s32 $0x0;
	v17 =	vadd.f32 v50, v20;
	[tilespmem:s18+$0xD0C0] =	vst v12;
	v12 =	vld [tilespmem:s18+$0xD4B0]  }
.LBB2_2:
0xc3: {  	s21 =	sshrl.u32 s19, $0x3;
	p0 =	sne.s32 s19, $0x3F;
	[tilespmem:s18+$0xD0D0] =	vst v18;
	v11 =	vadd.f32 v11, v16;
	v16 =	vld [tilespmem:s18+$0xD4C0]  }
0xc4: {  	s20 =	sadd.s32 $0x80, s20;
	s21 =	smul.u32 $0x1800, s21;
	[tilespmem:s18+$0xD0E0] =	vst v17;
	v10 =	vadd.f32 v10, v15;
	v15 =	vld [tilespmem:s18+$0xD4D0]  }
0xc5: {  	s22 =	sand.u32 $0x380, s20;
	[tilespmem:s18+$0xD0F0] =	vst v11;
	v9 =	vadd.f32 v9, v14;
	v11 =	vld [tilespmem:s18+$0xD4E0]  }
0xc6: {  	s21 =	sor.u32 s22, s21;
	[tilespmem:s18+$0xD480] =	vst v10;
	v8 =	vadd.f32 v8, v13;
	v10 =	vld [tilespmem:s18+$0xD4F0]  }
0xc7: {  	v39 =	vld [tilespmem:s21+$0x80];
	[tilespmem:s18+$0xD490] =	vst v9;
	v7 =	vadd.f32 v7, v12  }
0xc8: {  	v40 =	vld [tilespmem:s21+$0x90];
	[tilespmem:s18+$0xD4A0] =	vst v8;
	v6 =	vadd.f32 v6, v16  }
0xc9: {  	v41 =	vld [tilespmem:s21+$0xA0];
	[tilespmem:s18+$0xD4B0] =	vst v7;
	v5 =	vadd.f32 v5, v15  }
0xca: {  	v42 =	vld [tilespmem:s21+$0xB0];
	[tilespmem:s18+$0xD4C0] =	vst v6;
	v4 =	vadd.f32 v4, v11  }
0xcb: {  	v43 =	vld [tilespmem:s21+$0xC0];
	[tilespmem:s18+$0xD4D0] =	vst v5;
	v3 =	vadd.f32 v3, v10  }
0xcc: {  	v44 =	vld [tilespmem:s21+$0xD0];
	[tilespmem:s18+$0xD4E0] =	vst v4  }
0xcd: {  	v45 =	vld [tilespmem:s21+$0xE0];
	[tilespmem:s18+$0xD4F0] =	vst v3;
	s18 =	smov.u32 s21  }
0xce: {  	v46 =	vld [tilespmem:s18+$0xF0]  }
0xcf: {  	v47 =	vld [tilespmem:s18+$0x480]  }
0xd0: {  	v48 =	vld [tilespmem:s18+$0x490]  }
0xd1: {  	v49 =	vld [tilespmem:s18+$0x4A0]  }
0xd2: {  	v50 =	vld [tilespmem:s18+$0x4B0]  }
0xd3: {  	v38 =	vld [tilespmem:s18+$0x4C0]  }
0xd4: {  	v37 =	vld [tilespmem:s18+$0x4D0]  }
0xd5: {  	v36 =	vld [tilespmem:s18+$0x4E0]  }
0xd6: {  	v35 =	vld [tilespmem:s18+$0x4F0]  }
0xd7: {  	v34 =	vld [tilespmem:s18+$0x880]  }
0xd8: {  	v33 =	vld [tilespmem:s18+$0x890]  }
0xd9: {  	v32 =	vld [tilespmem:s18+$0x8A0]  }
0xda: {  	v31 =	vld [tilespmem:s18+$0x8B0]  }
0xdb: {  	v30 =	vld [tilespmem:s18+$0x8C0]  }
0xdc: {  	v29 =	vld [tilespmem:s18+$0x8D0]  }
0xdd: {  	v28 =	vld [tilespmem:s18+$0x8E0]  }
0xde: {  	v27 =	vld [tilespmem:s18+$0x8F0]  }
0xdf: {  	v26 =	vld [tilespmem:s18+$0xC80]  }
0xe0: {  	v25 =	vld [tilespmem:s18+$0xC90]  }
0xe1: {  	v24 =	vld [tilespmem:s18+$0xCA0]  }
0xe2: {  	v23 =	vld [tilespmem:s18+$0xCB0]  }
0xe3: {  	v22 =	vld [tilespmem:s18+$0xCC0]  }
0xe4: {  	v21 =	vld [tilespmem:s18+$0xCD0]  }
0xe5: {  	v20 =	vld [tilespmem:s18+$0xCE0]  }
0xe6: {  	v19 =	vld [tilespmem:s18+$0xCF0]  }
0xe7: {  	v18 =	vld [tilespmem:s18+$0x1080]  }
0xe8: {  	v17 =	vld [tilespmem:s18+$0x1090]  }
0xe9: {  	v16 =	vld [tilespmem:s18+$0x10A0]  }
0xea: {  	v15 =	vld [tilespmem:s18+$0x10B0]  }
0xeb: {  	v14 =	vld [tilespmem:s18+$0x10C0]  }
0xec: {  	v13 =	vld [tilespmem:s18+$0x10D0]  }
0xed: {  	v12 =	vld [tilespmem:s18+$0x10E0]  }
0xee: {  	v11 =	vld [tilespmem:s18+$0x10F0]  }
0xef: {  	v10 =	vld [tilespmem:s18+$0x1480]  }
0xf0: {  	v9 =	vld [tilespmem:s18+$0x1490]  }
0xf1: {  	v8 =	vld [tilespmem:s18+$0x14A0]  }
0xf2: {  	v7 =	vld [tilespmem:s18+$0x14B0]  }
0xf3: {  	v6 =	vld [tilespmem:s18+$0x14C0]  }
0xf4: {  	v5 =	vld [tilespmem:s18+$0x14D0]  }
0xf5: {  	v4 =	vld [tilespmem:s18+$0x14E0]  }
0xf6: {  	v3 =	vld [tilespmem:s18+$0x14F0]  }
0xf7: {  	v51 =	vld [tilespmem:s18+$0xC080]  }
0xf8: {  	v52 =	vld [tilespmem:s18+$0xC090]  }
0xf9: {  	v53 =	vld [tilespmem:s18+$0xC0A0]  }
0xfa: {  	v54 =	vld [tilespmem:s18+$0xC0B0]  }
0xfb: {  	v55 =	vld [tilespmem:s18+$0xC0C0]  }
0xfc: {  	v39 =	vadd.f32 v39, v51;
	v51 =	vld [tilespmem:s18+$0xC0D0]  }
0xfd: {  	v40 =	vadd.f32 v40, v52;
	v52 =	vld [tilespmem:s18+$0xC0E0]  }
0xfe: {  	[tilespmem:s18+$0xC080] =	vst v39;
	v39 =	vadd.f32 v41, v53;
	v41 =	vld [tilespmem:s18+$0xC0F0]  }
0xff: {  	[tilespmem:s18+$0xC090] =	vst v40;
	v40 =	vadd.f32 v42, v54;
	v42 =	vld [tilespmem:s18+$0xC480]  }
0x100: {  	[tilespmem:s18+$0xC0A0] =	vst v39;
	v39 =	vadd.f32 v43, v55;
	v43 =	vld [tilespmem:s18+$0xC490]  }
0x101: {  	[tilespmem:s18+$0xC0B0] =	vst v40;
	v40 =	vadd.f32 v44, v51;
	v44 =	vld [tilespmem:s18+$0xC4A0]  }
0x102: {  	[tilespmem:s18+$0xC0C0] =	vst v39;
	v39 =	vadd.f32 v45, v52;
	v45 =	vld [tilespmem:s18+$0xC4B0]  }
0x103: {  	[tilespmem:s18+$0xC0D0] =	vst v40;
	v40 =	vadd.f32 v46, v41;
	v41 =	vld [tilespmem:s18+$0xC4C0]  }
0x104: {  	[tilespmem:s18+$0xC0E0] =	vst v39;
	v39 =	vadd.f32 v47, v42;
	v42 =	vld [tilespmem:s18+$0xC4D0]  }
0x105: {  	[tilespmem:s18+$0xC0F0] =	vst v40;
	v40 =	vadd.f32 v48, v43;
	v43 =	vld [tilespmem:s18+$0xC4E0]  }
0x106: {  	[tilespmem:s18+$0xC480] =	vst v39;
	v39 =	vadd.f32 v49, v44;
	v44 =	vld [tilespmem:s18+$0xC4F0]  }
0x107: {  	[tilespmem:s18+$0xC490] =	vst v40;
	v40 =	vadd.f32 v50, v45;
	v45 =	vld [tilespmem:s18+$0xC880]  }
0x108: {  	[tilespmem:s18+$0xC4A0] =	vst v39;
	v38 =	vadd.f32 v38, v41;
	v39 =	vld [tilespmem:s18+$0xC890]  }
0x109: {  	[tilespmem:s18+$0xC4B0] =	vst v40;
	v37 =	vadd.f32 v37, v42;
	v40 =	vld [tilespmem:s18+$0xC8A0]  }
0x10a: {  	[tilespmem:s18+$0xC4C0] =	vst v38;
	v36 =	vadd.f32 v36, v43;
	v38 =	vld [tilespmem:s18+$0xC8B0]  }
0x10b: {  	[tilespmem:s18+$0xC4D0] =	vst v37;
	v35 =	vadd.f32 v35, v44;
	v37 =	vld [tilespmem:s18+$0xC8C0]  }
0x10c: {  	[tilespmem:s18+$0xC4E0] =	vst v36;
	v34 =	vadd.f32 v34, v45;
	v36 =	vld [tilespmem:s18+$0xC8D0]  }
0x10d: {  	[tilespmem:s18+$0xC4F0] =	vst v35;
	v33 =	vadd.f32 v33, v39;
	v35 =	vld [tilespmem:s18+$0xC8E0]  }
0x10e: {  	[tilespmem:s18+$0xC880] =	vst v34;
	v32 =	vadd.f32 v32, v40;
	v34 =	vld [tilespmem:s18+$0xC8F0]  }
0x10f: {  	[tilespmem:s18+$0xC890] =	vst v33;
	v31 =	vadd.f32 v31, v38;
	v33 =	vld [tilespmem:s18+$0xCC80]  }
0x110: {  	[tilespmem:s18+$0xC8A0] =	vst v32;
	v30 =	vadd.f32 v30, v37;
	v32 =	vld [tilespmem:s18+$0xCC90]  }
0x111: {  	[tilespmem:s18+$0xC8B0] =	vst v31;
	v29 =	vadd.f32 v29, v36;
	v31 =	vld [tilespmem:s18+$0xCCA0]  }
0x112: {  	[tilespmem:s18+$0xC8C0] =	vst v30;
	v28 =	vadd.f32 v28, v35;
	v30 =	vld [tilespmem:s18+$0xCCB0]  }
0x113: {  	[tilespmem:s18+$0xC8D0] =	vst v29;
	v27 =	vadd.f32 v27, v34;
	v29 =	vld [tilespmem:s18+$0xCCC0]  }
0x114: {  	[tilespmem:s18+$0xC8E0] =	vst v28;
	v26 =	vadd.f32 v26, v33;
	v28 =	vld [tilespmem:s18+$0xCCD0]  }
0x115: {  	[tilespmem:s18+$0xC8F0] =	vst v27;
	v25 =	vadd.f32 v25, v32;
	v27 =	vld [tilespmem:s18+$0xCCE0]  }
0x116: {  	[tilespmem:s18+$0xCC80] =	vst v26;
	v24 =	vadd.f32 v24, v31;
	v26 =	vld [tilespmem:s18+$0xCCF0]  }
0x117: {  	[tilespmem:s18+$0xCC90] =	vst v25;
	v23 =	vadd.f32 v23, v30;
	v25 =	vld [tilespmem:s18+$0xD080]  }
0x118: {  	[tilespmem:s18+$0xCCA0] =	vst v24;
	v22 =	vadd.f32 v22, v29;
	v24 =	vld [tilespmem:s18+$0xD090]  }
0x119: {  	[tilespmem:s18+$0xCCB0] =	vst v23;
	v21 =	vadd.f32 v21, v28;
	v23 =	vld [tilespmem:s18+$0xD0A0]  }
0x11a: {  	[tilespmem:s18+$0xCCC0] =	vst v22;
	v20 =	vadd.f32 v20, v27;
	v22 =	vld [tilespmem:s18+$0xD0B0]  }
0x11b: {  	[tilespmem:s18+$0xCCD0] =	vst v21;
	v19 =	vadd.f32 v19, v26;
	v21 =	vld [tilespmem:s18+$0xD0C0]  }
0x11c: {  	[tilespmem:s18+$0xCCE0] =	vst v20;
	v18 =	vadd.f32 v18, v25;
	v20 =	vld [tilespmem:s18+$0xD0D0]  }
0x11d: {  	[tilespmem:s18+$0xCCF0] =	vst v19;
	v17 =	vadd.f32 v17, v24;
	v19 =	vld [tilespmem:s18+$0xD0E0]  }
.Ltmp0:
0x11e: {  	[tilespmem:s18+$0xD080] =	vst v18;
	v18 =	vadd.f32 v16, v23;
	v16 =	vld [tilespmem:s18+$0xD0F0];
	(pc) =	sbr.rel @p0 .LBB2_2-.Ltmp0, $4  }
0x11f: {  	[tilespmem:s18+$0xD090] =	vst v17;
	v17 =	vadd.f32 v15, v22;
	v15 =	vld [tilespmem:s18+$0xD480]  }
0x120: {  	[tilespmem:s18+$0xD0A0] =	vst v18;
	v21 =	vadd.f32 v14, v21;
	v14 =	vld [tilespmem:s18+$0xD490]  }
0x121: {  	[tilespmem:s18+$0xD0B0] =	vst v17;
	v18 =	vadd.f32 v13, v20;
	v13 =	vld [tilespmem:s18+$0xD4A0]  }
0x122: {  	s19 =	sadd.s32 $0x1, s19;
	[tilespmem:s18+$0xD0C0] =	vst v21;
	v17 =	vadd.f32 v12, v19;
	v12 =	vld [tilespmem:s18+$0xD4B0]  }
0x123: {  	[tilespmem:s18+$0xD0D0] =	vst v18;
	v18 =	vld [tilespmem:s18+$0xD4C0];
	v11 =	vadd.f32 v11, v16  }
0x124: {  	v16 =	vld [tilespmem:s18+$0xD4D0];
	[tilespmem:s18+$0xD0E0] =	vst v17;
	v10 =	vadd.f32 v10, v15  }
0x125: {  	[tilespmem:s18+$0xD0F0] =	vst v11;
	v9 =	vadd.f32 v9, v14;
	v11 =	vld [tilespmem:s18+$0xD4E0]  }
0x126: {  	[tilespmem:s18+$0xD480] =	vst v10;
	v8 =	vadd.f32 v8, v13;
	v10 =	vld [tilespmem:s18+$0xD4F0]  }
0x127: {  	[tilespmem:s18+$0xD490] =	vst v9;
	v7 =	vadd.f32 v7, v12  }
0x128: {  	[tilespmem:s18+$0xD4A0] =	vst v8;
	v6 =	vadd.f32 v6, v18  }
0x129: {  	v5 =	vadd.f32 v5, v16;
	[tilespmem:s18+$0xD4B0] =	vst v7  }
0x12a: {  	[tilespmem:s18+$0xD4C0] =	vst v6;
	v4 =	vadd.f32 v4, v11  }
0x12b: {  	[tilespmem:s18+$0xD4D0] =	vst v5;
	v3 =	vadd.f32 v3, v10  }
0x12c: {  	[tilespmem:s18+$0xD4E0] =	vst v4  }
0x12d: {  	[tilespmem:s18+$0xD4F0] =	vst v3;
	s18 =	simm.s32 $0x0  }
0x12e: {  	[tilespmem:s18], [sflag:$0x2] =	stream.linear.gather [hbm4b:s8+s18], $0x40, $0x38;
	[tilespmem:$0x18080] =	vst v63  }
0x12f: {  	_ =	swait.ge [sflag:s12], $0x40  }
0x130: {  	[sflag:s12] =	ssyncset.done $0x0  }
0x131: {  	[sflag:s12] =	ssyncadd.s32 $0xFFFFFFC0  }
0x132: {  	v3 =	vld [tilespmem:$0x0];
	_ =	sdelay $0x4  }
0x133: {  	v4 =	vshrl.u32 v3, $0x3  }
0x134: {  	v4 =	vmul.u32 $0x30, v4  }
0x135: {  	v3 =	vand.u32 $0x7, v3  }
0x136: {  	v3 =	vor.u32 v3, v4  }
0x137: {  	v4 =	vperm.xlane v3, v0;
	_ =	sdelay $0x1  }
0x138: {  	v4 =	vadd.s32 v1, v4;
	_ =	sdelay $0x3  }
0x139: {  	s19 =	simm.s32 $0x80;
	v3 =	vperm.xlane v3, v2  }
0x13a: {  	[tilespmem:s19], [sflag:$0x1] =	stream.indirect_vreg.gather [hbm4b:s3+s18], $0x80, v4, vm0, $0xb8;
	[tilespmem:$0x18080] =	vst v63  }
0x13b: {  	s22 =	simm.s32 $0x880;
	v3 =	vadd.s32 v1, v3  }
0x13c: {  	[tilespmem:s22], [sflag:$0x1] =	stream.indirect_vreg.gather [hbm4b:s6+s18], $0x80, v4, vm0, $0xb8;
	[tilespmem:$0x18080] =	vst v63  }
0x13d: {  	s20 =	simm.s32 $0x1080  }
0x13e: {  	[tilespmem:s20], [sflag:$0x1] =	stream.indirect_vreg.gather [hbm4b:s7+s18], $0x80, v4, vm0, $0xb8;
	[tilespmem:$0x18080] =	vst v63  }
0x13f: {  	s21 =	simm.s32 $0x1880  }
0x140: {  	[tilespmem:s21], [sflag:$0x1] =	stream.indirect_vreg.gather [hbm4b:s3+s18], $0x80, v3, vm0, $0xb8;
	[tilespmem:$0x18080] =	vst v63  }
0x141: {  	s22 =	simm.s32 $0x2080  }
0x142: {  	[tilespmem:s22], [sflag:$0x1] =	stream.indirect_vreg.gather [hbm4b:s6+s18], $0x80, v3, vm0, $0xb8;
	[tilespmem:$0x18080] =	vst v63  }
0x143: {  	s20 =	simm.s32 $0x2880  }
0x144: {  	[tilespmem:s20], [sflag:$0x1] =	stream.indirect_vreg.gather [hbm4b:s7+s18], $0x80, v3, vm0, $0xb8;
	[tilespmem:$0x18080] =	vst v63  }
0x145: {  	v3 =	vld [tilespmem:$0x10];
	_ =	sdelay $0x4  }
0x146: {  	v4 =	vshrl.u32 v3, $0x3  }
0x147: {  	v4 =	vmul.u32 $0x30, v4  }
0x148: {  	v3 =	vand.u32 $0x7, v3  }
0x149: {  	v3 =	vor.u32 v3, v4  }
0x14a: {  	v4 =	vperm.xlane v3, v0;
	_ =	sdelay $0x1  }
0x14b: {  	v4 =	vadd.s32 v1, v4;
	_ =	sdelay $0x3  }
0x14c: {  	s21 =	simm.s32 $0x3080;
	v3 =	vperm.xlane v3, v2  }
0x14d: {  	[tilespmem:s21], [sflag:$0x1] =	stream.indirect_vreg.gather [hbm4b:s3+s18], $0x80, v4, vm0, $0xb8;
	[tilespmem:$0x18080] =	vst v63  }
0x14e: {  	s22 =	simm.s32 $0x3880;
	v3 =	vadd.s32 v1, v3  }
0x14f: {  	[tilespmem:s22], [sflag:$0x1] =	stream.indirect_vreg.gather [hbm4b:s6+s18], $0x80, v4, vm0, $0xb8;
	[tilespmem:$0x18080] =	vst v63  }
0x150: {  	s20 =	simm.s32 $0x4080  }
0x151: {  	[tilespmem:s20], [sflag:$0x1] =	stream.indirect_vreg.gather [hbm4b:s7+s18], $0x80, v4, vm0, $0xb8;
	[tilespmem:$0x18080] =	vst v63  }
0x152: {  	s21 =	simm.s32 $0x4880  }
0x153: {  	[tilespmem:s21], [sflag:$0x1] =	stream.indirect_vreg.gather [hbm4b:s3+s18], $0x80, v3, vm0, $0xb8;
	[tilespmem:$0x18080] =	vst v63  }
0x154: {  	_ = 	snop  }
0x155: {  	[tilespmem:s23], [sflag:$0x1] =	stream.indirect_vreg.gather [hbm4b:s6+s18], $0x80, v3, vm0, $0xb8;
	[tilespmem:$0x18080] =	vst v63  }
0x156: {  	_ = 	snop  }
0x157: {  	[tilespmem:s24], [sflag:$0x1] =	stream.indirect_vreg.gather [hbm4b:s7+s18], $0x80, v3, vm0, $0xb8;
	[tilespmem:$0x18080] =	vst v63  }
0x158: {  	v3 =	vld [tilespmem:$0x20];
	_ =	sdelay $0x4  }
0x159: {  	v4 =	vshrl.u32 v3, $0x3  }
0x15a: {  	v4 =	vmul.u32 $0x30, v4  }
0x15b: {  	v3 =	vand.u32 $0x7, v3  }
0x15c: {  	v3 =	vor.u32 v3, v4  }
0x15d: {  	v4 =	vperm.xlane v3, v0;
	_ =	sdelay $0x1  }
0x15e: {  	v4 =	vadd.s32 v1, v4;
	_ =	sdelay $0x3  }
0x15f: {  	v3 =	vperm.xlane v3, v2  }
0x160: {  	[tilespmem:s25], [sflag:$0x1] =	stream.indirect_vreg.gather [hbm4b:s3+s18], $0x80, v4, vm0, $0xb8;
	[tilespmem:$0x18080] =	vst v63  }
0x161: {  	v3 =	vadd.s32 v1, v3  }
0x162: {  	[tilespmem:s26], [sflag:$0x1] =	stream.indirect_vreg.gather [hbm4b:s6+s18], $0x80, v4, vm0, $0xb8;
	[tilespmem:$0x18080] =	vst v63  }
0x163: {  	_ = 	snop  }
0x164: {  	[tilespmem:s28], [sflag:$0x1] =	stream.indirect_vreg.gather [hbm4b:s7+s18], $0x80, v4, vm0, $0xb8;
	[tilespmem:$0x18080] =	vst v63  }
0x165: {  	_ = 	snop  }
0x166: {  	[tilespmem:s29], [sflag:$0x1] =	stream.indirect_vreg.gather [hbm4b:s3+s18], $0x80, v3, vm0, $0xb8;
	[tilespmem:$0x18080] =	vst v63  }
0x167: {  	_ = 	snop  }
0x168: {  	[tilespmem:s30], [sflag:$0x1] =	stream.indirect_vreg.gather [hbm4b:s6+s18], $0x80, v3, vm0, $0xb8;
	[tilespmem:$0x18080] =	vst v63  }
0x169: {  	_ = 	snop  }
0x16a: {  	[tilespmem:s31], [sflag:$0x1] =	stream.indirect_vreg.gather [hbm4b:s7+s18], $0x80, v3, vm0, $0xb8;
	[tilespmem:$0x18080] =	vst v63  }
0x16b: {  	v3 =	vld [tilespmem:$0x30];
	_ =	sdelay $0x4  }
0x16c: {  	v4 =	vshrl.u32 v3, $0x3  }
0x16d: {  	v4 =	vmul.u32 $0x30, v4  }
0x16e: {  	v3 =	vand.u32 $0x7, v3  }
0x16f: {  	v3 =	vor.u32 v3, v4  }
0x170: {  	v4 =	vperm.xlane v3, v0;
	_ =	sdelay $0x1  }
0x171: {  	v4 =	vadd.s32 v1, v4;
	_ =	sdelay $0x3  }
0x172: {  	v3 =	vperm.xlane v3, v2  }
0x173: {  	[tilespmem:s1], [sflag:$0x1] =	stream.indirect_vreg.gather [hbm4b:s3+s18], $0x80, v4, vm0, $0xb8;
	[tilespmem:$0x18080] =	vst v63  }
0x174: {  	v3 =	vadd.s32 v1, v3  }
0x175: {  	[tilespmem:s0], [sflag:$0x1] =	stream.indirect_vreg.gather [hbm4b:s6+s18], $0x80, v4, vm0, $0xb8;
	[tilespmem:$0x18080] =	vst v63  }
0x176: {  	_ = 	snop  }
0x177: {  	[tilespmem:s11], [sflag:$0x1] =	stream.indirect_vreg.gather [hbm4b:s7+s18], $0x80, v4, vm0, $0xb8;
	[tilespmem:$0x18080] =	vst v63  }
0x178: {  	_ = 	snop  }
0x179: {  	[tilespmem:s13], [sflag:$0x1] =	stream.indirect_vreg.gather [hbm4b:s3+s18], $0x80, v3, vm0, $0xb8;
	[tilespmem:$0x18080] =	vst v63  }
0x17a: {  	_ = 	snop  }
0x17b: {  	[tilespmem:s14], [sflag:$0x1] =	stream.indirect_vreg.gather [hbm4b:s6+s18], $0x80, v3, vm0, $0xb8;
	[tilespmem:$0x18080] =	vst v63  }
0x17c: {  	s22 =	simm.s32 $0x0  }
0x17d: {  	[tilespmem:s15], [sflag:$0x1] =	stream.indirect_vreg.gather [hbm4b:s7+s18], $0x80, v3, vm0, $0xb8;
	[tilespmem:$0x18080] =	vst v63  }
0x17e: {  	s19 =	smul.u32 $0x1800, s22;
	_ =	swait.ge [sflag:s16], $0xC000  }
0x17f: {  	s20 =	sand.u32 $0x380, s18;
	[sflag:s16] =	ssyncset.done $0x0  }
0x180: {  	s19 =	sor.u32 s20, s19;
	[sflag:s16] =	ssyncadd.s32 $0xFFFF4000  }
0x181: {  	v12 =	vld [tilespmem:s19+$0x80]  }
0x182: {  	v13 =	vld [tilespmem:s19+$0x90]  }
0x183: {  	v14 =	vld [tilespmem:s19+$0xA0]  }
0x184: {  	v15 =	vld [tilespmem:s19+$0xB0]  }
0x185: {  	v16 =	vld [tilespmem:s19+$0xC0]  }
0x186: {  	v17 =	vld [tilespmem:s19+$0xD0]  }
0x187: {  	v18 =	vld [tilespmem:s19+$0xE0]  }
0x188: {  	v19 =	vld [tilespmem:s19+$0xF0]  }
0x189: {  	v20 =	vld [tilespmem:s19+$0x480]  }
0x18a: {  	v21 =	vld [tilespmem:s19+$0x490]  }
0x18b: {  	v22 =	vld [tilespmem:s19+$0x4A0]  }
0x18c: {  	v23 =	vld [tilespmem:s19+$0x4B0]  }
0x18d: {  	v24 =	vld [tilespmem:s19+$0x4C0]  }
0x18e: {  	v25 =	vld [tilespmem:s19+$0x4D0]  }
0x18f: {  	v26 =	vld [tilespmem:s19+$0x4E0]  }
0x190: {  	v27 =	vld [tilespmem:s19+$0x4F0]  }
0x191: {  	v28 =	vld [tilespmem:s19+$0x880]  }
0x192: {  	v29 =	vld [tilespmem:s19+$0x890]  }
0x193: {  	v30 =	vld [tilespmem:s19+$0x8A0]  }
0x194: {  	v31 =	vld [tilespmem:s19+$0x8B0]  }
0x195: {  	v32 =	vld [tilespmem:s19+$0x8C0]  }
0x196: {  	v33 =	vld [tilespmem:s19+$0x8D0]  }
0x197: {  	v34 =	vld [tilespmem:s19+$0x8E0]  }
0x198: {  	v35 =	vld [tilespmem:s19+$0x8F0]  }
0x199: {  	v36 =	vld [tilespmem:s19+$0xC80]  }
0x19a: {  	v37 =	vld [tilespmem:s19+$0xC90]  }
0x19b: {  	v38 =	vld [tilespmem:s19+$0xCA0]  }
0x19c: {  	v39 =	vld [tilespmem:s19+$0xCB0]  }
0x19d: {  	v40 =	vld [tilespmem:s19+$0xCC0]  }
0x19e: {  	v41 =	vld [tilespmem:s19+$0xCD0]  }
0x19f: {  	v42 =	vld [tilespmem:s19+$0xCE0]  }
0x1a0: {  	v43 =	vld [tilespmem:s19+$0xCF0]  }
0x1a1: {  	v44 =	vld [tilespmem:s19+$0x1080]  }
0x1a2: {  	v45 =	vld [tilespmem:s19+$0x1090]  }
0x1a3: {  	v46 =	vld [tilespmem:s19+$0x10A0]  }
0x1a4: {  	v47 =	vld [tilespmem:s19+$0x10B0]  }
0x1a5: {  	v48 =	vld [tilespmem:s19+$0x10C0]  }
0x1a6: {  	v49 =	vld [tilespmem:s19+$0x10D0]  }
0x1a7: {  	v50 =	vld [tilespmem:s19+$0x10E0]  }
0x1a8: {  	v11 =	vld [tilespmem:s19+$0x10F0]  }
0x1a9: {  	v10 =	vld [tilespmem:s19+$0x1480]  }
0x1aa: {  	v9 =	vld [tilespmem:s19+$0x1490]  }
0x1ab: {  	v8 =	vld [tilespmem:s19+$0x14A0]  }
0x1ac: {  	v7 =	vld [tilespmem:s19+$0x14B0]  }
0x1ad: {  	v6 =	vld [tilespmem:s19+$0x14C0]  }
0x1ae: {  	v51 =	vld [tilespmem:s19+$0xC080]  }
0x1af: {  	v52 =	vld [tilespmem:s19+$0xC090]  }
0x1b0: {  	v53 =	vld [tilespmem:s19+$0xC0A0]  }
0x1b1: {  	v54 =	vld [tilespmem:s19+$0xC0B0]  }
0x1b2: {  	v55 =	vld [tilespmem:s19+$0xC0C0]  }
0x1b3: {  	v62 =	vld [tilespmem:s19+$0xC0D0];
	v12 =	vadd.f32 v12, v51  }
0x1b4: {  	v63 =	vld [tilespmem:s19+$0xC0E0];
	v13 =	vadd.f32 v13, v52  }
0x1b5: {  	[tilespmem:s19+$0xC080] =	vst v12;
	v12 =	vadd.f32 v14, v53;
	v14 =	vld [tilespmem:s19+$0xC0F0]  }
0x1b6: {  	[tilespmem:s19+$0xC090] =	vst v13;
	v13 =	vadd.f32 v15, v54;
	v15 =	vld [tilespmem:s19+$0xC480]  }
0x1b7: {  	[tilespmem:s19+$0xC0A0] =	vst v12;
	v12 =	vadd.f32 v16, v55;
	v16 =	vld [tilespmem:s19+$0xC490]  }
0x1b8: {  	[tilespmem:s19+$0xC0B0] =	vst v13;
	v13 =	vadd.f32 v17, v62;
	v17 =	vld [tilespmem:s19+$0xC4A0]  }
0x1b9: {  	v5 =	vld [tilespmem:s19+$0x14D0]  }
0x1ba: {  	[tilespmem:s19+$0xC0C0] =	vst v12;
	v12 =	vadd.f32 v18, v63;
	v18 =	vld [tilespmem:s19+$0xC4F0]  }
0x1bb: {  	[tilespmem:s19+$0xC0D0] =	vst v13;
	v13 =	vadd.f32 v19, v14;
	v14 =	vld [tilespmem:s19+$0xC4B0]  }
0x1bc: {  	[tilespmem:s19+$0xC0E0] =	vst v12;
	v12 =	vadd.f32 v20, v15;
	v15 =	vld [tilespmem:s19+$0xC4C0]  }
0x1bd: {  	[tilespmem:s19+$0xC0F0] =	vst v13;
	v13 =	vadd.f32 v21, v16;
	v16 =	vadd.f32 v22, v17;
	v17 =	vld [tilespmem:s19+$0xC4E0]  }
0x1be: {  	[tilespmem:s19+$0xC480] =	vst v12;
	v12 =	vld [tilespmem:s19+$0xC4D0]  }
0x1bf: {  	[tilespmem:s19+$0xC490] =	vst v13;
	v13 =	vld [tilespmem:s19+$0xC880];
	v18 =	vadd.f32 v27, v18  }
0x1c0: {  	[tilespmem:s19+$0xC4A0] =	vst v16;
	v16 =	vld [tilespmem:s19+$0xC890];
	v14 =	vadd.f32 v23, v14  }
0x1c1: {  	v4 =	vld [tilespmem:s19+$0x14E0];
	v15 =	vadd.f32 v24, v15;
	[tilespmem:s19+$0xC4F0] =	vst v18  }
0x1c2: {  	[tilespmem:s19+$0xC4B0] =	vst v14;
	v14 =	vld [tilespmem:s19+$0xC8A0];
	v17 =	vadd.f32 v26, v17  }
0x1c3: {  	v12 =	vadd.f32 v25, v12;
	[tilespmem:s19+$0xC4C0] =	vst v15;
	v15 =	vld [tilespmem:s19+$0xC8B0]  }
0x1c4: {  	v18 =	vld [tilespmem:s19+$0xC8F0];
	[tilespmem:s19+$0xC4E0] =	vst v17;
	v13 =	vadd.f32 v28, v13  }
0x1c5: {  	v16 =	vadd.f32 v29, v16;
	[tilespmem:s19+$0xC4D0] =	vst v12;
	v12 =	vld [tilespmem:s19+$0xC8C0]  }
0x1c6: {  	v17 =	vld [tilespmem:s19+$0xC8D0];
	[tilespmem:s19+$0xC880] =	vst v13  }
0x1c7: {  	[tilespmem:s19+$0xC890] =	vst v16;
	v16 =	vld [tilespmem:s19+$0xC8E0];
	v13 =	vadd.f32 v30, v14  }
0x1c8: {  	v14 =	vld [tilespmem:s19+$0xCC80];
	v15 =	vadd.f32 v31, v15  }
0x1c9: {  	[tilespmem:s19+$0xC8A0] =	vst v13;
	v13 =	vld [tilespmem:s19+$0xCC90]  }
0x1ca: {  	v12 =	vadd.f32 v32, v12;
	[tilespmem:s19+$0xC8B0] =	vst v15;
	v15 =	vld [tilespmem:s19+$0xCCA0]  }
0x1cb: {  	v3 =	vld [tilespmem:s19+$0x14F0];
	v17 =	vadd.f32 v33, v17  }
0x1cc: {  	v16 =	vadd.f32 v34, v16;
	[tilespmem:s19+$0xC8C0] =	vst v12;
	v12 =	vld [tilespmem:s19+$0xCCB0]  }
0x1cd: {  	[tilespmem:s19+$0xC8D0] =	vst v17;
	v17 =	vld [tilespmem:s19+$0xCCC0];
	v14 =	vadd.f32 v36, v14  }
0x1ce: {  	v18 =	vadd.f32 v35, v18;
	[tilespmem:s19+$0xC8E0] =	vst v16;
	v16 =	vld [tilespmem:s19+$0xCCD0]  }
0x1cf: {  	v13 =	vadd.f32 v37, v13;
	[tilespmem:s19+$0xCC80] =	vst v14;
	v14 =	vadd.f32 v38, v15;
	v15 =	vld [tilespmem:s19+$0xCCE0]  }
0x1d0: {  	[tilespmem:s19+$0xC8F0] =	vst v18;
	v18 =	vld [tilespmem:s19+$0xCCF0]  }
0x1d1: {  	[tilespmem:s19+$0xCC90] =	vst v13;
	v13 =	vld [tilespmem:s19+$0xD080];
	v12 =	vadd.f32 v39, v12  }
0x1d2: {  	v17 =	vadd.f32 v40, v17;
	[tilespmem:s19+$0xCCA0] =	vst v14;
	v14 =	vld [tilespmem:s19+$0xD090]  }
0x1d3: {  	v16 =	vadd.f32 v41, v16;
	[tilespmem:s19+$0xCCB0] =	vst v12;
	v12 =	vld [tilespmem:s19+$0xD0A0]  }
0x1d4: {  	[tilespmem:s19+$0xCCC0] =	vst v17;
	v17 =	vld [tilespmem:s19+$0xD0B0];
	v15 =	vadd.f32 v42, v15  }
0x1d5: {  	v19 =	vld [tilespmem:s19+$0xD0C0];
	[tilespmem:s19+$0xCCD0] =	vst v16;
	v16 =	vadd.f32 v43, v18  }
0x1d6: {  	v18 =	vld [tilespmem:s19+$0xD0D0];
	v13 =	vadd.f32 v44, v13;
	[tilespmem:s19+$0xCCE0] =	vst v15  }
0x1d7: {  	v20 =	vld [tilespmem:s19+$0xD0E0];
	[tilespmem:s19+$0xCCF0] =	vst v16;
	v14 =	vadd.f32 v45, v14  }
0x1d8: {  	v16 =	vld [tilespmem:s19+$0xD0F0];
	[tilespmem:s19+$0xD080] =	vst v13;
	v12 =	vadd.f32 v46, v12  }
0x1d9: {  	v15 =	vld [tilespmem:s19+$0xD480];
	v13 =	vadd.f32 v47, v17;
	[tilespmem:s19+$0xD090] =	vst v14  }
0x1da: {  	v14 =	vld [tilespmem:s19+$0xD490];
	[tilespmem:s19+$0xD0A0] =	vst v12;
	v12 =	vadd.f32 v48, v19  }
0x1db: {  	[tilespmem:s19+$0xD0B0] =	vst v13;
	v13 =	vld [tilespmem:s19+$0xD4A0];
	v18 =	vadd.f32 v49, v18  }
0x1dc: {  	s20 =	simm.s32 $0x1;
	v17 =	vadd.f32 v50, v20;
	[tilespmem:s19+$0xD0C0] =	vst v12;
	v12 =	vld [tilespmem:s19+$0xD4B0]  }
.LBB2_4:
0x1dd: {  	s21 =	sshrl.u32 s20, $0x3;
	p0 =	sne.s32 s20, $0x3F;
	[tilespmem:s19+$0xD0D0] =	vst v18;
	v11 =	vadd.f32 v11, v16;
	v16 =	vld [tilespmem:s19+$0xD4C0]  }
0x1de: {  	s18 =	sadd.s32 $0x80, s18;
	s21 =	smul.u32 $0x1800, s21;
	[tilespmem:s19+$0xD0E0] =	vst v17;
	v10 =	vadd.f32 v10, v15;
	v15 =	vld [tilespmem:s19+$0xD4D0]  }
0x1df: {  	s22 =	sand.u32 $0x380, s18;
	[tilespmem:s19+$0xD0F0] =	vst v11;
	v9 =	vadd.f32 v9, v14;
	v11 =	vld [tilespmem:s19+$0xD4E0]  }
0x1e0: {  	s21 =	sor.u32 s22, s21;
	[tilespmem:s19+$0xD480] =	vst v10;
	v8 =	vadd.f32 v8, v13;
	v10 =	vld [tilespmem:s19+$0xD4F0]  }
0x1e1: {  	v39 =	vld [tilespmem:s21+$0x80];
	[tilespmem:s19+$0xD490] =	vst v9;
	v7 =	vadd.f32 v7, v12  }
0x1e2: {  	v40 =	vld [tilespmem:s21+$0x90];
	[tilespmem:s19+$0xD4A0] =	vst v8;
	v6 =	vadd.f32 v6, v16  }
0x1e3: {  	v41 =	vld [tilespmem:s21+$0xA0];
	[tilespmem:s19+$0xD4B0] =	vst v7;
	v5 =	vadd.f32 v5, v15  }
0x1e4: {  	v42 =	vld [tilespmem:s21+$0xB0];
	[tilespmem:s19+$0xD4C0] =	vst v6;
	v4 =	vadd.f32 v4, v11  }
0x1e5: {  	v43 =	vld [tilespmem:s21+$0xC0];
	[tilespmem:s19+$0xD4D0] =	vst v5;
	v3 =	vadd.f32 v3, v10  }
0x1e6: {  	v44 =	vld [tilespmem:s21+$0xD0];
	[tilespmem:s19+$0xD4E0] =	vst v4  }
0x1e7: {  	v45 =	vld [tilespmem:s21+$0xE0];
	[tilespmem:s19+$0xD4F0] =	vst v3;
	s19 =	smov.u32 s21  }
0x1e8: {  	v46 =	vld [tilespmem:s19+$0xF0]  }
0x1e9: {  	v47 =	vld [tilespmem:s19+$0x480]  }
0x1ea: {  	v48 =	vld [tilespmem:s19+$0x490]  }
0x1eb: {  	v49 =	vld [tilespmem:s19+$0x4A0]  }
0x1ec: {  	v50 =	vld [tilespmem:s19+$0x4B0]  }
0x1ed: {  	v38 =	vld [tilespmem:s19+$0x4C0]  }
0x1ee: {  	v37 =	vld [tilespmem:s19+$0x4D0]  }
0x1ef: {  	v36 =	vld [tilespmem:s19+$0x4E0]  }
0x1f0: {  	v35 =	vld [tilespmem:s19+$0x4F0]  }
0x1f1: {  	v34 =	vld [tilespmem:s19+$0x880]  }
0x1f2: {  	v33 =	vld [tilespmem:s19+$0x890]  }
0x1f3: {  	v32 =	vld [tilespmem:s19+$0x8A0]  }
0x1f4: {  	v31 =	vld [tilespmem:s19+$0x8B0]  }
0x1f5: {  	v30 =	vld [tilespmem:s19+$0x8C0]  }
0x1f6: {  	v29 =	vld [tilespmem:s19+$0x8D0]  }
0x1f7: {  	v28 =	vld [tilespmem:s19+$0x8E0]  }
0x1f8: {  	v27 =	vld [tilespmem:s19+$0x8F0]  }
0x1f9: {  	v26 =	vld [tilespmem:s19+$0xC80]  }
0x1fa: {  	v25 =	vld [tilespmem:s19+$0xC90]  }
0x1fb: {  	v24 =	vld [tilespmem:s19+$0xCA0]  }
0x1fc: {  	v23 =	vld [tilespmem:s19+$0xCB0]  }
0x1fd: {  	v22 =	vld [tilespmem:s19+$0xCC0]  }
0x1fe: {  	v21 =	vld [tilespmem:s19+$0xCD0]  }
0x1ff: {  	v20 =	vld [tilespmem:s19+$0xCE0]  }
0x200: {  	v19 =	vld [tilespmem:s19+$0xCF0]  }
0x201: {  	v18 =	vld [tilespmem:s19+$0x1080]  }
0x202: {  	v17 =	vld [tilespmem:s19+$0x1090]  }
0x203: {  	v16 =	vld [tilespmem:s19+$0x10A0]  }
0x204: {  	v15 =	vld [tilespmem:s19+$0x10B0]  }
0x205: {  	v14 =	vld [tilespmem:s19+$0x10C0]  }
0x206: {  	v13 =	vld [tilespmem:s19+$0x10D0]  }
0x207: {  	v12 =	vld [tilespmem:s19+$0x10E0]  }
0x208: {  	v11 =	vld [tilespmem:s19+$0x10F0]  }
0x209: {  	v10 =	vld [tilespmem:s19+$0x1480]  }
0x20a: {  	v9 =	vld [tilespmem:s19+$0x1490]  }
0x20b: {  	v8 =	vld [tilespmem:s19+$0x14A0]  }
0x20c: {  	v7 =	vld [tilespmem:s19+$0x14B0]  }
0x20d: {  	v6 =	vld [tilespmem:s19+$0x14C0]  }
0x20e: {  	v5 =	vld [tilespmem:s19+$0x14D0]  }
0x20f: {  	v4 =	vld [tilespmem:s19+$0x14E0]  }
0x210: {  	v3 =	vld [tilespmem:s19+$0x14F0]  }
0x211: {  	v51 =	vld [tilespmem:s19+$0xC080]  }
0x212: {  	v52 =	vld [tilespmem:s19+$0xC090]  }
0x213: {  	v53 =	vld [tilespmem:s19+$0xC0A0]  }
0x214: {  	v54 =	vld [tilespmem:s19+$0xC0B0]  }
0x215: {  	v55 =	vld [tilespmem:s19+$0xC0C0]  }
0x216: {  	v39 =	vadd.f32 v39, v51;
	v51 =	vld [tilespmem:s19+$0xC0D0]  }
0x217: {  	v40 =	vadd.f32 v40, v52;
	v52 =	vld [tilespmem:s19+$0xC0E0]  }
0x218: {  	[tilespmem:s19+$0xC080] =	vst v39;
	v39 =	vadd.f32 v41, v53;
	v41 =	vld [tilespmem:s19+$0xC0F0]  }
0x219: {  	[tilespmem:s19+$0xC090] =	vst v40;
	v40 =	vadd.f32 v42, v54;
	v42 =	vld [tilespmem:s19+$0xC480]  }
0x21a: {  	[tilespmem:s19+$0xC0A0] =	vst v39;
	v39 =	vadd.f32 v43, v55;
	v43 =	vld [tilespmem:s19+$0xC490]  }
0x21b: {  	[tilespmem:s19+$0xC0B0] =	vst v40;
	v40 =	vadd.f32 v44, v51;
	v44 =	vld [tilespmem:s19+$0xC4A0]  }
0x21c: {  	[tilespmem:s19+$0xC0C0] =	vst v39;
	v39 =	vadd.f32 v45, v52;
	v45 =	vld [tilespmem:s19+$0xC4B0]  }
0x21d: {  	[tilespmem:s19+$0xC0D0] =	vst v40;
	v40 =	vadd.f32 v46, v41;
	v41 =	vld [tilespmem:s19+$0xC4C0]  }
0x21e: {  	[tilespmem:s19+$0xC0E0] =	vst v39;
	v39 =	vadd.f32 v47, v42;
	v42 =	vld [tilespmem:s19+$0xC4D0]  }
0x21f: {  	[tilespmem:s19+$0xC0F0] =	vst v40;
	v40 =	vadd.f32 v48, v43;
	v43 =	vld [tilespmem:s19+$0xC4E0]  }
0x220: {  	[tilespmem:s19+$0xC480] =	vst v39;
	v39 =	vadd.f32 v49, v44;
	v44 =	vld [tilespmem:s19+$0xC4F0]  }
0x221: {  	[tilespmem:s19+$0xC490] =	vst v40;
	v40 =	vadd.f32 v50, v45;
	v45 =	vld [tilespmem:s19+$0xC880]  }
0x222: {  	[tilespmem:s19+$0xC4A0] =	vst v39;
	v38 =	vadd.f32 v38, v41;
	v39 =	vld [tilespmem:s19+$0xC890]  }
0x223: {  	[tilespmem:s19+$0xC4B0] =	vst v40;
	v37 =	vadd.f32 v37, v42;
	v40 =	vld [tilespmem:s19+$0xC8A0]  }
0x224: {  	[tilespmem:s19+$0xC4C0] =	vst v38;
	v36 =	vadd.f32 v36, v43;
	v38 =	vld [tilespmem:s19+$0xC8B0]  }
0x225: {  	[tilespmem:s19+$0xC4D0] =	vst v37;
	v35 =	vadd.f32 v35, v44;
	v37 =	vld [tilespmem:s19+$0xC8C0]  }
0x226: {  	[tilespmem:s19+$0xC4E0] =	vst v36;
	v34 =	vadd.f32 v34, v45;
	v36 =	vld [tilespmem:s19+$0xC8D0]  }
0x227: {  	[tilespmem:s19+$0xC4F0] =	vst v35;
	v33 =	vadd.f32 v33, v39;
	v35 =	vld [tilespmem:s19+$0xC8E0]  }
0x228: {  	[tilespmem:s19+$0xC880] =	vst v34;
	v32 =	vadd.f32 v32, v40;
	v34 =	vld [tilespmem:s19+$0xC8F0]  }
0x229: {  	[tilespmem:s19+$0xC890] =	vst v33;
	v31 =	vadd.f32 v31, v38;
	v33 =	vld [tilespmem:s19+$0xCC80]  }
0x22a: {  	[tilespmem:s19+$0xC8A0] =	vst v32;
	v30 =	vadd.f32 v30, v37;
	v32 =	vld [tilespmem:s19+$0xCC90]  }
0x22b: {  	[tilespmem:s19+$0xC8B0] =	vst v31;
	v29 =	vadd.f32 v29, v36;
	v31 =	vld [tilespmem:s19+$0xCCA0]  }
0x22c: {  	[tilespmem:s19+$0xC8C0] =	vst v30;
	v28 =	vadd.f32 v28, v35;
	v30 =	vld [tilespmem:s19+$0xCCB0]  }
0x22d: {  	[tilespmem:s19+$0xC8D0] =	vst v29;
	v27 =	vadd.f32 v27, v34;
	v29 =	vld [tilespmem:s19+$0xCCC0]  }
0x22e: {  	[tilespmem:s19+$0xC8E0] =	vst v28;
	v26 =	vadd.f32 v26, v33;
	v28 =	vld [tilespmem:s19+$0xCCD0]  }
0x22f: {  	[tilespmem:s19+$0xC8F0] =	vst v27;
	v25 =	vadd.f32 v25, v32;
	v27 =	vld [tilespmem:s19+$0xCCE0]  }
0x230: {  	[tilespmem:s19+$0xCC80] =	vst v26;
	v24 =	vadd.f32 v24, v31;
	v26 =	vld [tilespmem:s19+$0xCCF0]  }
0x231: {  	[tilespmem:s19+$0xCC90] =	vst v25;
	v23 =	vadd.f32 v23, v30;
	v25 =	vld [tilespmem:s19+$0xD080]  }
0x232: {  	[tilespmem:s19+$0xCCA0] =	vst v24;
	v22 =	vadd.f32 v22, v29;
	v24 =	vld [tilespmem:s19+$0xD090]  }
0x233: {  	[tilespmem:s19+$0xCCB0] =	vst v23;
	v21 =	vadd.f32 v21, v28;
	v23 =	vld [tilespmem:s19+$0xD0A0]  }
0x234: {  	[tilespmem:s19+$0xCCC0] =	vst v22;
	v20 =	vadd.f32 v20, v27;
	v22 =	vld [tilespmem:s19+$0xD0B0]  }
0x235: {  	[tilespmem:s19+$0xCCD0] =	vst v21;
	v19 =	vadd.f32 v19, v26;
	v21 =	vld [tilespmem:s19+$0xD0C0]  }
0x236: {  	[tilespmem:s19+$0xCCE0] =	vst v20;
	v18 =	vadd.f32 v18, v25;
	v20 =	vld [tilespmem:s19+$0xD0D0]  }
0x237: {  	[tilespmem:s19+$0xCCF0] =	vst v19;
	v17 =	vadd.f32 v17, v24;
	v19 =	vld [tilespmem:s19+$0xD0E0]  }
.Ltmp1:
0x238: {  	[tilespmem:s19+$0xD080] =	vst v18;
	v18 =	vadd.f32 v16, v23;
	v16 =	vld [tilespmem:s19+$0xD0F0];
	(pc) =	sbr.rel @p0 .LBB2_4-.Ltmp1, $4  }
0x239: {  	[tilespmem:s19+$0xD090] =	vst v17;
	v17 =	vadd.f32 v15, v22;
	v15 =	vld [tilespmem:s19+$0xD480]  }
0x23a: {  	[tilespmem:s19+$0xD0A0] =	vst v18;
	v21 =	vadd.f32 v14, v21;
	v14 =	vld [tilespmem:s19+$0xD490]  }
0x23b: {  	[tilespmem:s19+$0xD0B0] =	vst v17;
	v18 =	vadd.f32 v13, v20;
	v13 =	vld [tilespmem:s19+$0xD4A0]  }
0x23c: {  	s20 =	sadd.s32 $0x1, s20;
	[tilespmem:s19+$0xD0C0] =	vst v21;
	v17 =	vadd.f32 v12, v19;
	v12 =	vld [tilespmem:s19+$0xD4B0]  }
0x23d: {  	[tilespmem:s19+$0xD0D0] =	vst v18;
	v60 =	vld [tilespmem:s19+$0xD4C0];
	v11 =	vadd.f32 v11, v16  }
0x23e: {  	v61 =	vld [tilespmem:s19+$0xD4D0];
	[tilespmem:s19+$0xD0E0] =	vst v17;
	v10 =	vadd.f32 v10, v15  }
0x23f: {  	v62 =	vld [tilespmem:s19+$0xD4E0];
	[tilespmem:s19+$0xD0F0] =	vst v11;
	v9 =	vadd.f32 v9, v14  }
0x240: {  	v63 =	vld [tilespmem:s19+$0xD4F0];
	[tilespmem:s19+$0xD480] =	vst v10;
	v8 =	vadd.f32 v8, v13  }
0x241: {  	[tilespmem:s19+$0xD490] =	vst v9;
	v7 =	vadd.f32 v7, v12  }
0x242: {  	[tilespmem:s19+$0xD4A0] =	vst v8;
	v6 =	vadd.f32 v6, v60  }
0x243: {  	v5 =	vadd.f32 v5, v61;
	[tilespmem:s19+$0xD4B0] =	vst v7  }
0x244: {  	v4 =	vadd.f32 v4, v62;
	[tilespmem:s19+$0xD4C0] =	vst v6  }
0x245: {  	s17 =	sadd.s32 $0x1, s17;
	v3 =	vadd.f32 v3, v63;
	[tilespmem:s19+$0xD4D0] =	vst v5  }
0x246: {  	p0 =	sne.s32 s17, s10;
	[tilespmem:s19+$0xD4E0] =	vst v4  }
.Ltmp2:
0x247: {  	s18 =	simm.s32 $0xC080;
	[tilespmem:s19+$0xD4F0] =	vst v3;
	(pc) =	sbr.rel @p0 .LBB2_1-.Ltmp2, $4  }
0x248: {  	[hbm4b:s9+s2] =	stream.linear.scatter [tilespmem:s18], [sflag:$0x2], $0xC000, $0x38;
	[tilespmem:$0x18080] =	vst v63  }
0x249: {  	_ =	swait.ge [sflag:s12], $0xC000  }
0x24a: {  	[sflag:s12] =	ssyncset.done $0x0  }
0x24b: {  	[sflag:s12] =	ssyncadd.s32 $0xFFFF4000  }
0x24c: {  	_ =	sfence.sel $0x180000  }
0x24d: {  	[bflag:$0x0] =	sbarrier.arrive $0xFFFF  }
0x24e: {  	_ =	strace $0x9000004A  }
0x24f: {  	s0 =	stileid.u32;
	[bflag:$0x2] =	sbarrier.arrive $0xFFFF  }
0x250: {  	p0 =	sne.s32 s0, $0x0;
	s0 =	rddreg [dreg:$0x2]  }
0x251: {  	s0 =	sadd.s32 @!p0 $0x100000, s0  }
0x252: {  	[sflag:s0] =	ssyncadd.tile.s32 @!p0 $0x1;
	_ =	shalt  }
.Lfunc_end2:
_tile_overlayer_lowered:
.L_overlay_start_2:
0x253: {  	(tag) =	ssettag $0x2  }
0x254: {  	s0 =	rddreg [dreg:$0x0];
	s2 =	stileid.u32  }
0x255: {  	s1 =	rddreg [dreg:$0x1];
	p0 =	sne.s32 s2, $0x0  }
0x256: {  	s3 =	rddreg [dreg:$0x2];
	[bflag:$0x3] =	sbarrier.arrive $0xFFFF;
	s2 =	simm.s32 @!p0 $0x1C02  }
0x257: {  	[timem:s3], [sflag:s2] =	dma.local @!p0 [hbm:s0], s1  }
0x258: {  	s0 =	simm.s32 @!p0 $0x2  }
0x259: {  	_ =	swait.ge @!p0 [sflag:s0], s1  }
0x25a: {  	s1 =	ssub.s32 @!p0 $0x0, s1;
	[sflag:s0] =	ssyncset.done @!p0 $0x0  }
0x25b: {  	[sflag:s0] =	ssyncadd.s32 @!p0 s1  }
0x25c: {  	[bflag:$0x3] =	sbarrier.arrive $0xFFFF  }
0x25d: {  	_ =	shalt  }

// kernel: kernel.7.cloned.1.call-start
scs
__scs_entry_jumppad:
0x0: {  	(pc) =	sbr.rel $0x88, $3  }
0x1: {  	(tag) =	ssettag $0x0;
	lr =	simm.s32 $0x1  }
0x2: {  	[smem:$0x3F9A] =	sst lr;
	_ =	strace $0xD0000000  }
0x3: {  	_ = 	snop  }
0x4: {  	_ = 	snop  }
0x5: {  	_ = 	snop  }
0x6: {  	_ = 	snop  }
0x7: {  	_ = 	snop  }
__scs_overlays_trampoline_lowered:
0x8: {  	[smem:$0x3FA9] =	sst s0  }
0x9: {  	[smem:$0x3FAA] =	sst s1  }
0xa: {  	[smem:$0x3FAB] =	sst s2  }
0xb: {  	[smem:$0x3FAC] =	sst s3  }
0xc: {  	[smem:$0x3FAD] =	sst s4  }
0xd: {  	[smem:$0x3FAE] =	sst s5  }
0xe: {  	[smem:$0x3FAF] =	sst s6  }
0xf: {  	[smem:$0x3FB0] =	sst s7  }
0x10: {  	[smem:$0x3FB1] =	sst s8  }
0x11: {  	[smem:$0x3FB2] =	sst s9;
	s0 =	simm.s32 @!p0 $0x0  }
0x12: {  	s1 =	sld [smem:$0x3F98];
	s0 =	simm.s32 @p0 $0x1  }
0x13: {  	[smem:$0x3FB3] =	sst s0;
	s0 =	simm.s32 @!p1 $0x0  }
0x14: {  	s2 =	sld [smem:$0x3F97];
	s0 =	simm.s32 @p1 $0x1  }
0x15: {  	[smem:$0x3FB4] =	sst s0;
	s0 =	simm.s32 @!p2 $0x0  }
0x16: {  	s3 =	sld [smem:$0x3FDB];
	s0 =	simm.s32 @p2 $0x1  }
0x17: {  	s4 =	simm.s32 $0x1BF5;
	[smem:$0x3FB6] =	sst s0  }
0x18: {  	s0 =	sld [smem:$0x3F99];
	_ =	swait.ge [sflag:s4], $0x0  }
0x19: {  	s7 =	sld [smem:$0x3F9A]  }
0x1a: {  	s8 =	sadd.s32 $0xFFFFE003, lr  }
0x1b: {  	s9 =	sadd.s32 $0xFFFFFEF7, lr;
	s5 =	simm.s32 $0xFFFFFFFF;
	p2 =	slt.u32 s8, $0xFFFFF086  }
0x1c: {  	p1 =	slt.u32 s9, $0xF7A;
	s5 =	simm.s32 @!p2 $0x0  }
0x1d: {  	s5 =	simm.s32 @p1 $0x1;
	p0 =	seq.s32 s7, s2  }
0x1e: {  	s7 =	smul.u32 @!p0 $0xF7A, s2;
	p2 =	seq.s32 @!p0 s5, $0x0  }
0x1f: {  	s9 =	smul.u32 $0xF7A, s1;
	s8 =	simm.s32 @!p0 $0x1BF5;
	p2 =	por !p2, p0  }
0x20: {  	[sflag:s8] =	ssyncset.s32 @!p0 $0xFFFFF086;
	s6 =	sadd.s32 @!p0 s3, s7;
	s7 =	simm.s32 @!p0 $0x108  }
0x21: {  	s3 =	sadd.s32 s3, s9;
	s6 =	sadd.s32 @!p0 $0x88, s6;
	s7 =	simm.s32 @p2 $0x1082  }
0x22: {  	[simem:s7], [sflag:s8] =	dma.local @!p0 [hbm:s6], $0xF7A  }
0x23: {  	s9 =	sor.u32 $0xD0000000, s2;
	s6 =	simm.s32 $0x108;
	_ =	swait.ge @!p0 [sflag:s8], $0x0  }
0x24: {  	s3 =	sadd.s32 $0x88, s3;
	s6 =	simm.s32 @!p1 $0x1082;
	[sflag:s4] =	ssyncset.s32 $0xFFFFF086  }
0x25: {  	[simem:s6], [sflag:s4] =	dma.local [hbm:s3], $0xF7A  }
0x26: {  	[smem:$0x3F9A] =	sst s1;
	(tag) =	ssettag s2;
	_ =	strace s9  }
0x27: {  	s1 =	sld [smem:$0x3FAA]  }
0x28: {  	s2 =	sld [smem:$0x3FAB]  }
0x29: {  	s4 =	sld [smem:$0x3FAD]  }
0x2a: {  	p0 =	seq.s32 s5, $0x0;
	s5 =	sld [smem:$0x3FAE]  }
0x2b: {  	s6 =	sld [smem:$0x3FAF]  }
0x2c: {  	s7 =	sld [smem:$0x3FB0]  }
0x2d: {  	s3 =	simm.s32 $0x108;
	s8 =	sld [smem:$0x3FB1]  }
0x2e: {  	s3 =	simm.s32 @!p0 $0x1082;
	s9 =	sld [smem:$0x3FB2]  }
0x2f: {  	lr =	sadd.s32 s0, s3;
	s0 =	sld [smem:$0x3FA9]  }
0x30: {  	s3 =	sld [smem:$0x3FAC]  }
0x31: {  	[smem:$0x3FB5] =	sst s10  }
0x32: {  	s10 =	sld [smem:$0x3FB3];
	_ =	sdelay $0x3  }
0x33: {  	p0 =	seq.s32 s10, $0x1;
	s10 =	sld [smem:$0x3FB5];
	_ =	sdelay $0x3  }
0x34: {  	[smem:$0x3FB5] =	sst s10  }
0x35: {  	s10 =	sld [smem:$0x3FB4];
	_ =	sdelay $0x3  }
0x36: {  	p1 =	seq.s32 s10, $0x1;
	s10 =	sld [smem:$0x3FB5];
	_ =	sdelay $0x3  }
0x37: {  	[smem:$0x3FB5] =	sst s10  }
0x38: {  	s10 =	sld [smem:$0x3FB6]  }
0x39: {  	_ = 	snop;
	(pc) =	sbr.ind lr, $3  }
0x3a: {  	_ = 	snop  }
0x3b: {  	_ = 	snop  }
0x3c: {  	p2 =	seq.s32 s10, $0x1;
	s10 =	sld [smem:$0x3FB5]  }
0x3d: {  	_ =	shalt  }
0x3e: {  	_ =	shalt  }
0x3f: {  	_ =	shalt  }
0x40: {  	_ =	shalt  }
0x41: {  	_ =	shalt  }
0x42: {  	_ =	shalt  }
0x43: {  	_ =	shalt  }
0x44: {  	_ =	shalt  }
0x45: {  	_ =	shalt  }
0x46: {  	_ =	shalt  }
0x47: {  	_ =	shalt  }
0x48: {  	_ =	shalt  }
0x49: {  	_ =	shalt  }
0x4a: {  	_ =	shalt  }
0x4b: {  	_ =	shalt  }
0x4c: {  	_ =	shalt  }
0x4d: {  	_ =	shalt  }
0x4e: {  	_ =	shalt  }
0x4f: {  	_ =	shalt  }
0x50: {  	_ =	shalt  }
0x51: {  	_ =	shalt  }
0x52: {  	_ =	shalt  }
0x53: {  	_ =	shalt  }
0x54: {  	_ =	shalt  }
0x55: {  	_ =	shalt  }
0x56: {  	_ =	shalt  }
0x57: {  	_ =	shalt  }
0x58: {  	_ =	shalt  }
0x59: {  	_ =	shalt  }
0x5a: {  	_ =	shalt  }
0x5b: {  	_ =	shalt  }
0x5c: {  	_ =	shalt  }
0x5d: {  	_ =	shalt  }
0x5e: {  	_ =	shalt  }
0x5f: {  	_ =	shalt  }
0x60: {  	_ =	shalt  }
0x61: {  	_ =	shalt  }
0x62: {  	_ =	shalt  }
0x63: {  	_ =	shalt  }
0x64: {  	_ =	shalt  }
0x65: {  	_ =	shalt  }
0x66: {  	_ =	shalt  }
0x67: {  	_ =	shalt  }
0x68: {  	_ =	shalt  }
0x69: {  	_ =	shalt  }
0x6a: {  	_ =	shalt  }
0x6b: {  	_ =	shalt  }
0x6c: {  	_ =	shalt  }
0x6d: {  	_ =	shalt  }
0x6e: {  	_ =	shalt  }
0x6f: {  	_ =	shalt  }
0x70: {  	_ =	shalt  }
0x71: {  	_ =	shalt  }
0x72: {  	_ =	shalt  }
0x73: {  	_ =	shalt  }
0x74: {  	_ =	shalt  }
0x75: {  	_ =	shalt  }
0x76: {  	_ =	shalt  }
0x77: {  	_ =	shalt  }
0x78: {  	_ =	shalt  }
0x79: {  	_ =	shalt  }
0x7a: {  	_ =	shalt  }
0x7b: {  	_ =	shalt  }
0x7c: {  	_ =	shalt  }
0x7d: {  	_ =	shalt  }
0x7e: {  	_ =	shalt  }
0x7f: {  	_ =	shalt  }
0x80: {  	_ =	shalt  }
0x81: {  	_ =	shalt  }
0x82: {  	_ =	shalt  }
0x83: {  	_ =	shalt  }
0x84: {  	_ =	shalt  }
0x85: {  	_ =	shalt  }
0x86: {  	_ =	shalt  }
0x87: {  	_ =	shalt  }
.Lfunc_end0:
.L_simem_size_0:
called_computation_lowered:
.L_overlay_start_0:
0x88: {  	s2 =	sld [smem:$0x3FD9]  }
0x89: {  	s3 =	sld [smem:$0x3FFE];
	_ =	sdelay $0x1  }
0x8a: {  	s1 =	srdreg.scid  }
0x8b: {  	s0 =	sand.u32 $0x1, s1  }
0x8c: {  	s17 =	sshll.u32 s0, $0xA;
	s2 =	sadd.s32 s3, s2  }
0x8d: {  	s2 =	sadd.s32 s2, s17  }
0x8e: {  	[smem:$0x3FC1] =	sst s2  }
0x8f: {  	_ = 	snop  }
0x90: {  	s2 =	sld [smem:$0x3FC9]  }
0x91: {  	s18 =	sld [smem:$0x3FD0];
	(tm) =	ssettm $0x1  }
0x92: {  	s4 =	sld [smem:$0x3FFB];
	_ =	sdelay $0x3  }
0x93: {  	_ =	strace s4  }
0x94: {  	s4 =	sld [smem:$0x3FFC];
	_ =	sdelay $0x3  }
0x95: {  	_ =	strace s4  }
0x96: {  	s4 =	sld [smem:$0x3FFD];
	_ =	sdelay $0x3  }
0x97: {  	_ =	strace s4  }
0x98: {  	_ =	strace $0x8FFFFFFF  }
0x99: {  	s19 =	sld [smem:$0x3FDB];
	_ =	sdelay $0x1  }
0x9a: {  	s5 =	simm.s32 $_scs_section_size  }
0x9b: {  	s6 =	simm.s32 $_size__tile_overlayer_lowered;
	s7 =	simm.s32 $_tile_overlayer_lowered  }
0x9c: {  	s22 =	simm.s32 $0x1BFF;
	s21 =	sshll.u32 s7, $0x1;
	s4 =	sadd.s32 s5, s19  }
0x9d: {  	s8 =	simm.s32 $0x0;
	s20 =	sshll.u32 s6, $0x1;
	s6 =	sadd.s32 s21, s4  }
0x9e: {  	[timem:s8], [sflag:s22] =	dma.local [hbm:s6], s20  }
0x9f: {  	_ =	swait.ge [sflag:s22], s20  }
0xa0: {  	s5 =	ssub.s32 $0x0, s20;
	[sflag:s22] =	ssyncset.done $0x0  }
0xa1: {  	[sflag:s22] =	ssyncadd.s32 s5;
	_ =	sdelay $0x1  }
0xa2: {  	s23 =	simm.s32 $0x1B8B  }
0xa3: {  	_ =	swait.ge [sflag:s23], $0x1  }
0xa4: {  	[sflag:s23] =	ssyncset.done $0x0  }
0xa5: {  	s25 =	simm.s32 $0x1B8E;
	s24 =	sld [smem:$0x3FFE];
	[sflag:s23] =	ssyncadd.s32 $0xFFFFFFFF  }
0xa6: {  	s26 =	simm.s32 $execute0_lowered;
	[smem:$0x3FD2] =	sst s25  }
0xa7: {  	s6 =	sshll.u32 s26, $0x1;
	_ =	strace $0x80000046;
	[dreg:$0x1] =	wrdreg $0xFFFFFFFF  }
0xa8: {  	s28 =	simm.s32 $_size_execute0_lowered;
	s4 =	sadd.s32 s4, s6;
	[dreg:$0x0] =	wrdreg $0x0  }
0xa9: {  	s6 =	sshll.u32 s28, $0x1;
	[dreg:$0x2] =	wrdreg s4  }
0xaa: {  	[dreg:$0x3] =	wrdreg s6  }
0xab: {  	[dreg:$0x4] =	wrdreg $0xC0  }
0xac: {  	_ =	task [dreg:s8], $0x5FFFF  }
0xad: {  	[dreg:$0x1] =	wrdreg $0xFFFFFFFF  }
0xae: {  	[dreg:$0x0] =	wrdreg $0x60  }
0xaf: {  	[dreg:$0x2] =	wrdreg s2  }
0xb0: {  	[dreg:$0x3] =	wrdreg s24  }
0xb1: {  	[dreg:$0x4] =	wrdreg s18  }
0xb2: {  	[dreg:$0x5] =	wrdreg $0x9  }
0xb3: {  	_ =	task.clear_ibuf [dreg:s8], $0x6FFFF;
	_ =	strace $0x90000046  }
0xb4: {  	s29 =	simm.s32 $0x9;
	_ =	strace $0x80000048  }
0xb5: {  	_ =	swait.ge [sflag:s29], $0x1  }
0xb6: {  	[sflag:s29] =	ssyncadd.s32 $0xFFFFFFFF  }
0xb7: {  	_ =	strace $0x90000048  }
0xb8: {  	_ =	sfence  }
0xb9: {  	s30 =	sld [smem:$0x0];
	_ =	sdelay $0x2  }
0xba: {  	s31 =	sshll.u32 s1, $0xD;
	s1 =	sshrl.u32 s1, $0x2  }
0xbb: {  	s3 =	sand.u32 $0x4000, s31;
	s1 =	sadd.s32 s1, s30  }
0xbc: {  	s0 =	sor.u32 s3, s0;
	s1 =	sshll.u32 s1, $0x11  }
0xbd: {  	s0 =	sor.u32 s1, s0  }
0xbe: {  	s0 =	sadd.s32 $0x8F2B, s0  }
0xbf: {  	[sflag:s0] =	ssyncadd.remote.s32 $0x1  }
0xc0: {  	_ =	sfence.sel $0xFFFF  }
0xc1: {  	[dreg:$0x0] =	wrdreg $0xFFFFFFFF;
	(pc) =	sbr.abs _section_cstart, $3  }
0xc2: {  	[dreg:$0x1] =	wrdreg $0xFFFFFFFF  }
0xc3: {  	_ =	task.clear_ibuf [dreg:s8], $0x2FFFF;
	_ =	strace $0x9FFFFFFF  }
0xc4: {  	(tm) =	ssettm $0x7FFFFFFF  }
0xc5: {  	_ =	shalt  }
tec
execute0_lowered:
.L_overlay_start_1:
0x0: {  	(tag) =	ssettag $0x1  }
0x1: {  	s0 =	srdreg.scid;
	s1 =	rddreg [dreg:$0x0]  }
0x2: {  	s3 =	stileid.u32;
	s2 =	rddreg [dreg:$0x1]  }
0x3: {  	s9 =	simm.s32 $0x2;
	s10 =	simm.s32 $0x80;
	s14 =	simm.s32 $0x880  }
0x4: {  	s15 =	simm.s32 $0x1080;
	s16 =	simm.s32 $0x1880;
	s17 =	simm.s32 $0x2080  }
0x5: {  	s18 =	simm.s32 $0x2880;
	s19 =	simm.s32 $0x3080;
	s20 =	simm.s32 $0x3880  }
0x6: {  	s21 =	simm.s32 $0x4080;
	s28 =	simm.s32 $0x7080;
	s29 =	simm.s32 $0x7880  }
0x7: {  	s30 =	simm.s32 $0x8080;
	s31 =	simm.s32 $0x8880;
	s0 =	sand.u32 $0x1, s0  }
0x8: {  	s11 =	simm.s32 $0xA080;
	s3 =	sshll.u32 s3, $0x7;
	s4 =	sshll.u32 s0, $0x6  }
0x9: {  	s0 =	ssub.s32 $0x2, s0;
	s4 =	sor.u32 s4, s3;
	s3 =	simm.s32 $0x0  }
0xa: {  	s22 =	sshrl.u32 s0, $0x1;
	s5 =	sshrl.u32 s4, $0x3;
	[smem:$0x7FF] =	sst s3  }
0xb: {  	s4 =	sshll.u32 s4, $0x4;
	s0 =	ssub.s32 s0, s22;
	s22 =	simm.s32 $0x4880  }
0xc: {  	s6 =	smul.u32 $0x300, s5;
	_ =	strace $0x80000047;
	s7 =	sadd.s32 s5, s2  }
0xd: {  	s8 =	sadd.s32 s4, s2;
	s4 =	sadd.s32 $0x12E00, s2;
	s23 =	sadd.s32 $0x12C00, s7  }
0xe: {  	s5 =	sadd.s32 $0x12F00, s2;
	s24 =	sadd.s32 $0x2A00, s8;
	[dreg:$0x5] =	wrdreg s23  }
0xf: {  	s25 =	sadd.s32 $0x12A00, s7;
	s26 =	sadd.s32 $0xAA00, s8;
	[dreg:$0x6] =	wrdreg s24  }
0x10: {  	s7 =	smax.u32 s0, $0x1;
	s8 =	simm.s32 $0xA880;
	[dreg:$0x7] =	wrdreg s25  }
0x11: {  	v2 =	vlaneseq.u32;
	s1 =	sadd.s32 s1, s6;
	s6 =	sadd.s32 $0x13000, s2;
	[dreg:$0x8] =	wrdreg s26  }
0x12: {  	vm0 =	vmmov $0xffff;
	v1 =	vshrl.u32 v2, $0x3;
	s2 =	simm.s32 $0x1;
	s23 =	simm.s32 $0x5080;
	s24 =	simm.s32 $0x5880  }
0x13: {  	v0 =	vand.u32 $0x7, v2;
	v2 =	vor.u32 $0x8, v2;
	v1 =	vmul.u32 $0x8, v1;
	s25 =	simm.s32 $0x6080;
	s26 =	simm.s32 $0x6880;
	[dreg:$0x4] =	wrdreg s1  }
.LBB2_1:
0x14: {  	s12 =	rddreg [dreg:$0x4]  }
0x15: {  	[tilespmem:s10], [sflag:$0x2] =	stream.linear.gather [hbm4b:s12+s3], $0xC000, $0x38;
	[tilespmem:$0xE080] =	vst v63  }
0x16: {  	_ =	swait.ge [sflag:s9], $0xC000  }
0x17: {  	[sflag:s9] =	ssyncset.done $0x0  }
0x18: {  	s1 =	rddreg [dreg:$0x5];
	[sflag:s9] =	ssyncadd.s32 $0xFFFF4000  }
0x19: {  	[tilespmem:s3], [sflag:$0x2] =	stream.linear.gather [hbm4b:s1+s3], $0x40, $0x38;
	[tilespmem:$0xE080] =	vst v63  }
0x1a: {  	_ =	swait.ge [sflag:s9], $0x40  }
0x1b: {  	[sflag:s9] =	ssyncset.done $0x0  }
0x1c: {  	[sflag:s9] =	ssyncadd.s32 $0xFFFFFFC0  }
0x1d: {  	v3 =	vld [tilespmem:$0x0];
	_ =	sdelay $0x4  }
0x1e: {  	v4 =	vshrl.u32 v3, $0x3  }
0x1f: {  	v4 =	vmul.u32 $0x30, v4  }
0x20: {  	v3 =	vand.u32 $0x7, v3  }
0x21: {  	v3 =	vor.u32 v3, v4  }
0x22: {  	v4 =	vperm.xlane v3, v0;
	_ =	sdelay $0x1  }
0x23: {  	v4 =	vadd.s32 v1, v4;
	_ =	sdelay $0x3  }
0x24: {  	v3 =	vperm.xlane v3, v2  }
0x25: {  	[hbm4b:s4+s3] =	stream.indirect_vreg.scatter [tilespmem:s10], [sflag:$0x1], $0x80, v4, vm0, $0xb8;
	[tilespmem:$0xE080] =	vst v63  }
0x26: {  	v3 =	vadd.s32 v1, v3  }
0x27: {  	[hbm4b:s5+s3] =	stream.indirect_vreg.scatter [tilespmem:s14], [sflag:$0x1], $0x80, v4, vm0, $0xb8;
	[tilespmem:$0xE080] =	vst v63  }
0x28: {  	_ = 	snop  }
0x29: {  	[hbm4b:s6+s3] =	stream.indirect_vreg.scatter [tilespmem:s15], [sflag:$0x1], $0x80, v4, vm0, $0xb8;
	[tilespmem:$0xE080] =	vst v63  }
0x2a: {  	_ = 	snop  }
0x2b: {  	[hbm4b:s4+s3] =	stream.indirect_vreg.scatter [tilespmem:s16], [sflag:$0x1], $0x80, v3, vm0, $0xb8;
	[tilespmem:$0xE080] =	vst v63  }
0x2c: {  	_ = 	snop  }
0x2d: {  	[hbm4b:s5+s3] =	stream.indirect_vreg.scatter [tilespmem:s17], [sflag:$0x1], $0x80, v3, vm0, $0xb8;
	[tilespmem:$0xE080] =	vst v63  }
0x2e: {  	_ = 	snop  }
0x2f: {  	[hbm4b:s6+s3] =	stream.indirect_vreg.scatter [tilespmem:s18], [sflag:$0x1], $0x80, v3, vm0, $0xb8;
	[tilespmem:$0xE080] =	vst v63  }
0x30: {  	v3 =	vld [tilespmem:$0x10];
	_ =	sdelay $0x4  }
0x31: {  	v57 =	vshrl.u32 v3, $0x3  }
0x32: {  	v4 =	vmul.u32 $0x30, v57  }
0x33: {  	v3 =	vand.u32 $0x7, v3  }
0x34: {  	v3 =	vor.u32 v3, v4  }
0x35: {  	v4 =	vperm.xlane v3, v0;
	_ =	sdelay $0x1  }
0x36: {  	v4 =	vadd.s32 v1, v4;
	_ =	sdelay $0x3  }
0x37: {  	v3 =	vperm.xlane v3, v2  }
0x38: {  	[hbm4b:s4+s3] =	stream.indirect_vreg.scatter [tilespmem:s19], [sflag:$0x1], $0x80, v4, vm0, $0xb8;
	[tilespmem:$0xE080] =	vst v63  }
0x39: {  	v3 =	vadd.s32 v1, v3  }
0x3a: {  	[hbm4b:s5+s3] =	stream.indirect_vreg.scatter [tilespmem:s20], [sflag:$0x1], $0x80, v4, vm0, $0xb8;
	[tilespmem:$0xE080] =	vst v63  }
0x3b: {  	_ = 	snop  }
0x3c: {  	[hbm4b:s6+s3] =	stream.indirect_vreg.scatter [tilespmem:s21], [sflag:$0x1], $0x80, v4, vm0, $0xb8;
	[tilespmem:$0xE080] =	vst v63  }
0x3d: {  	_ = 	snop  }
0x3e: {  	[hbm4b:s4+s3] =	stream.indirect_vreg.scatter [tilespmem:s22], [sflag:$0x1], $0x80, v3, vm0, $0xb8;
	[tilespmem:$0xE080] =	vst v63  }
0x3f: {  	_ = 	snop  }
0x40: {  	[hbm4b:s5+s3] =	stream.indirect_vreg.scatter [tilespmem:s23], [sflag:$0x1], $0x80, v3, vm0, $0xb8;
	[tilespmem:$0xE080] =	vst v63  }
0x41: {  	_ = 	snop  }
0x42: {  	[hbm4b:s6+s3] =	stream.indirect_vreg.scatter [tilespmem:s24], [sflag:$0x1], $0x80, v3, vm0, $0xb8;
	[tilespmem:$0xE080] =	vst v63  }
0x43: {  	v3 =	vld [tilespmem:$0x20];
	_ =	sdelay $0x4  }
0x44: {  	v58 =	vshrl.u32 v3, $0x3  }
0x45: {  	v4 =	vmul.u32 $0x30, v58  }
0x46: {  	v3 =	vand.u32 $0x7, v3  }
0x47: {  	v3 =	vor.u32 v3, v4  }
0x48: {  	v4 =	vperm.xlane v3, v0;
	_ =	sdelay $0x1  }
0x49: {  	v4 =	vadd.s32 v1, v4;
	_ =	sdelay $0x3  }
0x4a: {  	v3 =	vperm.xlane v3, v2  }
0x4b: {  	[hbm4b:s4+s3] =	stream.indirect_vreg.scatter [tilespmem:s25], [sflag:$0x1], $0x80, v4, vm0, $0xb8;
	[tilespmem:$0xE080] =	vst v63  }
0x4c: {  	v3 =	vadd.s32 v1, v3  }
0x4d: {  	[hbm4b:s5+s3] =	stream.indirect_vreg.scatter [tilespmem:s26], [sflag:$0x1], $0x80, v4, vm0, $0xb8;
	[tilespmem:$0xE080] =	vst v63  }
0x4e: {  	_ = 	snop  }
0x4f: {  	[hbm4b:s6+s3] =	stream.indirect_vreg.scatter [tilespmem:s28], [sflag:$0x1], $0x80, v4, vm0, $0xb8;
	[tilespmem:$0xE080] =	vst v63  }
0x50: {  	_ = 	snop  }
0x51: {  	[hbm4b:s4+s3] =	stream.indirect_vreg.scatter [tilespmem:s29], [sflag:$0x1], $0x80, v3, vm0, $0xb8;
	[tilespmem:$0xE080] =	vst v63  }
0x52: {  	_ = 	snop  }
0x53: {  	[hbm4b:s5+s3] =	stream.indirect_vreg.scatter [tilespmem:s30], [sflag:$0x1], $0x80, v3, vm0, $0xb8;
	[tilespmem:$0xE080] =	vst v63  }
0x54: {  	_ = 	snop  }
0x55: {  	[hbm4b:s6+s3] =	stream.indirect_vreg.scatter [tilespmem:s31], [sflag:$0x1], $0x80, v3, vm0, $0xb8;
	[tilespmem:$0xE080] =	vst v63  }
0x56: {  	v3 =	vld [tilespmem:$0x30];
	_ =	sdelay $0x4  }
0x57: {  	v59 =	vshrl.u32 v3, $0x3  }
0x58: {  	v4 =	vmul.u32 $0x30, v59  }
0x59: {  	v3 =	vand.u32 $0x7, v3  }
0x5a: {  	v3 =	vor.u32 v3, v4  }
0x5b: {  	v4 =	vperm.xlane v3, v0;
	_ =	sdelay $0x1  }
0x5c: {  	v4 =	vadd.s32 v1, v4;
	_ =	sdelay $0x3  }
0x5d: {  	s1 =	simm.s32 $0x9080;
	v3 =	vperm.xlane v3, v2  }
0x5e: {  	[hbm4b:s4+s3] =	stream.indirect_vreg.scatter [tilespmem:s1], [sflag:$0x1], $0x80, v4, vm0, $0xb8;
	[tilespmem:$0xE080] =	vst v63  }
0x5f: {  	s0 =	simm.s32 $0x9880;
	v3 =	vadd.s32 v1, v3  }
0x60: {  	[hbm4b:s5+s3] =	stream.indirect_vreg.scatter [tilespmem:s0], [sflag:$0x1], $0x80, v4, vm0, $0xb8;
	[tilespmem:$0xE080] =	vst v63  }
0x61: {  	_ = 	snop  }
0x62: {  	[hbm4b:s6+s3] =	stream.indirect_vreg.scatter [tilespmem:s11], [sflag:$0x1], $0x80, v4, vm0, $0xb8;
	[tilespmem:$0xE080] =	vst v63  }
0x63: {  	_ = 	snop  }
0x64: {  	[hbm4b:s4+s3] =	stream.indirect_vreg.scatter [tilespmem:s8], [sflag:$0x1], $0x80, v3, vm0, $0xb8;
	[tilespmem:$0xE080] =	vst v63  }
0x65: {  	s13 =	simm.s32 $0xB080  }
0x66: {  	[hbm4b:s5+s3] =	stream.indirect_vreg.scatter [tilespmem:s13], [sflag:$0x1], $0x80, v3, vm0, $0xb8;
	[tilespmem:$0xE080] =	vst v63  }
0x67: {  	s12 =	simm.s32 $0xB880  }
0x68: {  	[hbm4b:s6+s3] =	stream.indirect_vreg.scatter [tilespmem:s12], [sflag:$0x1], $0x80, v3, vm0, $0xb8;
	[tilespmem:$0xE080] =	vst v63  }
0x69: {  	_ =	swait.ge [sflag:s2], $0xC000  }
0x6a: {  	[sflag:s2] =	ssyncset.done $0x0  }
0x6b: {  	s0 =	simm.s32 $0xC080;
	s13 =	rddreg [dreg:$0x6];
	[sflag:s2] =	ssyncadd.s32 $0xFFFF4000  }
0x6c: {  	[tilespmem:s0], [sflag:$0x2] =	stream.linear.gather [hbm4b:s13+s3], $0x2000, $0x38;
	[tilespmem:$0xE080] =	vst v63  }
0x6d: {  	_ =	swait.ge [sflag:s9], $0x2000  }
0x6e: {  	[sflag:s9] =	ssyncset.done $0x0  }
0x6f: {  	[sflag:s9] =	ssyncadd.s32 $0xFFFFE000  }
0x70: {  	s12 =	simm.s32 $0x40;
	s13 =	rddreg [dreg:$0x2]  }
0x71: {  	[hbm4b:s13+s12] =	stream.indirect.scatter [tilespmem:s0], [sflag:$0x1], $0x80, s3, s12, $0xb8;
	[tilespmem:$0xE080] =	vst v63  }
0x72: {  	_ =	swait.ge [sflag:s2], $0x2000  }
0x73: {  	[sflag:s2] =	ssyncset.done $0x0  }
0x74: {  	s12 =	rddreg [dreg:$0x7];
	[sflag:s2] =	ssyncadd.s32 $0xFFFFE000  }
0x75: {  	[tilespmem:s3], [sflag:$0x2] =	stream.linear.gather [hbm4b:s12+s3], $0x40, $0x38;
	[tilespmem:$0xE080] =	vst v63  }
0x76: {  	_ =	swait.ge [sflag:s9], $0x40  }
0x77: {  	[sflag:s9] =	ssyncset.done $0x0  }
0x78: {  	[sflag:s9] =	ssyncadd.s32 $0xFFFFFFC0  }
0x79: {  	v3 =	vld [tilespmem:$0x0];
	_ =	sdelay $0x4  }
0x7a: {  	v60 =	vshrl.u32 v3, $0x3  }
0x7b: {  	v4 =	vmul.u32 $0x30, v60  }
0x7c: {  	v3 =	vand.u32 $0x7, v3  }
0x7d: {  	v3 =	vor.u32 v3, v4  }
0x7e: {  	v4 =	vperm.xlane v3, v0;
	_ =	sdelay $0x1  }
0x7f: {  	v4 =	vadd.s32 v1, v4;
	_ =	sdelay $0x3  }
0x80: {  	v3 =	vperm.xlane v3, v2  }
0x81: {  	[hbm4b:s4+s3] =	stream.indirect_vreg.scatter [tilespmem:s10], [sflag:$0x1], $0x80, v4, vm0, $0xb8;
	[tilespmem:$0xE080] =	vst v63  }
0x82: {  	v3 =	vadd.s32 v1, v3  }
0x83: {  	[hbm4b:s5+s3] =	stream.indirect_vreg.scatter [tilespmem:s14], [sflag:$0x1], $0x80, v4, vm0, $0xb8;
	[tilespmem:$0xE080] =	vst v63  }
0x84: {  	_ = 	snop  }
0x85: {  	[hbm4b:s6+s3] =	stream.indirect_vreg.scatter [tilespmem:s15], [sflag:$0x1], $0x80, v4, vm0, $0xb8;
	[tilespmem:$0xE080] =	vst v63  }
0x86: {  	_ = 	snop  }
0x87: {  	[hbm4b:s4+s3] =	stream.indirect_vreg.scatter [tilespmem:s16], [sflag:$0x1], $0x80, v3, vm0, $0xb8;
	[tilespmem:$0xE080] =	vst v63  }
0x88: {  	_ = 	snop  }
0x89: {  	[hbm4b:s5+s3] =	stream.indirect_vreg.scatter [tilespmem:s17], [sflag:$0x1], $0x80, v3, vm0, $0xb8;
	[tilespmem:$0xE080] =	vst v63  }
0x8a: {  	_ = 	snop  }
0x8b: {  	[hbm4b:s6+s3] =	stream.indirect_vreg.scatter [tilespmem:s18], [sflag:$0x1], $0x80, v3, vm0, $0xb8;
	[tilespmem:$0xE080] =	vst v63  }
0x8c: {  	v3 =	vld [tilespmem:$0x10];
	_ =	sdelay $0x4  }
0x8d: {  	v61 =	vshrl.u32 v3, $0x3  }
0x8e: {  	v4 =	vmul.u32 $0x30, v61  }
0x8f: {  	v3 =	vand.u32 $0x7, v3  }
0x90: {  	v3 =	vor.u32 v3, v4  }
0x91: {  	v4 =	vperm.xlane v3, v0;
	_ =	sdelay $0x1  }
0x92: {  	v4 =	vadd.s32 v1, v4;
	_ =	sdelay $0x3  }
0x93: {  	v3 =	vperm.xlane v3, v2  }
0x94: {  	[hbm4b:s4+s3] =	stream.indirect_vreg.scatter [tilespmem:s19], [sflag:$0x1], $0x80, v4, vm0, $0xb8;
	[tilespmem:$0xE080] =	vst v63  }
0x95: {  	v3 =	vadd.s32 v1, v3  }
0x96: {  	[hbm4b:s5+s3] =	stream.indirect_vreg.scatter [tilespmem:s20], [sflag:$0x1], $0x80, v4, vm0, $0xb8;
	[tilespmem:$0xE080] =	vst v63  }
0x97: {  	_ = 	snop  }
0x98: {  	[hbm4b:s6+s3] =	stream.indirect_vreg.scatter [tilespmem:s21], [sflag:$0x1], $0x80, v4, vm0, $0xb8;
	[tilespmem:$0xE080] =	vst v63  }
0x99: {  	_ = 	snop  }
0x9a: {  	[hbm4b:s4+s3] =	stream.indirect_vreg.scatter [tilespmem:s22], [sflag:$0x1], $0x80, v3, vm0, $0xb8;
	[tilespmem:$0xE080] =	vst v63  }
0x9b: {  	_ = 	snop  }
0x9c: {  	[hbm4b:s5+s3] =	stream.indirect_vreg.scatter [tilespmem:s23], [sflag:$0x1], $0x80, v3, vm0, $0xb8;
	[tilespmem:$0xE080] =	vst v63  }
0x9d: {  	_ = 	snop  }
0x9e: {  	[hbm4b:s6+s3] =	stream.indirect_vreg.scatter [tilespmem:s24], [sflag:$0x1], $0x80, v3, vm0, $0xb8;
	[tilespmem:$0xE080] =	vst v63  }
0x9f: {  	v3 =	vld [tilespmem:$0x20];
	_ =	sdelay $0x4  }
0xa0: {  	v62 =	vshrl.u32 v3, $0x3  }
0xa1: {  	v4 =	vmul.u32 $0x30, v62  }
0xa2: {  	v3 =	vand.u32 $0x7, v3  }
0xa3: {  	v3 =	vor.u32 v3, v4  }
0xa4: {  	v4 =	vperm.xlane v3, v0;
	_ =	sdelay $0x1  }
0xa5: {  	v4 =	vadd.s32 v1, v4;
	_ =	sdelay $0x3  }
0xa6: {  	v3 =	vperm.xlane v3, v2  }
0xa7: {  	[hbm4b:s4+s3] =	stream.indirect_vreg.scatter [tilespmem:s25], [sflag:$0x1], $0x80, v4, vm0, $0xb8;
	[tilespmem:$0xE080] =	vst v63  }
0xa8: {  	v3 =	vadd.s32 v1, v3  }
0xa9: {  	[hbm4b:s5+s3] =	stream.indirect_vreg.scatter [tilespmem:s26], [sflag:$0x1], $0x80, v4, vm0, $0xb8;
	[tilespmem:$0xE080] =	vst v63  }
0xaa: {  	_ = 	snop  }
0xab: {  	[hbm4b:s6+s3] =	stream.indirect_vreg.scatter [tilespmem:s28], [sflag:$0x1], $0x80, v4, vm0, $0xb8;
	[tilespmem:$0xE080] =	vst v63  }
0xac: {  	_ = 	snop  }
0xad: {  	[hbm4b:s4+s3] =	stream.indirect_vreg.scatter [tilespmem:s29], [sflag:$0x1], $0x80, v3, vm0, $0xb8;
	[tilespmem:$0xE080] =	vst v63  }
0xae: {  	_ = 	snop  }
0xaf: {  	[hbm4b:s5+s3] =	stream.indirect_vreg.scatter [tilespmem:s30], [sflag:$0x1], $0x80, v3, vm0, $0xb8;
	[tilespmem:$0xE080] =	vst v63  }
0xb0: {  	_ = 	snop  }
0xb1: {  	[hbm4b:s6+s3] =	stream.indirect_vreg.scatter [tilespmem:s31], [sflag:$0x1], $0x80, v3, vm0, $0xb8;
	[tilespmem:$0xE080] =	vst v63  }
0xb2: {  	v3 =	vld [tilespmem:$0x30];
	_ =	sdelay $0x4  }
0xb3: {  	v63 =	vshrl.u32 v3, $0x3  }
0xb4: {  	v4 =	vmul.u32 $0x30, v63  }
0xb5: {  	v3 =	vand.u32 $0x7, v3  }
0xb6: {  	v3 =	vor.u32 v3, v4  }
0xb7: {  	v4 =	vperm.xlane v3, v0;
	_ =	sdelay $0x1  }
0xb8: {  	v4 =	vadd.s32 v1, v4;
	_ =	sdelay $0x3  }
0xb9: {  	v3 =	vperm.xlane v3, v2  }
0xba: {  	[hbm4b:s4+s3] =	stream.indirect_vreg.scatter [tilespmem:s1], [sflag:$0x1], $0x80, v4, vm0, $0xb8;
	[tilespmem:$0xE080] =	vst v63  }
0xbb: {  	s12 =	simm.s32 $0x9880;
	v3 =	vadd.s32 v1, v3  }
0xbc: {  	[hbm4b:s5+s3] =	stream.indirect_vreg.scatter [tilespmem:s12], [sflag:$0x1], $0x80, v4, vm0, $0xb8;
	[tilespmem:$0xE080] =	vst v63  }
0xbd: {  	_ = 	snop  }
0xbe: {  	[hbm4b:s6+s3] =	stream.indirect_vreg.scatter [tilespmem:s11], [sflag:$0x1], $0x80, v4, vm0, $0xb8;
	[tilespmem:$0xE080] =	vst v63  }
0xbf: {  	_ = 	snop  }
0xc0: {  	[hbm4b:s4+s3] =	stream.indirect_vreg.scatter [tilespmem:s8], [sflag:$0x1], $0x80, v3, vm0, $0xb8;
	[tilespmem:$0xE080] =	vst v63  }
0xc1: {  	s12 =	simm.s32 $0xB080  }
0xc2: {  	[hbm4b:s5+s3] =	stream.indirect_vreg.scatter [tilespmem:s12], [sflag:$0x1], $0x80, v3, vm0, $0xb8;
	[tilespmem:$0xE080] =	vst v63  }
0xc3: {  	s12 =	simm.s32 $0xB880  }
0xc4: {  	[hbm4b:s6+s3] =	stream.indirect_vreg.scatter [tilespmem:s12], [sflag:$0x1], $0x80, v3, vm0, $0xb8;
	[tilespmem:$0xE080] =	vst v63  }
0xc5: {  	_ =	swait.ge [sflag:s2], $0xC000  }
0xc6: {  	[sflag:s2] =	ssyncset.done $0x0  }
0xc7: {  	s1 =	rddreg [dreg:$0x8];
	[sflag:s2] =	ssyncadd.s32 $0xFFFF4000  }
0xc8: {  	[tilespmem:s0], [sflag:$0x2] =	stream.linear.gather [hbm4b:s1+s3], $0x2000, $0x38;
	[tilespmem:$0xE080] =	vst v63  }
0xc9: {  	_ =	swait.ge [sflag:s9], $0x2000  }
0xca: {  	p0 =	sne.s32 s7, $0x1;
	[sflag:s9] =	ssyncset.done $0x0  }
.Ltmp0:
0xcb: {  	s12 =	simm.s32 $0x40;
	[sflag:s9] =	ssyncadd.s32 $0xFFFFE000;
	(pc) =	sbr.rel @p0 .LBB2_1-.Ltmp0, $4  }
0xcc: {  	[hbm4b:s13+s12] =	stream.indirect.scatter [tilespmem:s0], [sflag:$0x1], $0x80, s3, s12, $0xb8;
	[tilespmem:$0xE080] =	vst v63  }
0xcd: {  	_ =	swait.ge [sflag:s2], $0x2000  }
0xce: {  	[sflag:s2] =	ssyncset.done $0x0  }
0xcf: {  	s7 =	sadd.s32 $0xFFFFFFFF, s7;
	[sflag:s2] =	ssyncadd.s32 $0xFFFFE000  }
0xd0: {  	_ =	sfence.sel $0x180000  }
0xd1: {  	[bflag:$0x0] =	sbarrier.arrive $0xFFFF  }
0xd2: {  	_ =	strace $0x90000047  }
0xd3: {  	s0 =	stileid.u32;
	[bflag:$0x2] =	sbarrier.arrive $0xFFFF  }
0xd4: {  	p0 =	sne.s32 s0, $0x0;
	s0 =	rddreg [dreg:$0x3]  }
0xd5: {  	s0 =	sadd.s32 @!p0 $0x100000, s0  }
0xd6: {  	[sflag:s0] =	ssyncadd.tile.s32 @!p0 $0x1;
	_ =	shalt  }
.Lfunc_end2:
_tile_overlayer_lowered:
.L_overlay_start_2:
0xd7: {  	(tag) =	ssettag $0x2  }
0xd8: {  	s0 =	rddreg [dreg:$0x0];
	s2 =	stileid.u32  }
0xd9: {  	s1 =	rddreg [dreg:$0x1];
	p0 =	sne.s32 s2, $0x0  }
0xda: {  	s3 =	rddreg [dreg:$0x2];
	[bflag:$0x3] =	sbarrier.arrive $0xFFFF;
	s2 =	simm.s32 @!p0 $0x1C02  }
0xdb: {  	[timem:s3], [sflag:s2] =	dma.local @!p0 [hbm:s0], s1  }
0xdc: {  	s0 =	simm.s32 @!p0 $0x2  }
0xdd: {  	_ =	swait.ge @!p0 [sflag:s0], s1  }
0xde: {  	s1 =	ssub.s32 @!p0 $0x0, s1;
	[sflag:s0] =	ssyncset.done @!p0 $0x0  }
0xdf: {  	[sflag:s0] =	ssyncadd.s32 @!p0 s1  }
0xe0: {  	[bflag:$0x3] =	sbarrier.arrive $0xFFFF  }
0xe1: {  	_ =	shalt  }

</sc_bundles>
